<compile_context>
chip_gen: v7x
topology: tpu7x:2x2x1
jax: 0.10.2.dev20260603
libtpu: 0.0.44.dev20260713+nightly
codegen_flags: <defaults>
</compile_context>

<pallas_src>
import functools

import jax
import jax.numpy as jnp
from jax import lax
from jax.experimental import pallas as pl
from jax.experimental.pallas import tpu as pltpu
from jax.experimental.pallas import tpu_sc as plsc

NUM_MODELS = 2
NUM_BOXES = 1000000
DIM = 32
BATCH = 4096

_INFO = plsc.get_sparse_core_info()
_NC = _INFO.num_cores
_NS = _INFO.num_subcores
_NW = _NC * _NS
_L = _INFO.num_lanes

_P = NUM_MODELS * DIM
_BS = 2560
_BT = BATCH - _BS
_TCB = 8
_BPW = _BS // _NW
_NSLOT = 6
_MAIN = (_BPW // _NSLOT) * _NSLOT

_GROUP_ROW0 = (0, 16, 64, 80)


def _sc_body(z_hbm, ld_hbm, idx_hbm, out_hbm, idx_v, zblk, lblk, obuf, *sems):
    semz = sems[:_NSLOT]
    seml = sems[_NSLOT:]
    wid = lax.axis_index("c") * _NS + lax.axis_index("s")
    b0 = wid * _BPW

    pltpu.sync_copy(idx_hbm.at[pl.ds(b0, _BPW)], idx_v.at[pl.ds(0, _BPW)])

    iota = lax.iota(jnp.int32, _L)

    def enqueue(box, slot):
        chunk = idx_v[pl.ds(box, _L)]
        c0 = pl.multiple_of((chunk[0] >> 7) << 7, 128)
        pltpu.async_copy(z_hbm.at[:, pl.ds(c0, 128)], zblk.at[slot], semz[slot])
        pltpu.async_copy(ld_hbm.at[:, pl.ds(c0, 128)], lblk.at[slot], seml[slot])

    def drain(slot):
        pltpu.make_async_copy(z_hbm.at[:, pl.ds(0, 128)],
                              zblk.at[slot], semz[slot]).wait()
        pltpu.make_async_copy(ld_hbm.at[:, pl.ds(0, 128)],
                              lblk.at[slot], seml[slot]).wait()

    def compute(box, slot):
        chunk = idx_v[pl.ds(box, _L)]
        col = jnp.full((_L,), chunk[0] & 127, jnp.int32)
        kk = jnp.full((_L,), slot, jnp.int32)
        jj = jnp.full((_L,), box, jnp.int32)
        for g in range(_P // _L):
            rows = iota + g * _L
            zv = plsc.load_gather(zblk, [kk, rows, col])
            lv = plsc.load_gather(lblk, [kk, rows, col])
            ev = zv + jnp.exp(lv)
            orow = iota + _GROUP_ROW0[g]
            plsc.store_scatter(obuf, [orow, jj], zv)
            plsc.store_scatter(obuf, [orow + DIM, jj], ev)

    for s in range(_NSLOT - 1):
        enqueue(s, s)

    def step(it, carry):
        for slot in range(_NSLOT):
            box = _NSLOT * it + slot

            @pl.when(box + _NSLOT - 1 < _BPW)
            def _(box=box, slot=slot):
                enqueue(box + _NSLOT - 1, (slot + _NSLOT - 1) % _NSLOT)

            drain(slot)
            compute(box, slot)
        return carry

    lax.fori_loop(0, _MAIN // _NSLOT, step, 0)

    for box in range(_MAIN, _BPW):
        drain(box % _NSLOT)
        compute(box, box % _NSLOT)

    pltpu.sync_copy(obuf, out_hbm.at[wid])


def _tc_body(win_ref, col_ref, *refs):
    z_refs = refs[:_TCB]
    l_refs = refs[_TCB:2 * _TCB]
    out_ref = refs[2 * _TCB]
    i = pl.program_id(0)
    cols = []
    for k in range(_TCB):
        c = col_ref[i * _TCB + k]
        sh = (128 - c) & 127
        zr = pltpu.roll(z_refs[k][...], sh, axis=1)
        lr = pltpu.roll(l_refs[k][...], sh, axis=1)
        zcol = zr[:, 0:1]
        scol = zcol + jnp.exp(lr[:, 0:1])
        cols.append(jnp.concatenate(
            [zcol[:DIM], scol[:DIM], zcol[DIM:], scol[DIM:]], axis=0))
    out_ref[...] = jnp.concatenate(cols, axis=1)[None]


def _win_spec(k):
    return pl.BlockSpec(
        (_P, 128), lambda i, win, col, k=k: (0, win[i * _TCB + k]))


@jax.jit
def kernel(z, logdelta, box_indices):
    zf = z.transpose(0, 2, 1).reshape(_P, NUM_BOXES)
    lf = logdelta.transpose(0, 2, 1).reshape(_P, NUM_BOXES)
    idx = box_indices.astype(jnp.int32)

    mesh = plsc.VectorSubcoreMesh(core_axis_name="c", subcore_axis_name="s")
    sc_out = pl.kernel(
        _sc_body,
        mesh=mesh,
        compiler_params=pltpu.CompilerParams(needs_layout_passes=False),
        out_type=jax.ShapeDtypeStruct((_NW, 2 * _P, _BPW), jnp.float32),
        scratch_types=[
            pltpu.VMEM((_BPW + _L,), jnp.int32),
            pltpu.VMEM((_NSLOT, _P, 128), jnp.float32),
            pltpu.VMEM((_NSLOT, _P, 128), jnp.float32),
            pltpu.VMEM((2 * _P, _BPW), jnp.float32),
        ] + [pltpu.SemaphoreType.DMA] * (2 * _NSLOT),
    )(zf, lf, idx[:_BS])

    idx_tc = idx[_BS:]
    tc_out = pl.pallas_call(
        _tc_body,
        grid_spec=pltpu.PrefetchScalarGridSpec(
            num_scalar_prefetch=2,
            grid=(_BT // _TCB,),
            in_specs=[_win_spec(k) for k in range(_TCB)] * 2,
            out_specs=pl.BlockSpec((1, 2 * _P, _TCB),
                                   lambda i, win, col: (i, 0, 0)),
        ),
        out_shape=jax.ShapeDtypeStruct((_BT // _TCB, 2 * _P, _TCB),
                                       jnp.float32),
    )(idx_tc >> 7, idx_tc & 127, *([zf] * _TCB), *([lf] * _TCB))

    sc2d = sc_out.transpose(1, 0, 2).reshape(2 * _P, _BS)
    tc2d = tc_out.transpose(1, 0, 2).reshape(2 * _P, _BT)
    out = jnp.concatenate([sc2d, tc2d], axis=1)
    return out.reshape(NUM_MODELS, 2, DIM, BATCH).transpose(0, 3, 1, 2)

# --- scband reference (transcript-rebuilt; emitter-appended) ---
"""Pipeline reference for scband-delta-boxes-58033598104160 (READ-ONLY COPY).

The authoritative reference and input builder live on the scoring server;
editing this copy changes nothing except your own understanding.
"""

import jax, jax.numpy as jnp
import numpy as np

NUM_MODELS = 2
NUM_BOXES = 1000000
DIM = 32
BATCH = 4096


def setup_inputs(seed: int = 0) -> dict:
    key = jax.random.key(seed)
    k1, k2, k3 = jax.random.split(key, 3)
    z = jax.random.uniform(k1, (NUM_MODELS, NUM_BOXES, DIM), dtype=jnp.float32)
    logdelta = jax.random.uniform(k2, (NUM_MODELS, NUM_BOXES, DIM), dtype=jnp.float32)
    box_indices = jax.random.randint(k3, (BATCH,), 0, NUM_BOXES, dtype=jnp.int64 if jax.config.jax_enable_x64 else jnp.int32)
    return {"z": z, "logdelta": logdelta, "box_indices": box_indices}


def reference(z, logdelta, box_indices):
    # z[:, box_indices] -> gather along box axis
    z_sel = jnp.take(z, box_indices, axis=1)            # (model, id, dim)
    ld_sel = jnp.take(logdelta, box_indices, axis=1)    # (model, id, dim)
    # stack min coord and max coord (z + exp(logdelta)) along new zZ axis
    out = jnp.stack((z_sel, z_sel + jnp.exp(ld_sel)), axis=2)  # (model, id, 2, dim)
    return out

if __name__ == "__main__":
    import jax
    _d = setup_inputs()
    print(jax.jit(kernel)(*tuple(_d.values())))

</pallas_src>

<mosaic_0001>
#map = affine_map<(d0, d1) -> (0, 0)>
#map1 = affine_map<(d0, d1) -> (0)>
#map2 = affine_map<(d0, d1) -> (0, 0, 0)>
module attributes {stable_mosaic.version = 14 : i64} {
  func.func @_sc_body(%arg0: i32, %arg1: i32, %arg2: memref<64x1000000xf32, #tpu.memory_space<hbm>>, %arg3: memref<64x1000000xf32, #tpu.memory_space<hbm>>, %arg4: memref<2560xi32, #tpu.memory_space<hbm>>, %arg5: memref<32x128x80xf32, #tpu.memory_space<hbm>>, %arg6: memref<96xi32, #tpu.memory_space<vmem>>, %arg7: memref<6x64x128xf32, #tpu.memory_space<vmem>>, %arg8: memref<6x64x128xf32, #tpu.memory_space<vmem>>, %arg9: memref<128x80xf32, #tpu.memory_space<vmem>>, %arg10: memref<!tpu.dma_semaphore, #tpu.memory_space<semaphore_mem>>, %arg11: memref<!tpu.dma_semaphore, #tpu.memory_space<semaphore_mem>>, %arg12: memref<!tpu.dma_semaphore, #tpu.memory_space<semaphore_mem>>, %arg13: memref<!tpu.dma_semaphore, #tpu.memory_space<semaphore_mem>>, %arg14: memref<!tpu.dma_semaphore, #tpu.memory_space<semaphore_mem>>, %arg15: memref<!tpu.dma_semaphore, #tpu.memory_space<semaphore_mem>>, %arg16: memref<!tpu.dma_semaphore, #tpu.memory_space<semaphore_mem>>, %arg17: memref<!tpu.dma_semaphore, #tpu.memory_space<semaphore_mem>>, %arg18: memref<!tpu.dma_semaphore, #tpu.memory_space<semaphore_mem>>, %arg19: memref<!tpu.dma_semaphore, #tpu.memory_space<semaphore_mem>>, %arg20: memref<!tpu.dma_semaphore, #tpu.memory_space<semaphore_mem>>, %arg21: memref<!tpu.dma_semaphore, #tpu.memory_space<semaphore_mem>>) attributes {dimension_semantics = [#tpu.dimension_semantics<core_parallel>, #tpu.dimension_semantics<subcore_parallel>], iteration_bounds = array<i64: 2, 16>, scalar_prefetch = 0 : i64, scratch_operands = 16 : i64, tpu.core_type = #tpu.core_type<sc_vector_subcore>, window_params = [{transform_indices = #map}, {transform_indices = #map}, {transform_indices = #map1}, {transform_indices = #map2}]} {
    %mul3A = arith.constant 16 : i32
    %mul3A_0 = arith.muli %arg0, %mul3A : i32
    %add3A = arith.addi %mul3A_0, %arg1 : i32
    %mul3A_1 = arith.constant 80 : i32
    %mul3A_2 = arith.muli %add3A, %mul3A_1 : i32
    "tpu.region"() ({
      %run_scoped3A = tpu.sem_alloc : memref<!tpu.dma_semaphore, #tpu.memory_space<semaphore_mem>>
      %dma_start3A_357 = arith.constant 0 : i32
      %dma_start3A_358 = tpu.memref_slice %arg6[%dma_start3A_357] : memref<96xi32, #tpu.memory_space<vmem>> -> memref<80xi32, #tpu.memory_space<vmem>>
      %dma_start3A_359 = tpu.memref_slice %arg4[%mul3A_2] : memref<2560xi32, #tpu.memory_space<hbm>> -> memref<80xi32, #tpu.memory_space<hbm>>
      %dma_start3A_360 = arith.constant 0 : i32
      %dma_start3A_361 = tpu.memref_slice %arg6[%dma_start3A_360] : memref<96xi32, #tpu.memory_space<vmem>> -> memref<80xi32, #tpu.memory_space<vmem>>
      %dma_start3A_362 = tpu.memref_slice %arg4[%mul3A_2] : memref<2560xi32, #tpu.memory_space<hbm>> -> memref<80xi32, #tpu.memory_space<hbm>>
      tpu.enqueue_dma source(%dma_start3A_362 : memref<80xi32, #tpu.memory_space<hbm>>) target(%dma_start3A_361 : memref<80xi32, #tpu.memory_space<vmem>>) target_semaphore(%run_scoped3A : memref<!tpu.dma_semaphore, #tpu.memory_space<semaphore_mem>>)
      %dma_wait3A_363 = arith.constant 0 : i32
      %dma_wait3A_364 = tpu.memref_slice %arg6[%dma_wait3A_363] : memref<96xi32, #tpu.memory_space<vmem>> -> memref<80xi32, #tpu.memory_space<vmem>>
      %dma_wait3A_365 = tpu.memref_slice %arg4[%mul3A_2] : memref<2560xi32, #tpu.memory_space<hbm>> -> memref<80xi32, #tpu.memory_space<hbm>>
      %dma_wait3A_366 = arith.constant 0 : i32
      %dma_wait3A_367 = tpu.memref_slice %arg6[%dma_wait3A_366] : memref<96xi32, #tpu.memory_space<vmem>> -> memref<80xi32, #tpu.memory_space<vmem>>
      %dma_wait3A_368 = tpu.memref_slice %arg4[%mul3A_2] : memref<2560xi32, #tpu.memory_space<hbm>> -> memref<80xi32, #tpu.memory_space<hbm>>
      tpu.wait_dma2 semaphore(%run_scoped3A : memref<!tpu.dma_semaphore, #tpu.memory_space<semaphore_mem>>) src(%dma_wait3A_368 : memref<80xi32, #tpu.memory_space<hbm>>) dst(%dma_wait3A_367 : memref<80xi32, #tpu.memory_space<vmem>>)
      tpu.yield
    }) : () -> ()
    %iota3A = tpu.iota {dimensions = array<i32: 0>} : vector<16xi32>
    %get3A = arith.constant 0 : index
    %get3A_3 = tpu.vector_load %arg6[%get3A] {strides = array<i32>} : memref<96xi32, #tpu.memory_space<vmem>>, vector<16xi32>,
    %slice3A = vector.extract_strided_slice %get3A_3 {offsets = [0], sizes = [1], strides = [1]} : vector<16xi32> to vector<1xi32>
    %squeeze3A = vector.extract %slice3A[0] : i32 from vector<1xi32>
    %shift_right_arithmetic3A = arith.constant 7 : i32
    %shift_right_arithmetic3A_4 = arith.shrsi %squeeze3A, %shift_right_arithmetic3A : i32
    %shift_left3A = arith.constant 7 : i32
    %shift_left3A_5 = arith.shli %shift_right_arithmetic3A_4, %shift_left3A : i32
    %multiple_of3A = tpu.assume_multiple %shift_left3A_5, 128 : i32
    %dma_start3A = arith.constant 0 : i32
    %dma_start3A_6 = arith.constant 0 : i32
    %dma_start3A_7 = arith.constant 0 : i32
    %dma_start3A_8 = tpu.memref_slice %arg7[%dma_start3A, %dma_start3A_6, %dma_start3A_7] : memref<6x64x128xf32, #tpu.memory_space<vmem>> -> memref<1x64x128xf32, #tpu.memory_space<vmem>>
    %dma_start3A_9 = tpu.memref_squeeze %dma_start3A_8 : memref<1x64x128xf32, #tpu.memory_space<vmem>> -> memref<64x128xf32, #tpu.memory_space<vmem>>
    %dma_start3A_10 = arith.constant 0 : i32
    %dma_start3A_11 = tpu.memref_slice %arg2[%dma_start3A_10, %multiple_of3A] : memref<64x1000000xf32, #tpu.memory_space<hbm>> -> memref<64x128xf32, #tpu.memory_space<hbm>>
    %dma_start3A_12 = arith.constant 0 : i32
    %dma_start3A_13 = arith.constant 0 : i32
    %dma_start3A_14 = tpu.memref_slice %arg7[%dma_start3A, %dma_start3A_12, %dma_start3A_13] : memref<6x64x128xf32, #tpu.memory_space<vmem>> -> memref<1x64x128xf32, #tpu.memory_space<vmem>>
    %dma_start3A_15 = tpu.memref_squeeze %dma_start3A_14 : memref<1x64x128xf32, #tpu.memory_space<vmem>> -> memref<64x128xf32, #tpu.memory_space<vmem>>
    %dma_start3A_16 = arith.constant 0 : i32
    %dma_start3A_17 = tpu.memref_slice %arg2[%dma_start3A_16, %multiple_of3A] : memref<64x1000000xf32, #tpu.memory_space<hbm>> -> memref<64x128xf32, #tpu.memory_space<hbm>>
    tpu.enqueue_dma source(%dma_start3A_17 : memref<64x128xf32, #tpu.memory_space<hbm>>) target(%dma_start3A_15 : memref<64x128xf32, #tpu.memory_space<vmem>>) target_semaphore(%arg10 : memref<!tpu.dma_semaphore, #tpu.memory_space<semaphore_mem>>)
    %dma_start3A_18 = arith.constant 0 : i32
    %dma_start3A_19 = arith.constant 0 : i32
    %dma_start3A_20 = arith.constant 0 : i32
    %dma_start3A_21 = tpu.memref_slice %arg8[%dma_start3A_18, %dma_start3A_19, %dma_start3A_20] : memref<6x64x128xf32, #tpu.memory_space<vmem>> -> memref<1x64x128xf32, #tpu.memory_space<vmem>>
    %dma_start3A_22 = tpu.memref_squeeze %dma_start3A_21 : memref<1x64x128xf32, #tpu.memory_space<vmem>> -> memref<64x128xf32, #tpu.memory_space<vmem>>
    %dma_start3A_23 = arith.constant 0 : i32
    %dma_start3A_24 = tpu.memref_slice %arg3[%dma_start3A_23, %multiple_of3A] : memref<64x1000000xf32, #tpu.memory_space<hbm>> -> memref<64x128xf32, #tpu.memory_space<hbm>>
    %dma_start3A_25 = arith.constant 0 : i32
    %dma_start3A_26 = arith.constant 0 : i32
    %dma_start3A_27 = tpu.memref_slice %arg8[%dma_start3A_18, %dma_start3A_25, %dma_start3A_26] : memref<6x64x128xf32, #tpu.memory_space<vmem>> -> memref<1x64x128xf32, #tpu.memory_space<vmem>>
    %dma_start3A_28 = tpu.memref_squeeze %dma_start3A_27 : memref<1x64x128xf32, #tpu.memory_space<vmem>> -> memref<64x128xf32, #tpu.memory_space<vmem>>
    %dma_start3A_29 = arith.constant 0 : i32
    %dma_start3A_30 = tpu.memref_slice %arg3[%dma_start3A_29, %multiple_of3A] : memref<64x1000000xf32, #tpu.memory_space<hbm>> -> memref<64x128xf32, #tpu.memory_space<hbm>>
    tpu.enqueue_dma source(%dma_start3A_30 : memref<64x128xf32, #tpu.memory_space<hbm>>) target(%dma_start3A_28 : memref<64x128xf32, #tpu.memory_space<vmem>>) target_semaphore(%arg16 : memref<!tpu.dma_semaphore, #tpu.memory_space<semaphore_mem>>)
    %get3A_31 = arith.constant 1 : index
    %get3A_32 = tpu.vector_load %arg6[%get3A_31] {strides = array<i32>} : memref<96xi32, #tpu.memory_space<vmem>>, vector<16xi32>,
    %slice3A_33 = vector.extract_strided_slice %get3A_32 {offsets = [0], sizes = [1], strides = [1]} : vector<16xi32> to vector<1xi32>
    %squeeze3A_34 = vector.extract %slice3A_33[0] : i32 from vector<1xi32>
    %shift_right_arithmetic3A_35 = arith.constant 7 : i32
    %shift_right_arithmetic3A_36 = arith.shrsi %squeeze3A_34, %shift_right_arithmetic3A_35 : i32
    %shift_left3A_37 = arith.constant 7 : i32
    %shift_left3A_38 = arith.shli %shift_right_arithmetic3A_36, %shift_left3A_37 : i32
    %multiple_of3A_39 = tpu.assume_multiple %shift_left3A_38, 128 : i32
    %dma_start3A_40 = arith.constant 1 : i32
    %dma_start3A_41 = arith.constant 0 : i32
    %dma_start3A_42 = arith.constant 0 : i32
    %dma_start3A_43 = tpu.memref_slice %arg7[%dma_start3A_40, %dma_start3A_41, %dma_start3A_42] : memref<6x64x128xf32, #tpu.memory_space<vmem>> -> memref<1x64x128xf32, #tpu.memory_space<vmem>>
    %dma_start3A_44 = tpu.memref_squeeze %dma_start3A_43 : memref<1x64x128xf32, #tpu.memory_space<vmem>> -> memref<64x128xf32, #tpu.memory_space<vmem>>
    %dma_start3A_45 = arith.constant 0 : i32
    %dma_start3A_46 = tpu.memref_slice %arg2[%dma_start3A_45, %multiple_of3A_39] : memref<64x1000000xf32, #tpu.memory_space<hbm>> -> memref<64x128xf32, #tpu.memory_space<hbm>>
    %dma_start3A_47 = arith.constant 0 : i32
    %dma_start3A_48 = arith.constant 0 : i32
    %dma_start3A_49 = tpu.memref_slice %arg7[%dma_start3A_40, %dma_start3A_47, %dma_start3A_48] : memref<6x64x128xf32, #tpu.memory_space<vmem>> -> memref<1x64x128xf32, #tpu.memory_space<vmem>>
    %dma_start3A_50 = tpu.memref_squeeze %dma_start3A_49 : memref<1x64x128xf32, #tpu.memory_space<vmem>> -> memref<64x128xf32, #tpu.memory_space<vmem>>
    %dma_start3A_51 = arith.constant 0 : i32
    %dma_start3A_52 = tpu.memref_slice %arg2[%dma_start3A_51, %multiple_of3A_39] : memref<64x1000000xf32, #tpu.memory_space<hbm>> -> memref<64x128xf32, #tpu.memory_space<hbm>>
    tpu.enqueue_dma source(%dma_start3A_52 : memref<64x128xf32, #tpu.memory_space<hbm>>) target(%dma_start3A_50 : memref<64x128xf32, #tpu.memory_space<vmem>>) target_semaphore(%arg11 : memref<!tpu.dma_semaphore, #tpu.memory_space<semaphore_mem>>)
    %dma_start3A_53 = arith.constant 1 : i32
    %dma_start3A_54 = arith.constant 0 : i32
    %dma_start3A_55 = arith.constant 0 : i32
    %dma_start3A_56 = tpu.memref_slice %arg8[%dma_start3A_53, %dma_start3A_54, %dma_start3A_55] : memref<6x64x128xf32, #tpu.memory_space<vmem>> -> memref<1x64x128xf32, #tpu.memory_space<vmem>>
    %dma_start3A_57 = tpu.memref_squeeze %dma_start3A_56 : memref<1x64x128xf32, #tpu.memory_space<vmem>> -> memref<64x128xf32, #tpu.memory_space<vmem>>
    %dma_start3A_58 = arith.constant 0 : i32
    %dma_start3A_59 = tpu.memref_slice %arg3[%dma_start3A_58, %multiple_of3A_39] : memref<64x1000000xf32, #tpu.memory_space<hbm>> -> memref<64x128xf32, #tpu.memory_space<hbm>>
    %dma_start3A_60 = arith.constant 0 : i32
    %dma_start3A_61 = arith.constant 0 : i32
    %dma_start3A_62 = tpu.memref_slice %arg8[%dma_start3A_53, %dma_start3A_60, %dma_start3A_61] : memref<6x64x128xf32, #tpu.memory_space<vmem>> -> memref<1x64x128xf32, #tpu.memory_space<vmem>>
    %dma_start3A_63 = tpu.memref_squeeze %dma_start3A_62 : memref<1x64x128xf32, #tpu.memory_space<vmem>> -> memref<64x128xf32, #tpu.memory_space<vmem>>
    %dma_start3A_64 = arith.constant 0 : i32
    %dma_start3A_65 = tpu.memref_slice %arg3[%dma_start3A_64, %multiple_of3A_39] : memref<64x1000000xf32, #tpu.memory_space<hbm>> -> memref<64x128xf32, #tpu.memory_space<hbm>>
    tpu.enqueue_dma source(%dma_start3A_65 : memref<64x128xf32, #tpu.memory_space<hbm>>) target(%dma_start3A_63 : memref<64x128xf32, #tpu.memory_space<vmem>>) target_semaphore(%arg17 : memref<!tpu.dma_semaphore, #tpu.memory_space<semaphore_mem>>)
    %get3A_66 = arith.constant 2 : index
    %get3A_67 = tpu.vector_load %arg6[%get3A_66] {strides = array<i32>} : memref<96xi32, #tpu.memory_space<vmem>>, vector<16xi32>,
    %slice3A_68 = vector.extract_strided_slice %get3A_67 {offsets = [0], sizes = [1], strides = [1]} : vector<16xi32> to vector<1xi32>
    %squeeze3A_69 = vector.extract %slice3A_68[0] : i32 from vector<1xi32>
    %shift_right_arithmetic3A_70 = arith.constant 7 : i32
    %shift_right_arithmetic3A_71 = arith.shrsi %squeeze3A_69, %shift_right_arithmetic3A_70 : i32
    %shift_left3A_72 = arith.constant 7 : i32
    %shift_left3A_73 = arith.shli %shift_right_arithmetic3A_71, %shift_left3A_72 : i32
    %multiple_of3A_74 = tpu.assume_multiple %shift_left3A_73, 128 : i32
    %dma_start3A_75 = arith.constant 2 : i32
    %dma_start3A_76 = arith.constant 0 : i32
    %dma_start3A_77 = arith.constant 0 : i32
    %dma_start3A_78 = tpu.memref_slice %arg7[%dma_start3A_75, %dma_start3A_76, %dma_start3A_77] : memref<6x64x128xf32, #tpu.memory_space<vmem>> -> memref<1x64x128xf32, #tpu.memory_space<vmem>>
    %dma_start3A_79 = tpu.memref_squeeze %dma_start3A_78 : memref<1x64x128xf32, #tpu.memory_space<vmem>> -> memref<64x128xf32, #tpu.memory_space<vmem>>
    %dma_start3A_80 = arith.constant 0 : i32
    %dma_start3A_81 = tpu.memref_slice %arg2[%dma_start3A_80, %multiple_of3A_74] : memref<64x1000000xf32, #tpu.memory_space<hbm>> -> memref<64x128xf32, #tpu.memory_space<hbm>>
    %dma_start3A_82 = arith.constant 0 : i32
    %dma_start3A_83 = arith.constant 0 : i32
    %dma_start3A_84 = tpu.memref_slice %arg7[%dma_start3A_75, %dma_start3A_82, %dma_start3A_83] : memref<6x64x128xf32, #tpu.memory_space<vmem>> -> memref<1x64x128xf32, #tpu.memory_space<vmem>>
    %dma_start3A_85 = tpu.memref_squeeze %dma_start3A_84 : memref<1x64x128xf32, #tpu.memory_space<vmem>> -> memref<64x128xf32, #tpu.memory_space<vmem>>
    %dma_start3A_86 = arith.constant 0 : i32
    %dma_start3A_87 = tpu.memref_slice %arg2[%dma_start3A_86, %multiple_of3A_74] : memref<64x1000000xf32, #tpu.memory_space<hbm>> -> memref<64x128xf32, #tpu.memory_space<hbm>>
    tpu.enqueue_dma source(%dma_start3A_87 : memref<64x128xf32, #tpu.memory_space<hbm>>) target(%dma_start3A_85 : memref<64x128xf32, #tpu.memory_space<vmem>>) target_semaphore(%arg12 : memref<!tpu.dma_semaphore, #tpu.memory_space<semaphore_mem>>)
    %dma_start3A_88 = arith.constant 2 : i32
    %dma_start3A_89 = arith.constant 0 : i32
    %dma_start3A_90 = arith.constant 0 : i32
    %dma_start3A_91 = tpu.memref_slice %arg8[%dma_start3A_88, %dma_start3A_89, %dma_start3A_90] : memref<6x64x128xf32, #tpu.memory_space<vmem>> -> memref<1x64x128xf32, #tpu.memory_space<vmem>>
    %dma_start3A_92 = tpu.memref_squeeze %dma_start3A_91 : memref<1x64x128xf32, #tpu.memory_space<vmem>> -> memref<64x128xf32, #tpu.memory_space<vmem>>
    %dma_start3A_93 = arith.constant 0 : i32
    %dma_start3A_94 = tpu.memref_slice %arg3[%dma_start3A_93, %multiple_of3A_74] : memref<64x1000000xf32, #tpu.memory_space<hbm>> -> memref<64x128xf32, #tpu.memory_space<hbm>>
    %dma_start3A_95 = arith.constant 0 : i32
    %dma_start3A_96 = arith.constant 0 : i32
    %dma_start3A_97 = tpu.memref_slice %arg8[%dma_start3A_88, %dma_start3A_95, %dma_start3A_96] : memref<6x64x128xf32, #tpu.memory_space<vmem>> -> memref<1x64x128xf32, #tpu.memory_space<vmem>>
    %dma_start3A_98 = tpu.memref_squeeze %dma_start3A_97 : memref<1x64x128xf32, #tpu.memory_space<vmem>> -> memref<64x128xf32, #tpu.memory_space<vmem>>
    %dma_start3A_99 = arith.constant 0 : i32
    %dma_start3A_100 = tpu.memref_slice %arg3[%dma_start3A_99, %multiple_of3A_74] : memref<64x1000000xf32, #tpu.memory_space<hbm>> -> memref<64x128xf32, #tpu.memory_space<hbm>>
    tpu.enqueue_dma source(%dma_start3A_100 : memref<64x128xf32, #tpu.memory_space<hbm>>) target(%dma_start3A_98 : memref<64x128xf32, #tpu.memory_space<vmem>>) target_semaphore(%arg18 : memref<!tpu.dma_semaphore, #tpu.memory_space<semaphore_mem>>)
    %get3A_101 = arith.constant 3 : index
    %get3A_102 = tpu.vector_load %arg6[%get3A_101] {strides = array<i32>} : memref<96xi32, #tpu.memory_space<vmem>>, vector<16xi32>,
    %slice3A_103 = vector.extract_strided_slice %get3A_102 {offsets = [0], sizes = [1], strides = [1]} : vector<16xi32> to vector<1xi32>
    %squeeze3A_104 = vector.extract %slice3A_103[0] : i32 from vector<1xi32>
    %shift_right_arithmetic3A_105 = arith.constant 7 : i32
    %shift_right_arithmetic3A_106 = arith.shrsi %squeeze3A_104, %shift_right_arithmetic3A_105 : i32
    %shift_left3A_107 = arith.constant 7 : i32
    %shift_left3A_108 = arith.shli %shift_right_arithmetic3A_106, %shift_left3A_107 : i32
    %multiple_of3A_109 = tpu.assume_multiple %shift_left3A_108, 128 : i32
    %dma_start3A_110 = arith.constant 3 : i32
    %dma_start3A_111 = arith.constant 0 : i32
    %dma_start3A_112 = arith.constant 0 : i32
    %dma_start3A_113 = tpu.memref_slice %arg7[%dma_start3A_110, %dma_start3A_111, %dma_start3A_112] : memref<6x64x128xf32, #tpu.memory_space<vmem>> -> memref<1x64x128xf32, #tpu.memory_space<vmem>>
    %dma_start3A_114 = tpu.memref_squeeze %dma_start3A_113 : memref<1x64x128xf32, #tpu.memory_space<vmem>> -> memref<64x128xf32, #tpu.memory_space<vmem>>
    %dma_start3A_115 = arith.constant 0 : i32
    %dma_start3A_116 = tpu.memref_slice %arg2[%dma_start3A_115, %multiple_of3A_109] : memref<64x1000000xf32, #tpu.memory_space<hbm>> -> memref<64x128xf32, #tpu.memory_space<hbm>>
    %dma_start3A_117 = arith.constant 0 : i32
    %dma_start3A_118 = arith.constant 0 : i32
    %dma_start3A_119 = tpu.memref_slice %arg7[%dma_start3A_110, %dma_start3A_117, %dma_start3A_118] : memref<6x64x128xf32, #tpu.memory_space<vmem>> -> memref<1x64x128xf32, #tpu.memory_space<vmem>>
    %dma_start3A_120 = tpu.memref_squeeze %dma_start3A_119 : memref<1x64x128xf32, #tpu.memory_space<vmem>> -> memref<64x128xf32, #tpu.memory_space<vmem>>
    %dma_start3A_121 = arith.constant 0 : i32
    %dma_start3A_122 = tpu.memref_slice %arg2[%dma_start3A_121, %multiple_of3A_109] : memref<64x1000000xf32, #tpu.memory_space<hbm>> -> memref<64x128xf32, #tpu.memory_space<hbm>>
    tpu.enqueue_dma source(%dma_start3A_122 : memref<64x128xf32, #tpu.memory_space<hbm>>) target(%dma_start3A_120 : memref<64x128xf32, #tpu.memory_space<vmem>>) target_semaphore(%arg13 : memref<!tpu.dma_semaphore, #tpu.memory_space<semaphore_mem>>)
    %dma_start3A_123 = arith.constant 3 : i32
    %dma_start3A_124 = arith.constant 0 : i32
    %dma_start3A_125 = arith.constant 0 : i32
    %dma_start3A_126 = tpu.memref_slice %arg8[%dma_start3A_123, %dma_start3A_124, %dma_start3A_125] : memref<6x64x128xf32, #tpu.memory_space<vmem>> -> memref<1x64x128xf32, #tpu.memory_space<vmem>>
    %dma_start3A_127 = tpu.memref_squeeze %dma_start3A_126 : memref<1x64x128xf32, #tpu.memory_space<vmem>> -> memref<64x128xf32, #tpu.memory_space<vmem>>
    %dma_start3A_128 = arith.constant 0 : i32
    %dma_start3A_129 = tpu.memref_slice %arg3[%dma_start3A_128, %multiple_of3A_109] : memref<64x1000000xf32, #tpu.memory_space<hbm>> -> memref<64x128xf32, #tpu.memory_space<hbm>>
    %dma_start3A_130 = arith.constant 0 : i32
    %dma_start3A_131 = arith.constant 0 : i32
    %dma_start3A_132 = tpu.memref_slice %arg8[%dma_start3A_123, %dma_start3A_130, %dma_start3A_131] : memref<6x64x128xf32, #tpu.memory_space<vmem>> -> memref<1x64x128xf32, #tpu.memory_space<vmem>>
    %dma_start3A_133 = tpu.memref_squeeze %dma_start3A_132 : memref<1x64x128xf32, #tpu.memory_space<vmem>> -> memref<64x128xf32, #tpu.memory_space<vmem>>
    %dma_start3A_134 = arith.constant 0 : i32
    %dma_start3A_135 = tpu.memref_slice %arg3[%dma_start3A_134, %multiple_of3A_109] : memref<64x1000000xf32, #tpu.memory_space<hbm>> -> memref<64x128xf32, #tpu.memory_space<hbm>>
    tpu.enqueue_dma source(%dma_start3A_135 : memref<64x128xf32, #tpu.memory_space<hbm>>) target(%dma_start3A_133 : memref<64x128xf32, #tpu.memory_space<vmem>>) target_semaphore(%arg19 : memref<!tpu.dma_semaphore, #tpu.memory_space<semaphore_mem>>)
    %get3A_136 = arith.constant 4 : index
    %get3A_137 = tpu.vector_load %arg6[%get3A_136] {strides = array<i32>} : memref<96xi32, #tpu.memory_space<vmem>>, vector<16xi32>,
    %slice3A_138 = vector.extract_strided_slice %get3A_137 {offsets = [0], sizes = [1], strides = [1]} : vector<16xi32> to vector<1xi32>
    %squeeze3A_139 = vector.extract %slice3A_138[0] : i32 from vector<1xi32>
    %shift_right_arithmetic3A_140 = arith.constant 7 : i32
    %shift_right_arithmetic3A_141 = arith.shrsi %squeeze3A_139, %shift_right_arithmetic3A_140 : i32
    %shift_left3A_142 = arith.constant 7 : i32
    %shift_left3A_143 = arith.shli %shift_right_arithmetic3A_141, %shift_left3A_142 : i32
    %multiple_of3A_144 = tpu.assume_multiple %shift_left3A_143, 128 : i32
    %dma_start3A_145 = arith.constant 4 : i32
    %dma_start3A_146 = arith.constant 0 : i32
    %dma_start3A_147 = arith.constant 0 : i32
    %dma_start3A_148 = tpu.memref_slice %arg7[%dma_start3A_145, %dma_start3A_146, %dma_start3A_147] : memref<6x64x128xf32, #tpu.memory_space<vmem>> -> memref<1x64x128xf32, #tpu.memory_space<vmem>>
    %dma_start3A_149 = tpu.memref_squeeze %dma_start3A_148 : memref<1x64x128xf32, #tpu.memory_space<vmem>> -> memref<64x128xf32, #tpu.memory_space<vmem>>
    %dma_start3A_150 = arith.constant 0 : i32
    %dma_start3A_151 = tpu.memref_slice %arg2[%dma_start3A_150, %multiple_of3A_144] : memref<64x1000000xf32, #tpu.memory_space<hbm>> -> memref<64x128xf32, #tpu.memory_space<hbm>>
    %dma_start3A_152 = arith.constant 0 : i32
    %dma_start3A_153 = arith.constant 0 : i32
    %dma_start3A_154 = tpu.memref_slice %arg7[%dma_start3A_145, %dma_start3A_152, %dma_start3A_153] : memref<6x64x128xf32, #tpu.memory_space<vmem>> -> memref<1x64x128xf32, #tpu.memory_space<vmem>>
    %dma_start3A_155 = tpu.memref_squeeze %dma_start3A_154 : memref<1x64x128xf32, #tpu.memory_space<vmem>> -> memref<64x128xf32, #tpu.memory_space<vmem>>
    %dma_start3A_156 = arith.constant 0 : i32
    %dma_start3A_157 = tpu.memref_slice %arg2[%dma_start3A_156, %multiple_of3A_144] : memref<64x1000000xf32, #tpu.memory_space<hbm>> -> memref<64x128xf32, #tpu.memory_space<hbm>>
    tpu.enqueue_dma source(%dma_start3A_157 : memref<64x128xf32, #tpu.memory_space<hbm>>) target(%dma_start3A_155 : memref<64x128xf32, #tpu.memory_space<vmem>>) target_semaphore(%arg14 : memref<!tpu.dma_semaphore, #tpu.memory_space<semaphore_mem>>)
    %dma_start3A_158 = arith.constant 4 : i32
    %dma_start3A_159 = arith.constant 0 : i32
    %dma_start3A_160 = arith.constant 0 : i32
    %dma_start3A_161 = tpu.memref_slice %arg8[%dma_start3A_158, %dma_start3A_159, %dma_start3A_160] : memref<6x64x128xf32, #tpu.memory_space<vmem>> -> memref<1x64x128xf32, #tpu.memory_space<vmem>>
    %dma_start3A_162 = tpu.memref_squeeze %dma_start3A_161 : memref<1x64x128xf32, #tpu.memory_space<vmem>> -> memref<64x128xf32, #tpu.memory_space<vmem>>
    %dma_start3A_163 = arith.constant 0 : i32
    %dma_start3A_164 = tpu.memref_slice %arg3[%dma_start3A_163, %multiple_of3A_144] : memref<64x1000000xf32, #tpu.memory_space<hbm>> -> memref<64x128xf32, #tpu.memory_space<hbm>>
    %dma_start3A_165 = arith.constant 0 : i32
    %dma_start3A_166 = arith.constant 0 : i32
    %dma_start3A_167 = tpu.memref_slice %arg8[%dma_start3A_158, %dma_start3A_165, %dma_start3A_166] : memref<6x64x128xf32, #tpu.memory_space<vmem>> -> memref<1x64x128xf32, #tpu.memory_space<vmem>>
    %dma_start3A_168 = tpu.memref_squeeze %dma_start3A_167 : memref<1x64x128xf32, #tpu.memory_space<vmem>> -> memref<64x128xf32, #tpu.memory_space<vmem>>
    %dma_start3A_169 = arith.constant 0 : i32
    %dma_start3A_170 = tpu.memref_slice %arg3[%dma_start3A_169, %multiple_of3A_144] : memref<64x1000000xf32, #tpu.memory_space<hbm>> -> memref<64x128xf32, #tpu.memory_space<hbm>>
    tpu.enqueue_dma source(%dma_start3A_170 : memref<64x128xf32, #tpu.memory_space<hbm>>) target(%dma_start3A_168 : memref<64x128xf32, #tpu.memory_space<vmem>>) target_semaphore(%arg20 : memref<!tpu.dma_semaphore, #tpu.memory_space<semaphore_mem>>)
    %scan3A = arith.constant 0 : i32
    %scan3A_171 = arith.constant 0 : i32
    %scan3A_172 = arith.constant 13 : i32
    %scan3A_173 = arith.addi %scan3A_171, %scan3A_172 : i32
    %scan3A_174 = arith.constant 1 : i32
    scf.for %scan3A_357 = %scan3A_171 to %scan3A_173 step %scan3A_174  : i32 {
      %mul3A_358 = arith.constant 6 : i32
      %mul3A_359 = arith.muli %mul3A_358, %scan3A_357 : i32
      %add3A_360 = arith.constant 0 : i32
      %add3A_361 = arith.addi %mul3A_359, %add3A_360 : i32
      %add3A_362 = arith.constant 6 : i32
      %add3A_363 = arith.addi %add3A_361, %add3A_362 : i32
      %sub3A = arith.constant 1 : i32
      %sub3A_364 = arith.subi %add3A_363, %sub3A : i32
      %lt3A = arith.constant 80 : i32
      %lt3A_365 = arith.cmpi slt, %sub3A_364, %lt3A : i32
      %convert_element_type3A = arith.extui %lt3A_365 : i1 to i32
      %cond3A = arith.constant 0 : i32
      %cond3A_366 = arith.cmpi ne, %convert_element_type3A, %cond3A : i32
      scf.if %cond3A_366 {
        %add3A_984 = arith.constant 6 : i32
        %add3A_985 = arith.addi %add3A_361, %add3A_984 : i32
        %sub3A_986 = arith.constant 1 : i32
        %sub3A_987 = arith.subi %add3A_985, %sub3A_986 : i32
        %get3A_988 = arith.index_cast %sub3A_987 : i32 to index
        %get3A_989 = tpu.vector_load %arg6[%get3A_988] {strides = array<i32>} : memref<96xi32, #tpu.memory_space<vmem>>, vector<16xi32>,
        %slice3A_990 = vector.extract_strided_slice %get3A_989 {offsets = [0], sizes = [1], strides = [1]} : vector<16xi32> to vector<1xi32>
        %squeeze3A_991 = vector.extract %slice3A_990[0] : i32 from vector<1xi32>
        %shift_right_arithmetic3A_992 = arith.constant 7 : i32
        %shift_right_arithmetic3A_993 = arith.shrsi %squeeze3A_991, %shift_right_arithmetic3A_992 : i32
        %shift_left3A_994 = arith.constant 7 : i32
        %shift_left3A_995 = arith.shli %shift_right_arithmetic3A_993, %shift_left3A_994 : i32
        %multiple_of3A_996 = tpu.assume_multiple %shift_left3A_995, 128 : i32
        %dma_start3A_997 = arith.constant 5 : i32
        %dma_start3A_998 = arith.constant 0 : i32
        %dma_start3A_999 = arith.constant 0 : i32
        %dma_start3A_1000 = tpu.memref_slice %arg7[%dma_start3A_997, %dma_start3A_998, %dma_start3A_999] : memref<6x64x128xf32, #tpu.memory_space<vmem>> -> memref<1x64x128xf32, #tpu.memory_space<vmem>>
        %dma_start3A_1001 = tpu.memref_squeeze %dma_start3A_1000 : memref<1x64x128xf32, #tpu.memory_space<vmem>> -> memref<64x128xf32, #tpu.memory_space<vmem>>
        %dma_start3A_1002 = arith.constant 0 : i32
        %dma_start3A_1003 = tpu.memref_slice %arg2[%dma_start3A_1002, %multiple_of3A_996] : memref<64x1000000xf32, #tpu.memory_space<hbm>> -> memref<64x128xf32, #tpu.memory_space<hbm>>
        %dma_start3A_1004 = arith.constant 0 : i32
        %dma_start3A_1005 = arith.constant 0 : i32
        %dma_start3A_1006 = tpu.memref_slice %arg7[%dma_start3A_997, %dma_start3A_1004, %dma_start3A_1005] : memref<6x64x128xf32, #tpu.memory_space<vmem>> -> memref<1x64x128xf32, #tpu.memory_space<vmem>>
        %dma_start3A_1007 = tpu.memref_squeeze %dma_start3A_1006 : memref<1x64x128xf32, #tpu.memory_space<vmem>> -> memref<64x128xf32, #tpu.memory_space<vmem>>
        %dma_start3A_1008 = arith.constant 0 : i32
        %dma_start3A_1009 = tpu.memref_slice %arg2[%dma_start3A_1008, %multiple_of3A_996] : memref<64x1000000xf32, #tpu.memory_space<hbm>> -> memref<64x128xf32, #tpu.memory_space<hbm>>
        tpu.enqueue_dma source(%dma_start3A_1009 : memref<64x128xf32, #tpu.memory_space<hbm>>) target(%dma_start3A_1007 : memref<64x128xf32, #tpu.memory_space<vmem>>) target_semaphore(%arg15 : memref<!tpu.dma_semaphore, #tpu.memory_space<semaphore_mem>>)
        %dma_start3A_1010 = arith.constant 5 : i32
        %dma_start3A_1011 = arith.constant 0 : i32
        %dma_start3A_1012 = arith.constant 0 : i32
        %dma_start3A_1013 = tpu.memref_slice %arg8[%dma_start3A_1010, %dma_start3A_1011, %dma_start3A_1012] : memref<6x64x128xf32, #tpu.memory_space<vmem>> -> memref<1x64x128xf32, #tpu.memory_space<vmem>>
        %dma_start3A_1014 = tpu.memref_squeeze %dma_start3A_1013 : memref<1x64x128xf32, #tpu.memory_space<vmem>> -> memref<64x128xf32, #tpu.memory_space<vmem>>
        %dma_start3A_1015 = arith.constant 0 : i32
        %dma_start3A_1016 = tpu.memref_slice %arg3[%dma_start3A_1015, %multiple_of3A_996] : memref<64x1000000xf32, #tpu.memory_space<hbm>> -> memref<64x128xf32, #tpu.memory_space<hbm>>
        %dma_start3A_1017 = arith.constant 0 : i32
        %dma_start3A_1018 = arith.constant 0 : i32
        %dma_start3A_1019 = tpu.memref_slice %arg8[%dma_start3A_1010, %dma_start3A_1017, %dma_start3A_1018] : memref<6x64x128xf32, #tpu.memory_space<vmem>> -> memref<1x64x128xf32, #tpu.memory_space<vmem>>
        %dma_start3A_1020 = tpu.memref_squeeze %dma_start3A_1019 : memref<1x64x128xf32, #tpu.memory_space<vmem>> -> memref<64x128xf32, #tpu.memory_space<vmem>>
        %dma_start3A_1021 = arith.constant 0 : i32
        %dma_start3A_1022 = tpu.memref_slice %arg3[%dma_start3A_1021, %multiple_of3A_996] : memref<64x1000000xf32, #tpu.memory_space<hbm>> -> memref<64x128xf32, #tpu.memory_space<hbm>>
        tpu.enqueue_dma source(%dma_start3A_1022 : memref<64x128xf32, #tpu.memory_space<hbm>>) target(%dma_start3A_1020 : memref<64x128xf32, #tpu.memory_space<vmem>>) target_semaphore(%arg21 : memref<!tpu.dma_semaphore, #tpu.memory_space<semaphore_mem>>)
      } else {
      }
      %dma_wait3A_367 = arith.constant 0 : i32
      %dma_wait3A_368 = arith.constant 0 : i32
      %dma_wait3A_369 = arith.constant 0 : i32
      %dma_wait3A_370 = tpu.memref_slice %arg7[%dma_wait3A_367, %dma_wait3A_368, %dma_wait3A_369] : memref<6x64x128xf32, #tpu.memory_space<vmem>> -> memref<1x64x128xf32, #tpu.memory_space<vmem>>
      %dma_wait3A_371 = tpu.memref_squeeze %dma_wait3A_370 : memref<1x64x128xf32, #tpu.memory_space<vmem>> -> memref<64x128xf32, #tpu.memory_space<vmem>>
      %dma_wait3A_372 = arith.constant 0 : i32
      %dma_wait3A_373 = arith.constant 0 : i32
      %dma_wait3A_374 = tpu.memref_slice %arg2[%dma_wait3A_372, %dma_wait3A_373] : memref<64x1000000xf32, #tpu.memory_space<hbm>> -> memref<64x128xf32, #tpu.memory_space<hbm>>
      %dma_wait3A_375 = arith.constant 0 : i32
      %dma_wait3A_376 = arith.constant 0 : i32
      %dma_wait3A_377 = tpu.memref_slice %arg7[%dma_wait3A_367, %dma_wait3A_375, %dma_wait3A_376] : memref<6x64x128xf32, #tpu.memory_space<vmem>> -> memref<1x64x128xf32, #tpu.memory_space<vmem>>
      %dma_wait3A_378 = tpu.memref_squeeze %dma_wait3A_377 : memref<1x64x128xf32, #tpu.memory_space<vmem>> -> memref<64x128xf32, #tpu.memory_space<vmem>>
      %dma_wait3A_379 = arith.constant 0 : i32
      %dma_wait3A_380 = arith.constant 0 : i32
      %dma_wait3A_381 = tpu.memref_slice %arg2[%dma_wait3A_379, %dma_wait3A_380] : memref<64x1000000xf32, #tpu.memory_space<hbm>> -> memref<64x128xf32, #tpu.memory_space<hbm>>
      tpu.wait_dma2 semaphore(%arg10 : memref<!tpu.dma_semaphore, #tpu.memory_space<semaphore_mem>>) src(%dma_wait3A_381 : memref<64x128xf32, #tpu.memory_space<hbm>>) dst(%dma_wait3A_378 : memref<64x128xf32, #tpu.memory_space<vmem>>)
      %dma_wait3A_382 = arith.constant 0 : i32
      %dma_wait3A_383 = arith.constant 0 : i32
      %dma_wait3A_384 = arith.constant 0 : i32
      %dma_wait3A_385 = tpu.memref_slice %arg8[%dma_wait3A_382, %dma_wait3A_383, %dma_wait3A_384] : memref<6x64x128xf32, #tpu.memory_space<vmem>> -> memref<1x64x128xf32, #tpu.memory_space<vmem>>
      %dma_wait3A_386 = tpu.memref_squeeze %dma_wait3A_385 : memref<1x64x128xf32, #tpu.memory_space<vmem>> -> memref<64x128xf32, #tpu.memory_space<vmem>>
      %dma_wait3A_387 = arith.constant 0 : i32
      %dma_wait3A_388 = arith.constant 0 : i32
      %dma_wait3A_389 = tpu.memref_slice %arg3[%dma_wait3A_387, %dma_wait3A_388] : memref<64x1000000xf32, #tpu.memory_space<hbm>> -> memref<64x128xf32, #tpu.memory_space<hbm>>
      %dma_wait3A_390 = arith.constant 0 : i32
      %dma_wait3A_391 = arith.constant 0 : i32
      %dma_wait3A_392 = tpu.memref_slice %arg8[%dma_wait3A_382, %dma_wait3A_390, %dma_wait3A_391] : memref<6x64x128xf32, #tpu.memory_space<vmem>> -> memref<1x64x128xf32, #tpu.memory_space<vmem>>
      %dma_wait3A_393 = tpu.memref_squeeze %dma_wait3A_392 : memref<1x64x128xf32, #tpu.memory_space<vmem>> -> memref<64x128xf32, #tpu.memory_space<vmem>>
      %dma_wait3A_394 = arith.constant 0 : i32
      %dma_wait3A_395 = arith.constant 0 : i32
      %dma_wait3A_396 = tpu.memref_slice %arg3[%dma_wait3A_394, %dma_wait3A_395] : memref<64x1000000xf32, #tpu.memory_space<hbm>> -> memref<64x128xf32, #tpu.memory_space<hbm>>
      tpu.wait_dma2 semaphore(%arg16 : memref<!tpu.dma_semaphore, #tpu.memory_space<semaphore_mem>>) src(%dma_wait3A_396 : memref<64x128xf32, #tpu.memory_space<hbm>>) dst(%dma_wait3A_393 : memref<64x128xf32, #tpu.memory_space<vmem>>)
      %get3A_397 = arith.index_cast %add3A_361 : i32 to index
      %get3A_398 = tpu.vector_load %arg6[%get3A_397] {strides = array<i32>} : memref<96xi32, #tpu.memory_space<vmem>>, vector<16xi32>,
      %slice3A_399 = vector.extract_strided_slice %get3A_398 {offsets = [0], sizes = [1], strides = [1]} : vector<16xi32> to vector<1xi32>
      %squeeze3A_400 = vector.extract %slice3A_399[0] : i32 from vector<1xi32>
      %and3A_401 = arith.constant 127 : i32
      %and3A_402 = arith.andi %squeeze3A_400, %and3A_401 : i32
      %broadcast_in_dim3A_403 = vector.broadcast %and3A_402 : i32 to vector<16xi32>
      %broadcast_in_dim3A_404 = arith.constant 0 : i32
      %broadcast_in_dim3A_405 = vector.broadcast %broadcast_in_dim3A_404 : i32 to vector<16xi32>
      %broadcast_in_dim3A_406 = vector.broadcast %add3A_361 : i32 to vector<16xi32>
      %add3A_407 = arith.constant 0 : i32
      %add3A_408 = vector.broadcast %add3A_407 : i32 to vector<16xi32>
      %add3A_409 = arith.addi %iota3A, %add3A_408 : vector<16xi32>
      %gather3A_410 = tpu.vector_load_idx %arg7[%broadcast_in_dim3A_405, %add3A_409, %broadcast_in_dim3A_403] : memref<6x64x128xf32, #tpu.memory_space<vmem>>[vector<16xi32>, vector<16xi32>, vector<16xi32>], vector<16xf32>,
      %gather3A_411 = tpu.vector_load_idx %arg8[%broadcast_in_dim3A_405, %add3A_409, %broadcast_in_dim3A_403] : memref<6x64x128xf32, #tpu.memory_space<vmem>>[vector<16xi32>, vector<16xi32>, vector<16xi32>], vector<16xf32>,
      %exp3A_412 = math.exp %gather3A_411 : vector<16xf32>
      %add3A_413 = arith.addf %gather3A_410, %exp3A_412 : vector<16xf32>
      %add3A_414 = arith.constant 0 : i32
      %add3A_415 = vector.broadcast %add3A_414 : i32 to vector<16xi32>
      %add3A_416 = arith.addi %iota3A, %add3A_415 : vector<16xi32>
      tpu.vector_store_idx %arg9[%add3A_416, %broadcast_in_dim3A_406], %gather3A_410 : memref<128x80xf32, #tpu.memory_space<vmem>>[vector<16xi32>, vector<16xi32>], vector<16xf32>,
      %add3A_417 = arith.constant 32 : i32
      %add3A_418 = vector.broadcast %add3A_417 : i32 to vector<16xi32>
      %add3A_419 = arith.addi %add3A_416, %add3A_418 : vector<16xi32>
      tpu.vector_store_idx %arg9[%add3A_419, %broadcast_in_dim3A_406], %add3A_413 : memref<128x80xf32, #tpu.memory_space<vmem>>[vector<16xi32>, vector<16xi32>], vector<16xf32>,
      %add3A_420 = arith.constant 16 : i32
      %add3A_421 = vector.broadcast %add3A_420 : i32 to vector<16xi32>
      %add3A_422 = arith.addi %iota3A, %add3A_421 : vector<16xi32>
      %gather3A_423 = tpu.vector_load_idx %arg7[%broadcast_in_dim3A_405, %add3A_422, %broadcast_in_dim3A_403] : memref<6x64x128xf32, #tpu.memory_space<vmem>>[vector<16xi32>, vector<16xi32>, vector<16xi32>], vector<16xf32>,
      %gather3A_424 = tpu.vector_load_idx %arg8[%broadcast_in_dim3A_405, %add3A_422, %broadcast_in_dim3A_403] : memref<6x64x128xf32, #tpu.memory_space<vmem>>[vector<16xi32>, vector<16xi32>, vector<16xi32>], vector<16xf32>,
      %exp3A_425 = math.exp %gather3A_424 : vector<16xf32>
      %add3A_426 = arith.addf %gather3A_423, %exp3A_425 : vector<16xf32>
      %add3A_427 = arith.constant 16 : i32
      %add3A_428 = vector.broadcast %add3A_427 : i32 to vector<16xi32>
      %add3A_429 = arith.addi %iota3A, %add3A_428 : vector<16xi32>
      tpu.vector_store_idx %arg9[%add3A_429, %broadcast_in_dim3A_406], %gather3A_423 : memref<128x80xf32, #tpu.memory_space<vmem>>[vector<16xi32>, vector<16xi32>], vector<16xf32>,
      %add3A_430 = arith.constant 32 : i32
      %add3A_431 = vector.broadcast %add3A_430 : i32 to vector<16xi32>
      %add3A_432 = arith.addi %add3A_429, %add3A_431 : vector<16xi32>
      tpu.vector_store_idx %arg9[%add3A_432, %broadcast_in_dim3A_406], %add3A_426 : memref<128x80xf32, #tpu.memory_space<vmem>>[vector<16xi32>, vector<16xi32>], vector<16xf32>,
      %add3A_433 = arith.constant 32 : i32
      %add3A_434 = vector.broadcast %add3A_433 : i32 to vector<16xi32>
      %add3A_435 = arith.addi %iota3A, %add3A_434 : vector<16xi32>
      %gather3A_436 = tpu.vector_load_idx %arg7[%broadcast_in_dim3A_405, %add3A_435, %broadcast_in_dim3A_403] : memref<6x64x128xf32, #tpu.memory_space<vmem>>[vector<16xi32>, vector<16xi32>, vector<16xi32>], vector<16xf32>,
      %gather3A_437 = tpu.vector_load_idx %arg8[%broadcast_in_dim3A_405, %add3A_435, %broadcast_in_dim3A_403] : memref<6x64x128xf32, #tpu.memory_space<vmem>>[vector<16xi32>, vector<16xi32>, vector<16xi32>], vector<16xf32>,
      %exp3A_438 = math.exp %gather3A_437 : vector<16xf32>
      %add3A_439 = arith.addf %gather3A_436, %exp3A_438 : vector<16xf32>
      %add3A_440 = arith.constant 64 : i32
      %add3A_441 = vector.broadcast %add3A_440 : i32 to vector<16xi32>
      %add3A_442 = arith.addi %iota3A, %add3A_441 : vector<16xi32>
      tpu.vector_store_idx %arg9[%add3A_442, %broadcast_in_dim3A_406], %gather3A_436 : memref<128x80xf32, #tpu.memory_space<vmem>>[vector<16xi32>, vector<16xi32>], vector<16xf32>,
      %add3A_443 = arith.constant 32 : i32
      %add3A_444 = vector.broadcast %add3A_443 : i32 to vector<16xi32>
      %add3A_445 = arith.addi %add3A_442, %add3A_444 : vector<16xi32>
      tpu.vector_store_idx %arg9[%add3A_445, %broadcast_in_dim3A_406], %add3A_439 : memref<128x80xf32, #tpu.memory_space<vmem>>[vector<16xi32>, vector<16xi32>], vector<16xf32>,
      %add3A_446 = arith.constant 48 : i32
      %add3A_447 = vector.broadcast %add3A_446 : i32 to vector<16xi32>
      %add3A_448 = arith.addi %iota3A, %add3A_447 : vector<16xi32>
      %gather3A_449 = tpu.vector_load_idx %arg7[%broadcast_in_dim3A_405, %add3A_448, %broadcast_in_dim3A_403] : memref<6x64x128xf32, #tpu.memory_space<vmem>>[vector<16xi32>, vector<16xi32>, vector<16xi32>], vector<16xf32>,
      %gather3A_450 = tpu.vector_load_idx %arg8[%broadcast_in_dim3A_405, %add3A_448, %broadcast_in_dim3A_403] : memref<6x64x128xf32, #tpu.memory_space<vmem>>[vector<16xi32>, vector<16xi32>, vector<16xi32>], vector<16xf32>,
      %exp3A_451 = math.exp %gather3A_450 : vector<16xf32>
      %add3A_452 = arith.addf %gather3A_449, %exp3A_451 : vector<16xf32>
      %add3A_453 = arith.constant 80 : i32
      %add3A_454 = vector.broadcast %add3A_453 : i32 to vector<16xi32>
      %add3A_455 = arith.addi %iota3A, %add3A_454 : vector<16xi32>
      tpu.vector_store_idx %arg9[%add3A_455, %broadcast_in_dim3A_406], %gather3A_449 : memref<128x80xf32, #tpu.memory_space<vmem>>[vector<16xi32>, vector<16xi32>], vector<16xf32>,
      %add3A_456 = arith.constant 32 : i32
      %add3A_457 = vector.broadcast %add3A_456 : i32 to vector<16xi32>
      %add3A_458 = arith.addi %add3A_455, %add3A_457 : vector<16xi32>
      tpu.vector_store_idx %arg9[%add3A_458, %broadcast_in_dim3A_406], %add3A_452 : memref<128x80xf32, #tpu.memory_space<vmem>>[vector<16xi32>, vector<16xi32>], vector<16xf32>,
      %mul3A_459 = arith.constant 6 : i32
      %mul3A_460 = arith.muli %mul3A_459, %scan3A_357 : i32
      %add3A_461 = arith.constant 1 : i32
      %add3A_462 = arith.addi %mul3A_460, %add3A_461 : i32
      %add3A_463 = arith.constant 6 : i32
      %add3A_464 = arith.addi %add3A_462, %add3A_463 : i32
      %sub3A_465 = arith.constant 1 : i32
      %sub3A_466 = arith.subi %add3A_464, %sub3A_465 : i32
      %lt3A_467 = arith.constant 80 : i32
      %lt3A_468 = arith.cmpi slt, %sub3A_466, %lt3A_467 : i32
      %convert_element_type3A_469 = arith.extui %lt3A_468 : i1 to i32
      %cond3A_470 = arith.constant 0 : i32
      %cond3A_471 = arith.cmpi ne, %convert_element_type3A_469, %cond3A_470 : i32
      scf.if %cond3A_471 {
        %add3A_984 = arith.constant 6 : i32
        %add3A_985 = arith.addi %add3A_462, %add3A_984 : i32
        %sub3A_986 = arith.constant 1 : i32
        %sub3A_987 = arith.subi %add3A_985, %sub3A_986 : i32
        %get3A_988 = arith.index_cast %sub3A_987 : i32 to index
        %get3A_989 = tpu.vector_load %arg6[%get3A_988] {strides = array<i32>} : memref<96xi32, #tpu.memory_space<vmem>>, vector<16xi32>,
        %slice3A_990 = vector.extract_strided_slice %get3A_989 {offsets = [0], sizes = [1], strides = [1]} : vector<16xi32> to vector<1xi32>
        %squeeze3A_991 = vector.extract %slice3A_990[0] : i32 from vector<1xi32>
        %shift_right_arithmetic3A_992 = arith.constant 7 : i32
        %shift_right_arithmetic3A_993 = arith.shrsi %squeeze3A_991, %shift_right_arithmetic3A_992 : i32
        %shift_left3A_994 = arith.constant 7 : i32
        %shift_left3A_995 = arith.shli %shift_right_arithmetic3A_993, %shift_left3A_994 : i32
        %multiple_of3A_996 = tpu.assume_multiple %shift_left3A_995, 128 : i32
        %dma_start3A_997 = arith.constant 0 : i32
        %dma_start3A_998 = arith.constant 0 : i32
        %dma_start3A_999 = arith.constant 0 : i32
        %dma_start3A_1000 = tpu.memref_slice %arg7[%dma_start3A_997, %dma_start3A_998, %dma_start3A_999] : memref<6x64x128xf32, #tpu.memory_space<vmem>> -> memref<1x64x128xf32, #tpu.memory_space<vmem>>
        %dma_start3A_1001 = tpu.memref_squeeze %dma_start3A_1000 : memref<1x64x128xf32, #tpu.memory_space<vmem>> -> memref<64x128xf32, #tpu.memory_space<vmem>>
        %dma_start3A_1002 = arith.constant 0 : i32
        %dma_start3A_1003 = tpu.memref_slice %arg2[%dma_start3A_1002, %multiple_of3A_996] : memref<64x1000000xf32, #tpu.memory_space<hbm>> -> memref<64x128xf32, #tpu.memory_space<hbm>>
        %dma_start3A_1004 = arith.constant 0 : i32
        %dma_start3A_1005 = arith.constant 0 : i32
        %dma_start3A_1006 = tpu.memref_slice %arg7[%dma_start3A_997, %dma_start3A_1004, %dma_start3A_1005] : memref<6x64x128xf32, #tpu.memory_space<vmem>> -> memref<1x64x128xf32, #tpu.memory_space<vmem>>
        %dma_start3A_1007 = tpu.memref_squeeze %dma_start3A_1006 : memref<1x64x128xf32, #tpu.memory_space<vmem>> -> memref<64x128xf32, #tpu.memory_space<vmem>>
        %dma_start3A_1008 = arith.constant 0 : i32
        %dma_start3A_1009 = tpu.memref_slice %arg2[%dma_start3A_1008, %multiple_of3A_996] : memref<64x1000000xf32, #tpu.memory_space<hbm>> -> memref<64x128xf32, #tpu.memory_space<hbm>>
        tpu.enqueue_dma source(%dma_start3A_1009 : memref<64x128xf32, #tpu.memory_space<hbm>>) target(%dma_start3A_1007 : memref<64x128xf32, #tpu.memory_space<vmem>>) target_semaphore(%arg10 : memref<!tpu.dma_semaphore, #tpu.memory_space<semaphore_mem>>)
        %dma_start3A_1010 = arith.constant 0 : i32
        %dma_start3A_1011 = arith.constant 0 : i32
        %dma_start3A_1012 = arith.constant 0 : i32
        %dma_start3A_1013 = tpu.memref_slice %arg8[%dma_start3A_1010, %dma_start3A_1011, %dma_start3A_1012] : memref<6x64x128xf32, #tpu.memory_space<vmem>> -> memref<1x64x128xf32, #tpu.memory_space<vmem>>
        %dma_start3A_1014 = tpu.memref_squeeze %dma_start3A_1013 : memref<1x64x128xf32, #tpu.memory_space<vmem>> -> memref<64x128xf32, #tpu.memory_space<vmem>>
        %dma_start3A_1015 = arith.constant 0 : i32
        %dma_start3A_1016 = tpu.memref_slice %arg3[%dma_start3A_1015, %multiple_of3A_996] : memref<64x1000000xf32, #tpu.memory_space<hbm>> -> memref<64x128xf32, #tpu.memory_space<hbm>>
        %dma_start3A_1017 = arith.constant 0 : i32
        %dma_start3A_1018 = arith.constant 0 : i32
        %dma_start3A_1019 = tpu.memref_slice %arg8[%dma_start3A_1010, %dma_start3A_1017, %dma_start3A_1018] : memref<6x64x128xf32, #tpu.memory_space<vmem>> -> memref<1x64x128xf32, #tpu.memory_space<vmem>>
        %dma_start3A_1020 = tpu.memref_squeeze %dma_start3A_1019 : memref<1x64x128xf32, #tpu.memory_space<vmem>> -> memref<64x128xf32, #tpu.memory_space<vmem>>
        %dma_start3A_1021 = arith.constant 0 : i32
        %dma_start3A_1022 = tpu.memref_slice %arg3[%dma_start3A_1021, %multiple_of3A_996] : memref<64x1000000xf32, #tpu.memory_space<hbm>> -> memref<64x128xf32, #tpu.memory_space<hbm>>
        tpu.enqueue_dma source(%dma_start3A_1022 : memref<64x128xf32, #tpu.memory_space<hbm>>) target(%dma_start3A_1020 : memref<64x128xf32, #tpu.memory_space<vmem>>) target_semaphore(%arg16 : memref<!tpu.dma_semaphore, #tpu.memory_space<semaphore_mem>>)
      } else {
      }
      %dma_wait3A_472 = arith.constant 1 : i32
      %dma_wait3A_473 = arith.constant 0 : i32
      %dma_wait3A_474 = arith.constant 0 : i32
      %dma_wait3A_475 = tpu.memref_slice %arg7[%dma_wait3A_472, %dma_wait3A_473, %dma_wait3A_474] : memref<6x64x128xf32, #tpu.memory_space<vmem>> -> memref<1x64x128xf32, #tpu.memory_space<vmem>>
      %dma_wait3A_476 = tpu.memref_squeeze %dma_wait3A_475 : memref<1x64x128xf32, #tpu.memory_space<vmem>> -> memref<64x128xf32, #tpu.memory_space<vmem>>
      %dma_wait3A_477 = arith.constant 0 : i32
      %dma_wait3A_478 = arith.constant 0 : i32
      %dma_wait3A_479 = tpu.memref_slice %arg2[%dma_wait3A_477, %dma_wait3A_478] : memref<64x1000000xf32, #tpu.memory_space<hbm>> -> memref<64x128xf32, #tpu.memory_space<hbm>>
      %dma_wait3A_480 = arith.constant 0 : i32
      %dma_wait3A_481 = arith.constant 0 : i32
      %dma_wait3A_482 = tpu.memref_slice %arg7[%dma_wait3A_472, %dma_wait3A_480, %dma_wait3A_481] : memref<6x64x128xf32, #tpu.memory_space<vmem>> -> memref<1x64x128xf32, #tpu.memory_space<vmem>>
      %dma_wait3A_483 = tpu.memref_squeeze %dma_wait3A_482 : memref<1x64x128xf32, #tpu.memory_space<vmem>> -> memref<64x128xf32, #tpu.memory_space<vmem>>
      %dma_wait3A_484 = arith.constant 0 : i32
      %dma_wait3A_485 = arith.constant 0 : i32
      %dma_wait3A_486 = tpu.memref_slice %arg2[%dma_wait3A_484, %dma_wait3A_485] : memref<64x1000000xf32, #tpu.memory_space<hbm>> -> memref<64x128xf32, #tpu.memory_space<hbm>>
      tpu.wait_dma2 semaphore(%arg11 : memref<!tpu.dma_semaphore, #tpu.memory_space<semaphore_mem>>) src(%dma_wait3A_486 : memref<64x128xf32, #tpu.memory_space<hbm>>) dst(%dma_wait3A_483 : memref<64x128xf32, #tpu.memory_space<vmem>>)
      %dma_wait3A_487 = arith.constant 1 : i32
      %dma_wait3A_488 = arith.constant 0 : i32
      %dma_wait3A_489 = arith.constant 0 : i32
      %dma_wait3A_490 = tpu.memref_slice %arg8[%dma_wait3A_487, %dma_wait3A_488, %dma_wait3A_489] : memref<6x64x128xf32, #tpu.memory_space<vmem>> -> memref<1x64x128xf32, #tpu.memory_space<vmem>>
      %dma_wait3A_491 = tpu.memref_squeeze %dma_wait3A_490 : memref<1x64x128xf32, #tpu.memory_space<vmem>> -> memref<64x128xf32, #tpu.memory_space<vmem>>
      %dma_wait3A_492 = arith.constant 0 : i32
      %dma_wait3A_493 = arith.constant 0 : i32
      %dma_wait3A_494 = tpu.memref_slice %arg3[%dma_wait3A_492, %dma_wait3A_493] : memref<64x1000000xf32, #tpu.memory_space<hbm>> -> memref<64x128xf32, #tpu.memory_space<hbm>>
      %dma_wait3A_495 = arith.constant 0 : i32
      %dma_wait3A_496 = arith.constant 0 : i32
      %dma_wait3A_497 = tpu.memref_slice %arg8[%dma_wait3A_487, %dma_wait3A_495, %dma_wait3A_496] : memref<6x64x128xf32, #tpu.memory_space<vmem>> -> memref<1x64x128xf32, #tpu.memory_space<vmem>>
      %dma_wait3A_498 = tpu.memref_squeeze %dma_wait3A_497 : memref<1x64x128xf32, #tpu.memory_space<vmem>> -> memref<64x128xf32, #tpu.memory_space<vmem>>
      %dma_wait3A_499 = arith.constant 0 : i32
      %dma_wait3A_500 = arith.constant 0 : i32
      %dma_wait3A_501 = tpu.memref_slice %arg3[%dma_wait3A_499, %dma_wait3A_500] : memref<64x1000000xf32, #tpu.memory_space<hbm>> -> memref<64x128xf32, #tpu.memory_space<hbm>>
      tpu.wait_dma2 semaphore(%arg17 : memref<!tpu.dma_semaphore, #tpu.memory_space<semaphore_mem>>) src(%dma_wait3A_501 : memref<64x128xf32, #tpu.memory_space<hbm>>) dst(%dma_wait3A_498 : memref<64x128xf32, #tpu.memory_space<vmem>>)
      %get3A_502 = arith.index_cast %add3A_462 : i32 to index
      %get3A_503 = tpu.vector_load %arg6[%get3A_502] {strides = array<i32>} : memref<96xi32, #tpu.memory_space<vmem>>, vector<16xi32>,
      %slice3A_504 = vector.extract_strided_slice %get3A_503 {offsets = [0], sizes = [1], strides = [1]} : vector<16xi32> to vector<1xi32>
      %squeeze3A_505 = vector.extract %slice3A_504[0] : i32 from vector<1xi32>
      %and3A_506 = arith.constant 127 : i32
      %and3A_507 = arith.andi %squeeze3A_505, %and3A_506 : i32
      %broadcast_in_dim3A_508 = vector.broadcast %and3A_507 : i32 to vector<16xi32>
      %broadcast_in_dim3A_509 = arith.constant 1 : i32
      %broadcast_in_dim3A_510 = vector.broadcast %broadcast_in_dim3A_509 : i32 to vector<16xi32>
      %broadcast_in_dim3A_511 = vector.broadcast %add3A_462 : i32 to vector<16xi32>
      %add3A_512 = arith.constant 0 : i32
      %add3A_513 = vector.broadcast %add3A_512 : i32 to vector<16xi32>
      %add3A_514 = arith.addi %iota3A, %add3A_513 : vector<16xi32>
      %gather3A_515 = tpu.vector_load_idx %arg7[%broadcast_in_dim3A_510, %add3A_514, %broadcast_in_dim3A_508] : memref<6x64x128xf32, #tpu.memory_space<vmem>>[vector<16xi32>, vector<16xi32>, vector<16xi32>], vector<16xf32>,
      %gather3A_516 = tpu.vector_load_idx %arg8[%broadcast_in_dim3A_510, %add3A_514, %broadcast_in_dim3A_508] : memref<6x64x128xf32, #tpu.memory_space<vmem>>[vector<16xi32>, vector<16xi32>, vector<16xi32>], vector<16xf32>,
      %exp3A_517 = math.exp %gather3A_516 : vector<16xf32>
      %add3A_518 = arith.addf %gather3A_515, %exp3A_517 : vector<16xf32>
      %add3A_519 = arith.constant 0 : i32
      %add3A_520 = vector.broadcast %add3A_519 : i32 to vector<16xi32>
      %add3A_521 = arith.addi %iota3A, %add3A_520 : vector<16xi32>
      tpu.vector_store_idx %arg9[%add3A_521, %broadcast_in_dim3A_511], %gather3A_515 : memref<128x80xf32, #tpu.memory_space<vmem>>[vector<16xi32>, vector<16xi32>], vector<16xf32>,
      %add3A_522 = arith.constant 32 : i32
      %add3A_523 = vector.broadcast %add3A_522 : i32 to vector<16xi32>
      %add3A_524 = arith.addi %add3A_521, %add3A_523 : vector<16xi32>
      tpu.vector_store_idx %arg9[%add3A_524, %broadcast_in_dim3A_511], %add3A_518 : memref<128x80xf32, #tpu.memory_space<vmem>>[vector<16xi32>, vector<16xi32>], vector<16xf32>,
      %add3A_525 = arith.constant 16 : i32
      %add3A_526 = vector.broadcast %add3A_525 : i32 to vector<16xi32>
      %add3A_527 = arith.addi %iota3A, %add3A_526 : vector<16xi32>
      %gather3A_528 = tpu.vector_load_idx %arg7[%broadcast_in_dim3A_510, %add3A_527, %broadcast_in_dim3A_508] : memref<6x64x128xf32, #tpu.memory_space<vmem>>[vector<16xi32>, vector<16xi32>, vector<16xi32>], vector<16xf32>,
      %gather3A_529 = tpu.vector_load_idx %arg8[%broadcast_in_dim3A_510, %add3A_527, %broadcast_in_dim3A_508] : memref<6x64x128xf32, #tpu.memory_space<vmem>>[vector<16xi32>, vector<16xi32>, vector<16xi32>], vector<16xf32>,
      %exp3A_530 = math.exp %gather3A_529 : vector<16xf32>
      %add3A_531 = arith.addf %gather3A_528, %exp3A_530 : vector<16xf32>
      %add3A_532 = arith.constant 16 : i32
      %add3A_533 = vector.broadcast %add3A_532 : i32 to vector<16xi32>
      %add3A_534 = arith.addi %iota3A, %add3A_533 : vector<16xi32>
      tpu.vector_store_idx %arg9[%add3A_534, %broadcast_in_dim3A_511], %gather3A_528 : memref<128x80xf32, #tpu.memory_space<vmem>>[vector<16xi32>, vector<16xi32>], vector<16xf32>,
      %add3A_535 = arith.constant 32 : i32
      %add3A_536 = vector.broadcast %add3A_535 : i32 to vector<16xi32>
      %add3A_537 = arith.addi %add3A_534, %add3A_536 : vector<16xi32>
      tpu.vector_store_idx %arg9[%add3A_537, %broadcast_in_dim3A_511], %add3A_531 : memref<128x80xf32, #tpu.memory_space<vmem>>[vector<16xi32>, vector<16xi32>], vector<16xf32>,
      %add3A_538 = arith.constant 32 : i32
      %add3A_539 = vector.broadcast %add3A_538 : i32 to vector<16xi32>
      %add3A_540 = arith.addi %iota3A, %add3A_539 : vector<16xi32>
      %gather3A_541 = tpu.vector_load_idx %arg7[%broadcast_in_dim3A_510, %add3A_540, %broadcast_in_dim3A_508] : memref<6x64x128xf32, #tpu.memory_space<vmem>>[vector<16xi32>, vector<16xi32>, vector<16xi32>], vector<16xf32>,
      %gather3A_542 = tpu.vector_load_idx %arg8[%broadcast_in_dim3A_510, %add3A_540, %broadcast_in_dim3A_508] : memref<6x64x128xf32, #tpu.memory_space<vmem>>[vector<16xi32>, vector<16xi32>, vector<16xi32>], vector<16xf32>,
      %exp3A_543 = math.exp %gather3A_542 : vector<16xf32>
      %add3A_544 = arith.addf %gather3A_541, %exp3A_543 : vector<16xf32>
      %add3A_545 = arith.constant 64 : i32
      %add3A_546 = vector.broadcast %add3A_545 : i32 to vector<16xi32>
      %add3A_547 = arith.addi %iota3A, %add3A_546 : vector<16xi32>
      tpu.vector_store_idx %arg9[%add3A_547, %broadcast_in_dim3A_511], %gather3A_541 : memref<128x80xf32, #tpu.memory_space<vmem>>[vector<16xi32>, vector<16xi32>], vector<16xf32>,
      %add3A_548 = arith.constant 32 : i32
      %add3A_549 = vector.broadcast %add3A_548 : i32 to vector<16xi32>
      %add3A_550 = arith.addi %add3A_547, %add3A_549 : vector<16xi32>
      tpu.vector_store_idx %arg9[%add3A_550, %broadcast_in_dim3A_511], %add3A_544 : memref<128x80xf32, #tpu.memory_space<vmem>>[vector<16xi32>, vector<16xi32>], vector<16xf32>,
      %add3A_551 = arith.constant 48 : i32
      %add3A_552 = vector.broadcast %add3A_551 : i32 to vector<16xi32>
      %add3A_553 = arith.addi %iota3A, %add3A_552 : vector<16xi32>
      %gather3A_554 = tpu.vector_load_idx %arg7[%broadcast_in_dim3A_510, %add3A_553, %broadcast_in_dim3A_508] : memref<6x64x128xf32, #tpu.memory_space<vmem>>[vector<16xi32>, vector<16xi32>, vector<16xi32>], vector<16xf32>,
      %gather3A_555 = tpu.vector_load_idx %arg8[%broadcast_in_dim3A_510, %add3A_553, %broadcast_in_dim3A_508] : memref<6x64x128xf32, #tpu.memory_space<vmem>>[vector<16xi32>, vector<16xi32>, vector<16xi32>], vector<16xf32>,
      %exp3A_556 = math.exp %gather3A_555 : vector<16xf32>
      %add3A_557 = arith.addf %gather3A_554, %exp3A_556 : vector<16xf32>
      %add3A_558 = arith.constant 80 : i32
      %add3A_559 = vector.broadcast %add3A_558 : i32 to vector<16xi32>
      %add3A_560 = arith.addi %iota3A, %add3A_559 : vector<16xi32>
      tpu.vector_store_idx %arg9[%add3A_560, %broadcast_in_dim3A_511], %gather3A_554 : memref<128x80xf32, #tpu.memory_space<vmem>>[vector<16xi32>, vector<16xi32>], vector<16xf32>,
      %add3A_561 = arith.constant 32 : i32
      %add3A_562 = vector.broadcast %add3A_561 : i32 to vector<16xi32>
      %add3A_563 = arith.addi %add3A_560, %add3A_562 : vector<16xi32>
      tpu.vector_store_idx %arg9[%add3A_563, %broadcast_in_dim3A_511], %add3A_557 : memref<128x80xf32, #tpu.memory_space<vmem>>[vector<16xi32>, vector<16xi32>], vector<16xf32>,
      %mul3A_564 = arith.constant 6 : i32
      %mul3A_565 = arith.muli %mul3A_564, %scan3A_357 : i32
      %add3A_566 = arith.constant 2 : i32
      %add3A_567 = arith.addi %mul3A_565, %add3A_566 : i32
      %add3A_568 = arith.constant 6 : i32
      %add3A_569 = arith.addi %add3A_567, %add3A_568 : i32
      %sub3A_570 = arith.constant 1 : i32
      %sub3A_571 = arith.subi %add3A_569, %sub3A_570 : i32
      %lt3A_572 = arith.constant 80 : i32
      %lt3A_573 = arith.cmpi slt, %sub3A_571, %lt3A_572 : i32
      %convert_element_type3A_574 = arith.extui %lt3A_573 : i1 to i32
      %cond3A_575 = arith.constant 0 : i32
      %cond3A_576 = arith.cmpi ne, %convert_element_type3A_574, %cond3A_575 : i32
      scf.if %cond3A_576 {
        %add3A_984 = arith.constant 6 : i32
        %add3A_985 = arith.addi %add3A_567, %add3A_984 : i32
        %sub3A_986 = arith.constant 1 : i32
        %sub3A_987 = arith.subi %add3A_985, %sub3A_986 : i32
        %get3A_988 = arith.index_cast %sub3A_987 : i32 to index
        %get3A_989 = tpu.vector_load %arg6[%get3A_988] {strides = array<i32>} : memref<96xi32, #tpu.memory_space<vmem>>, vector<16xi32>,
        %slice3A_990 = vector.extract_strided_slice %get3A_989 {offsets = [0], sizes = [1], strides = [1]} : vector<16xi32> to vector<1xi32>
        %squeeze3A_991 = vector.extract %slice3A_990[0] : i32 from vector<1xi32>
        %shift_right_arithmetic3A_992 = arith.constant 7 : i32
        %shift_right_arithmetic3A_993 = arith.shrsi %squeeze3A_991, %shift_right_arithmetic3A_992 : i32
        %shift_left3A_994 = arith.constant 7 : i32
        %shift_left3A_995 = arith.shli %shift_right_arithmetic3A_993, %shift_left3A_994 : i32
        %multiple_of3A_996 = tpu.assume_multiple %shift_left3A_995, 128 : i32
        %dma_start3A_997 = arith.constant 1 : i32
        %dma_start3A_998 = arith.constant 0 : i32
        %dma_start3A_999 = arith.constant 0 : i32
        %dma_start3A_1000 = tpu.memref_slice %arg7[%dma_start3A_997, %dma_start3A_998, %dma_start3A_999] : memref<6x64x128xf32, #tpu.memory_space<vmem>> -> memref<1x64x128xf32, #tpu.memory_space<vmem>>
        %dma_start3A_1001 = tpu.memref_squeeze %dma_start3A_1000 : memref<1x64x128xf32, #tpu.memory_space<vmem>> -> memref<64x128xf32, #tpu.memory_space<vmem>>
        %dma_start3A_1002 = arith.constant 0 : i32
        %dma_start3A_1003 = tpu.memref_slice %arg2[%dma_start3A_1002, %multiple_of3A_996] : memref<64x1000000xf32, #tpu.memory_space<hbm>> -> memref<64x128xf32, #tpu.memory_space<hbm>>
        %dma_start3A_1004 = arith.constant 0 : i32
        %dma_start3A_1005 = arith.constant 0 : i32
        %dma_start3A_1006 = tpu.memref_slice %arg7[%dma_start3A_997, %dma_start3A_1004, %dma_start3A_1005] : memref<6x64x128xf32, #tpu.memory_space<vmem>> -> memref<1x64x128xf32, #tpu.memory_space<vmem>>
        %dma_start3A_1007 = tpu.memref_squeeze %dma_start3A_1006 : memref<1x64x128xf32, #tpu.memory_space<vmem>> -> memref<64x128xf32, #tpu.memory_space<vmem>>
        %dma_start3A_1008 = arith.constant 0 : i32
        %dma_start3A_1009 = tpu.memref_slice %arg2[%dma_start3A_1008, %multiple_of3A_996] : memref<64x1000000xf32, #tpu.memory_space<hbm>> -> memref<64x128xf32, #tpu.memory_space<hbm>>
        tpu.enqueue_dma source(%dma_start3A_1009 : memref<64x128xf32, #tpu.memory_space<hbm>>) target(%dma_start3A_1007 : memref<64x128xf32, #tpu.memory_space<vmem>>) target_semaphore(%arg11 : memref<!tpu.dma_semaphore, #tpu.memory_space<semaphore_mem>>)
        %dma_start3A_1010 = arith.constant 1 : i32
        %dma_start3A_1011 = arith.constant 0 : i32
        %dma_start3A_1012 = arith.constant 0 : i32
        %dma_start3A_1013 = tpu.memref_slice %arg8[%dma_start3A_1010, %dma_start3A_1011, %dma_start3A_1012] : memref<6x64x128xf32, #tpu.memory_space<vmem>> -> memref<1x64x128xf32, #tpu.memory_space<vmem>>
        %dma_start3A_1014 = tpu.memref_squeeze %dma_start3A_1013 : memref<1x64x128xf32, #tpu.memory_space<vmem>> -> memref<64x128xf32, #tpu.memory_space<vmem>>
        %dma_start3A_1015 = arith.constant 0 : i32
        %dma_start3A_1016 = tpu.memref_slice %arg3[%dma_start3A_1015, %multiple_of3A_996] : memref<64x1000000xf32, #tpu.memory_space<hbm>> -> memref<64x128xf32, #tpu.memory_space<hbm>>
        %dma_start3A_1017 = arith.constant 0 : i32
        %dma_start3A_1018 = arith.constant 0 : i32
        %dma_start3A_1019 = tpu.memref_slice %arg8[%dma_start3A_1010, %dma_start3A_1017, %dma_start3A_1018] : memref<6x64x128xf32, #tpu.memory_space<vmem>> -> memref<1x64x128xf32, #tpu.memory_space<vmem>>
        %dma_start3A_1020 = tpu.memref_squeeze %dma_start3A_1019 : memref<1x64x128xf32, #tpu.memory_space<vmem>> -> memref<64x128xf32, #tpu.memory_space<vmem>>
        %dma_start3A_1021 = arith.constant 0 : i32
        %dma_start3A_1022 = tpu.memref_slice %arg3[%dma_start3A_1021, %multiple_of3A_996] : memref<64x1000000xf32, #tpu.memory_space<hbm>> -> memref<64x128xf32, #tpu.memory_space<hbm>>
        tpu.enqueue_dma source(%dma_start3A_1022 : memref<64x128xf32, #tpu.memory_space<hbm>>) target(%dma_start3A_1020 : memref<64x128xf32, #tpu.memory_space<vmem>>) target_semaphore(%arg17 : memref<!tpu.dma_semaphore, #tpu.memory_space<semaphore_mem>>)
      } else {
      }
      %dma_wait3A_577 = arith.constant 2 : i32
      %dma_wait3A_578 = arith.constant 0 : i32
      %dma_wait3A_579 = arith.constant 0 : i32
      %dma_wait3A_580 = tpu.memref_slice %arg7[%dma_wait3A_577, %dma_wait3A_578, %dma_wait3A_579] : memref<6x64x128xf32, #tpu.memory_space<vmem>> -> memref<1x64x128xf32, #tpu.memory_space<vmem>>
      %dma_wait3A_581 = tpu.memref_squeeze %dma_wait3A_580 : memref<1x64x128xf32, #tpu.memory_space<vmem>> -> memref<64x128xf32, #tpu.memory_space<vmem>>
      %dma_wait3A_582 = arith.constant 0 : i32
      %dma_wait3A_583 = arith.constant 0 : i32
      %dma_wait3A_584 = tpu.memref_slice %arg2[%dma_wait3A_582, %dma_wait3A_583] : memref<64x1000000xf32, #tpu.memory_space<hbm>> -> memref<64x128xf32, #tpu.memory_space<hbm>>
      %dma_wait3A_585 = arith.constant 0 : i32
      %dma_wait3A_586 = arith.constant 0 : i32
      %dma_wait3A_587 = tpu.memref_slice %arg7[%dma_wait3A_577, %dma_wait3A_585, %dma_wait3A_586] : memref<6x64x128xf32, #tpu.memory_space<vmem>> -> memref<1x64x128xf32, #tpu.memory_space<vmem>>
      %dma_wait3A_588 = tpu.memref_squeeze %dma_wait3A_587 : memref<1x64x128xf32, #tpu.memory_space<vmem>> -> memref<64x128xf32, #tpu.memory_space<vmem>>
      %dma_wait3A_589 = arith.constant 0 : i32
      %dma_wait3A_590 = arith.constant 0 : i32
      %dma_wait3A_591 = tpu.memref_slice %arg2[%dma_wait3A_589, %dma_wait3A_590] : memref<64x1000000xf32, #tpu.memory_space<hbm>> -> memref<64x128xf32, #tpu.memory_space<hbm>>
      tpu.wait_dma2 semaphore(%arg12 : memref<!tpu.dma_semaphore, #tpu.memory_space<semaphore_mem>>) src(%dma_wait3A_591 : memref<64x128xf32, #tpu.memory_space<hbm>>) dst(%dma_wait3A_588 : memref<64x128xf32, #tpu.memory_space<vmem>>)
      %dma_wait3A_592 = arith.constant 2 : i32
      %dma_wait3A_593 = arith.constant 0 : i32
      %dma_wait3A_594 = arith.constant 0 : i32
      %dma_wait3A_595 = tpu.memref_slice %arg8[%dma_wait3A_592, %dma_wait3A_593, %dma_wait3A_594] : memref<6x64x128xf32, #tpu.memory_space<vmem>> -> memref<1x64x128xf32, #tpu.memory_space<vmem>>
      %dma_wait3A_596 = tpu.memref_squeeze %dma_wait3A_595 : memref<1x64x128xf32, #tpu.memory_space<vmem>> -> memref<64x128xf32, #tpu.memory_space<vmem>>
      %dma_wait3A_597 = arith.constant 0 : i32
      %dma_wait3A_598 = arith.constant 0 : i32
      %dma_wait3A_599 = tpu.memref_slice %arg3[%dma_wait3A_597, %dma_wait3A_598] : memref<64x1000000xf32, #tpu.memory_space<hbm>> -> memref<64x128xf32, #tpu.memory_space<hbm>>
      %dma_wait3A_600 = arith.constant 0 : i32
      %dma_wait3A_601 = arith.constant 0 : i32
      %dma_wait3A_602 = tpu.memref_slice %arg8[%dma_wait3A_592, %dma_wait3A_600, %dma_wait3A_601] : memref<6x64x128xf32, #tpu.memory_space<vmem>> -> memref<1x64x128xf32, #tpu.memory_space<vmem>>
      %dma_wait3A_603 = tpu.memref_squeeze %dma_wait3A_602 : memref<1x64x128xf32, #tpu.memory_space<vmem>> -> memref<64x128xf32, #tpu.memory_space<vmem>>
      %dma_wait3A_604 = arith.constant 0 : i32
      %dma_wait3A_605 = arith.constant 0 : i32
      %dma_wait3A_606 = tpu.memref_slice %arg3[%dma_wait3A_604, %dma_wait3A_605] : memref<64x1000000xf32, #tpu.memory_space<hbm>> -> memref<64x128xf32, #tpu.memory_space<hbm>>
      tpu.wait_dma2 semaphore(%arg18 : memref<!tpu.dma_semaphore, #tpu.memory_space<semaphore_mem>>) src(%dma_wait3A_606 : memref<64x128xf32, #tpu.memory_space<hbm>>) dst(%dma_wait3A_603 : memref<64x128xf32, #tpu.memory_space<vmem>>)
      %get3A_607 = arith.index_cast %add3A_567 : i32 to index
      %get3A_608 = tpu.vector_load %arg6[%get3A_607] {strides = array<i32>} : memref<96xi32, #tpu.memory_space<vmem>>, vector<16xi32>,
      %slice3A_609 = vector.extract_strided_slice %get3A_608 {offsets = [0], sizes = [1], strides = [1]} : vector<16xi32> to vector<1xi32>
      %squeeze3A_610 = vector.extract %slice3A_609[0] : i32 from vector<1xi32>
      %and3A_611 = arith.constant 127 : i32
      %and3A_612 = arith.andi %squeeze3A_610, %and3A_611 : i32
      %broadcast_in_dim3A_613 = vector.broadcast %and3A_612 : i32 to vector<16xi32>
      %broadcast_in_dim3A_614 = arith.constant 2 : i32
      %broadcast_in_dim3A_615 = vector.broadcast %broadcast_in_dim3A_614 : i32 to vector<16xi32>
      %broadcast_in_dim3A_616 = vector.broadcast %add3A_567 : i32 to vector<16xi32>
      %add3A_617 = arith.constant 0 : i32
      %add3A_618 = vector.broadcast %add3A_617 : i32 to vector<16xi32>
      %add3A_619 = arith.addi %iota3A, %add3A_618 : vector<16xi32>
      %gather3A_620 = tpu.vector_load_idx %arg7[%broadcast_in_dim3A_615, %add3A_619, %broadcast_in_dim3A_613] : memref<6x64x128xf32, #tpu.memory_space<vmem>>[vector<16xi32>, vector<16xi32>, vector<16xi32>], vector<16xf32>,
      %gather3A_621 = tpu.vector_load_idx %arg8[%broadcast_in_dim3A_615, %add3A_619, %broadcast_in_dim3A_613] : memref<6x64x128xf32, #tpu.memory_space<vmem>>[vector<16xi32>, vector<16xi32>, vector<16xi32>], vector<16xf32>,
      %exp3A_622 = math.exp %gather3A_621 : vector<16xf32>
      %add3A_623 = arith.addf %gather3A_620, %exp3A_622 : vector<16xf32>
      %add3A_624 = arith.constant 0 : i32
      %add3A_625 = vector.broadcast %add3A_624 : i32 to vector<16xi32>
      %add3A_626 = arith.addi %iota3A, %add3A_625 : vector<16xi32>
      tpu.vector_store_idx %arg9[%add3A_626, %broadcast_in_dim3A_616], %gather3A_620 : memref<128x80xf32, #tpu.memory_space<vmem>>[vector<16xi32>, vector<16xi32>], vector<16xf32>,
      %add3A_627 = arith.constant 32 : i32
      %add3A_628 = vector.broadcast %add3A_627 : i32 to vector<16xi32>
      %add3A_629 = arith.addi %add3A_626, %add3A_628 : vector<16xi32>
      tpu.vector_store_idx %arg9[%add3A_629, %broadcast_in_dim3A_616], %add3A_623 : memref<128x80xf32, #tpu.memory_space<vmem>>[vector<16xi32>, vector<16xi32>], vector<16xf32>,
      %add3A_630 = arith.constant 16 : i32
      %add3A_631 = vector.broadcast %add3A_630 : i32 to vector<16xi32>
      %add3A_632 = arith.addi %iota3A, %add3A_631 : vector<16xi32>
      %gather3A_633 = tpu.vector_load_idx %arg7[%broadcast_in_dim3A_615, %add3A_632, %broadcast_in_dim3A_613] : memref<6x64x128xf32, #tpu.memory_space<vmem>>[vector<16xi32>, vector<16xi32>, vector<16xi32>], vector<16xf32>,
      %gather3A_634 = tpu.vector_load_idx %arg8[%broadcast_in_dim3A_615, %add3A_632, %broadcast_in_dim3A_613] : memref<6x64x128xf32, #tpu.memory_space<vmem>>[vector<16xi32>, vector<16xi32>, vector<16xi32>], vector<16xf32>,
      %exp3A_635 = math.exp %gather3A_634 : vector<16xf32>
      %add3A_636 = arith.addf %gather3A_633, %exp3A_635 : vector<16xf32>
      %add3A_637 = arith.constant 16 : i32
      %add3A_638 = vector.broadcast %add3A_637 : i32 to vector<16xi32>
      %add3A_639 = arith.addi %iota3A, %add3A_638 : vector<16xi32>
      tpu.vector_store_idx %arg9[%add3A_639, %broadcast_in_dim3A_616], %gather3A_633 : memref<128x80xf32, #tpu.memory_space<vmem>>[vector<16xi32>, vector<16xi32>], vector<16xf32>,
      %add3A_640 = arith.constant 32 : i32
      %add3A_641 = vector.broadcast %add3A_640 : i32 to vector<16xi32>
      %add3A_642 = arith.addi %add3A_639, %add3A_641 : vector<16xi32>
      tpu.vector_store_idx %arg9[%add3A_642, %broadcast_in_dim3A_616], %add3A_636 : memref<128x80xf32, #tpu.memory_space<vmem>>[vector<16xi32>, vector<16xi32>], vector<16xf32>,
      %add3A_643 = arith.constant 32 : i32
      %add3A_644 = vector.broadcast %add3A_643 : i32 to vector<16xi32>
      %add3A_645 = arith.addi %iota3A, %add3A_644 : vector<16xi32>
      %gather3A_646 = tpu.vector_load_idx %arg7[%broadcast_in_dim3A_615, %add3A_645, %broadcast_in_dim3A_613] : memref<6x64x128xf32, #tpu.memory_space<vmem>>[vector<16xi32>, vector<16xi32>, vector<16xi32>], vector<16xf32>,
      %gather3A_647 = tpu.vector_load_idx %arg8[%broadcast_in_dim3A_615, %add3A_645, %broadcast_in_dim3A_613] : memref<6x64x128xf32, #tpu.memory_space<vmem>>[vector<16xi32>, vector<16xi32>, vector<16xi32>], vector<16xf32>,
      %exp3A_648 = math.exp %gather3A_647 : vector<16xf32>
      %add3A_649 = arith.addf %gather3A_646, %exp3A_648 : vector<16xf32>
      %add3A_650 = arith.constant 64 : i32
      %add3A_651 = vector.broadcast %add3A_650 : i32 to vector<16xi32>
      %add3A_652 = arith.addi %iota3A, %add3A_651 : vector<16xi32>
      tpu.vector_store_idx %arg9[%add3A_652, %broadcast_in_dim3A_616], %gather3A_646 : memref<128x80xf32, #tpu.memory_space<vmem>>[vector<16xi32>, vector<16xi32>], vector<16xf32>,
      %add3A_653 = arith.constant 32 : i32
      %add3A_654 = vector.broadcast %add3A_653 : i32 to vector<16xi32>
      %add3A_655 = arith.addi %add3A_652, %add3A_654 : vector<16xi32>
      tpu.vector_store_idx %arg9[%add3A_655, %broadcast_in_dim3A_616], %add3A_649 : memref<128x80xf32, #tpu.memory_space<vmem>>[vector<16xi32>, vector<16xi32>], vector<16xf32>,
      %add3A_656 = arith.constant 48 : i32
      %add3A_657 = vector.broadcast %add3A_656 : i32 to vector<16xi32>
      %add3A_658 = arith.addi %iota3A, %add3A_657 : vector<16xi32>
      %gather3A_659 = tpu.vector_load_idx %arg7[%broadcast_in_dim3A_615, %add3A_658, %broadcast_in_dim3A_613] : memref<6x64x128xf32, #tpu.memory_space<vmem>>[vector<16xi32>, vector<16xi32>, vector<16xi32>], vector<16xf32>,
      %gather3A_660 = tpu.vector_load_idx %arg8[%broadcast_in_dim3A_615, %add3A_658, %broadcast_in_dim3A_613] : memref<6x64x128xf32, #tpu.memory_space<vmem>>[vector<16xi32>, vector<16xi32>, vector<16xi32>], vector<16xf32>,
      %exp3A_661 = math.exp %gather3A_660 : vector<16xf32>
      %add3A_662 = arith.addf %gather3A_659, %exp3A_661 : vector<16xf32>
      %add3A_663 = arith.constant 80 : i32
      %add3A_664 = vector.broadcast %add3A_663 : i32 to vector<16xi32>
      %add3A_665 = arith.addi %iota3A, %add3A_664 : vector<16xi32>
      tpu.vector_store_idx %arg9[%add3A_665, %broadcast_in_dim3A_616], %gather3A_659 : memref<128x80xf32, #tpu.memory_space<vmem>>[vector<16xi32>, vector<16xi32>], vector<16xf32>,
      %add3A_666 = arith.constant 32 : i32
      %add3A_667 = vector.broadcast %add3A_666 : i32 to vector<16xi32>
      %add3A_668 = arith.addi %add3A_665, %add3A_667 : vector<16xi32>
      tpu.vector_store_idx %arg9[%add3A_668, %broadcast_in_dim3A_616], %add3A_662 : memref<128x80xf32, #tpu.memory_space<vmem>>[vector<16xi32>, vector<16xi32>], vector<16xf32>,
      %mul3A_669 = arith.constant 6 : i32
      %mul3A_670 = arith.muli %mul3A_669, %scan3A_357 : i32
      %add3A_671 = arith.constant 3 : i32
      %add3A_672 = arith.addi %mul3A_670, %add3A_671 : i32
      %add3A_673 = arith.constant 6 : i32
      %add3A_674 = arith.addi %add3A_672, %add3A_673 : i32
      %sub3A_675 = arith.constant 1 : i32
      %sub3A_676 = arith.subi %add3A_674, %sub3A_675 : i32
      %lt3A_677 = arith.constant 80 : i32
      %lt3A_678 = arith.cmpi slt, %sub3A_676, %lt3A_677 : i32
      %convert_element_type3A_679 = arith.extui %lt3A_678 : i1 to i32
      %cond3A_680 = arith.constant 0 : i32
      %cond3A_681 = arith.cmpi ne, %convert_element_type3A_679, %cond3A_680 : i32
      scf.if %cond3A_681 {
        %add3A_984 = arith.constant 6 : i32
        %add3A_985 = arith.addi %add3A_672, %add3A_984 : i32
        %sub3A_986 = arith.constant 1 : i32
        %sub3A_987 = arith.subi %add3A_985, %sub3A_986 : i32
        %get3A_988 = arith.index_cast %sub3A_987 : i32 to index
        %get3A_989 = tpu.vector_load %arg6[%get3A_988] {strides = array<i32>} : memref<96xi32, #tpu.memory_space<vmem>>, vector<16xi32>,
        %slice3A_990 = vector.extract_strided_slice %get3A_989 {offsets = [0], sizes = [1], strides = [1]} : vector<16xi32> to vector<1xi32>
        %squeeze3A_991 = vector.extract %slice3A_990[0] : i32 from vector<1xi32>
        %shift_right_arithmetic3A_992 = arith.constant 7 : i32
        %shift_right_arithmetic3A_993 = arith.shrsi %squeeze3A_991, %shift_right_arithmetic3A_992 : i32
        %shift_left3A_994 = arith.constant 7 : i32
        %shift_left3A_995 = arith.shli %shift_right_arithmetic3A_993, %shift_left3A_994 : i32
        %multiple_of3A_996 = tpu.assume_multiple %shift_left3A_995, 128 : i32
        %dma_start3A_997 = arith.constant 2 : i32
        %dma_start3A_998 = arith.constant 0 : i32
        %dma_start3A_999 = arith.constant 0 : i32
        %dma_start3A_1000 = tpu.memref_slice %arg7[%dma_start3A_997, %dma_start3A_998, %dma_start3A_999] : memref<6x64x128xf32, #tpu.memory_space<vmem>> -> memref<1x64x128xf32, #tpu.memory_space<vmem>>
        %dma_start3A_1001 = tpu.memref_squeeze %dma_start3A_1000 : memref<1x64x128xf32, #tpu.memory_space<vmem>> -> memref<64x128xf32, #tpu.memory_space<vmem>>
        %dma_start3A_1002 = arith.constant 0 : i32
        %dma_start3A_1003 = tpu.memref_slice %arg2[%dma_start3A_1002, %multiple_of3A_996] : memref<64x1000000xf32, #tpu.memory_space<hbm>> -> memref<64x128xf32, #tpu.memory_space<hbm>>
        %dma_start3A_1004 = arith.constant 0 : i32
        %dma_start3A_1005 = arith.constant 0 : i32
        %dma_start3A_1006 = tpu.memref_slice %arg7[%dma_start3A_997, %dma_start3A_1004, %dma_start3A_1005] : memref<6x64x128xf32, #tpu.memory_space<vmem>> -> memref<1x64x128xf32, #tpu.memory_space<vmem>>
        %dma_start3A_1007 = tpu.memref_squeeze %dma_start3A_1006 : memref<1x64x128xf32, #tpu.memory_space<vmem>> -> memref<64x128xf32, #tpu.memory_space<vmem>>
        %dma_start3A_1008 = arith.constant 0 : i32
        %dma_start3A_1009 = tpu.memref_slice %arg2[%dma_start3A_1008, %multiple_of3A_996] : memref<64x1000000xf32, #tpu.memory_space<hbm>> -> memref<64x128xf32, #tpu.memory_space<hbm>>
        tpu.enqueue_dma source(%dma_start3A_1009 : memref<64x128xf32, #tpu.memory_space<hbm>>) target(%dma_start3A_1007 : memref<64x128xf32, #tpu.memory_space<vmem>>) target_semaphore(%arg12 : memref<!tpu.dma_semaphore, #tpu.memory_space<semaphore_mem>>)
        %dma_start3A_1010 = arith.constant 2 : i32
        %dma_start3A_1011 = arith.constant 0 : i32
        %dma_start3A_1012 = arith.constant 0 : i32
        %dma_start3A_1013 = tpu.memref_slice %arg8[%dma_start3A_1010, %dma_start3A_1011, %dma_start3A_1012] : memref<6x64x128xf32, #tpu.memory_space<vmem>> -> memref<1x64x128xf32, #tpu.memory_space<vmem>>
        %dma_start3A_1014 = tpu.memref_squeeze %dma_start3A_1013 : memref<1x64x128xf32, #tpu.memory_space<vmem>> -> memref<64x128xf32, #tpu.memory_space<vmem>>
        %dma_start3A_1015 = arith.constant 0 : i32
        %dma_start3A_1016 = tpu.memref_slice %arg3[%dma_start3A_1015, %multiple_of3A_996] : memref<64x1000000xf32, #tpu.memory_space<hbm>> -> memref<64x128xf32, #tpu.memory_space<hbm>>
        %dma_start3A_1017 = arith.constant 0 : i32
        %dma_start3A_1018 = arith.constant 0 : i32
        %dma_start3A_1019 = tpu.memref_slice %arg8[%dma_start3A_1010, %dma_start3A_1017, %dma_start3A_1018] : memref<6x64x128xf32, #tpu.memory_space<vmem>> -> memref<1x64x128xf32, #tpu.memory_space<vmem>>
        %dma_start3A_1020 = tpu.memref_squeeze %dma_start3A_1019 : memref<1x64x128xf32, #tpu.memory_space<vmem>> -> memref<64x128xf32, #tpu.memory_space<vmem>>
        %dma_start3A_1021 = arith.constant 0 : i32
        %dma_start3A_1022 = tpu.memref_slice %arg3[%dma_start3A_1021, %multiple_of3A_996] : memref<64x1000000xf32, #tpu.memory_space<hbm>> -> memref<64x128xf32, #tpu.memory_space<hbm>>
        tpu.enqueue_dma source(%dma_start3A_1022 : memref<64x128xf32, #tpu.memory_space<hbm>>) target(%dma_start3A_1020 : memref<64x128xf32, #tpu.memory_space<vmem>>) target_semaphore(%arg18 : memref<!tpu.dma_semaphore, #tpu.memory_space<semaphore_mem>>)
      } else {
      }
      %dma_wait3A_682 = arith.constant 3 : i32
      %dma_wait3A_683 = arith.constant 0 : i32
      %dma_wait3A_684 = arith.constant 0 : i32
      %dma_wait3A_685 = tpu.memref_slice %arg7[%dma_wait3A_682, %dma_wait3A_683, %dma_wait3A_684] : memref<6x64x128xf32, #tpu.memory_space<vmem>> -> memref<1x64x128xf32, #tpu.memory_space<vmem>>
      %dma_wait3A_686 = tpu.memref_squeeze %dma_wait3A_685 : memref<1x64x128xf32, #tpu.memory_space<vmem>> -> memref<64x128xf32, #tpu.memory_space<vmem>>
      %dma_wait3A_687 = arith.constant 0 : i32
      %dma_wait3A_688 = arith.constant 0 : i32
      %dma_wait3A_689 = tpu.memref_slice %arg2[%dma_wait3A_687, %dma_wait3A_688] : memref<64x1000000xf32, #tpu.memory_space<hbm>> -> memref<64x128xf32, #tpu.memory_space<hbm>>
      %dma_wait3A_690 = arith.constant 0 : i32
      %dma_wait3A_691 = arith.constant 0 : i32
      %dma_wait3A_692 = tpu.memref_slice %arg7[%dma_wait3A_682, %dma_wait3A_690, %dma_wait3A_691] : memref<6x64x128xf32, #tpu.memory_space<vmem>> -> memref<1x64x128xf32, #tpu.memory_space<vmem>>
      %dma_wait3A_693 = tpu.memref_squeeze %dma_wait3A_692 : memref<1x64x128xf32, #tpu.memory_space<vmem>> -> memref<64x128xf32, #tpu.memory_space<vmem>>
      %dma_wait3A_694 = arith.constant 0 : i32
      %dma_wait3A_695 = arith.constant 0 : i32
      %dma_wait3A_696 = tpu.memref_slice %arg2[%dma_wait3A_694, %dma_wait3A_695] : memref<64x1000000xf32, #tpu.memory_space<hbm>> -> memref<64x128xf32, #tpu.memory_space<hbm>>
      tpu.wait_dma2 semaphore(%arg13 : memref<!tpu.dma_semaphore, #tpu.memory_space<semaphore_mem>>) src(%dma_wait3A_696 : memref<64x128xf32, #tpu.memory_space<hbm>>) dst(%dma_wait3A_693 : memref<64x128xf32, #tpu.memory_space<vmem>>)
      %dma_wait3A_697 = arith.constant 3 : i32
      %dma_wait3A_698 = arith.constant 0 : i32
      %dma_wait3A_699 = arith.constant 0 : i32
      %dma_wait3A_700 = tpu.memref_slice %arg8[%dma_wait3A_697, %dma_wait3A_698, %dma_wait3A_699] : memref<6x64x128xf32, #tpu.memory_space<vmem>> -> memref<1x64x128xf32, #tpu.memory_space<vmem>>
      %dma_wait3A_701 = tpu.memref_squeeze %dma_wait3A_700 : memref<1x64x128xf32, #tpu.memory_space<vmem>> -> memref<64x128xf32, #tpu.memory_space<vmem>>
      %dma_wait3A_702 = arith.constant 0 : i32
      %dma_wait3A_703 = arith.constant 0 : i32
      %dma_wait3A_704 = tpu.memref_slice %arg3[%dma_wait3A_702, %dma_wait3A_703] : memref<64x1000000xf32, #tpu.memory_space<hbm>> -> memref<64x128xf32, #tpu.memory_space<hbm>>
      %dma_wait3A_705 = arith.constant 0 : i32
      %dma_wait3A_706 = arith.constant 0 : i32
      %dma_wait3A_707 = tpu.memref_slice %arg8[%dma_wait3A_697, %dma_wait3A_705, %dma_wait3A_706] : memref<6x64x128xf32, #tpu.memory_space<vmem>> -> memref<1x64x128xf32, #tpu.memory_space<vmem>>
      %dma_wait3A_708 = tpu.memref_squeeze %dma_wait3A_707 : memref<1x64x128xf32, #tpu.memory_space<vmem>> -> memref<64x128xf32, #tpu.memory_space<vmem>>
      %dma_wait3A_709 = arith.constant 0 : i32
      %dma_wait3A_710 = arith.constant 0 : i32
      %dma_wait3A_711 = tpu.memref_slice %arg3[%dma_wait3A_709, %dma_wait3A_710] : memref<64x1000000xf32, #tpu.memory_space<hbm>> -> memref<64x128xf32, #tpu.memory_space<hbm>>
      tpu.wait_dma2 semaphore(%arg19 : memref<!tpu.dma_semaphore, #tpu.memory_space<semaphore_mem>>) src(%dma_wait3A_711 : memref<64x128xf32, #tpu.memory_space<hbm>>) dst(%dma_wait3A_708 : memref<64x128xf32, #tpu.memory_space<vmem>>)
      %get3A_712 = arith.index_cast %add3A_672 : i32 to index
      %get3A_713 = tpu.vector_load %arg6[%get3A_712] {strides = array<i32>} : memref<96xi32, #tpu.memory_space<vmem>>, vector<16xi32>,
      %slice3A_714 = vector.extract_strided_slice %get3A_713 {offsets = [0], sizes = [1], strides = [1]} : vector<16xi32> to vector<1xi32>
      %squeeze3A_715 = vector.extract %slice3A_714[0] : i32 from vector<1xi32>
      %and3A_716 = arith.constant 127 : i32
      %and3A_717 = arith.andi %squeeze3A_715, %and3A_716 : i32
      %broadcast_in_dim3A_718 = vector.broadcast %and3A_717 : i32 to vector<16xi32>
      %broadcast_in_dim3A_719 = arith.constant 3 : i32
      %broadcast_in_dim3A_720 = vector.broadcast %broadcast_in_dim3A_719 : i32 to vector<16xi32>
      %broadcast_in_dim3A_721 = vector.broadcast %add3A_672 : i32 to vector<16xi32>
      %add3A_722 = arith.constant 0 : i32
      %add3A_723 = vector.broadcast %add3A_722 : i32 to vector<16xi32>
      %add3A_724 = arith.addi %iota3A, %add3A_723 : vector<16xi32>
      %gather3A_725 = tpu.vector_load_idx %arg7[%broadcast_in_dim3A_720, %add3A_724, %broadcast_in_dim3A_718] : memref<6x64x128xf32, #tpu.memory_space<vmem>>[vector<16xi32>, vector<16xi32>, vector<16xi32>], vector<16xf32>,
      %gather3A_726 = tpu.vector_load_idx %arg8[%broadcast_in_dim3A_720, %add3A_724, %broadcast_in_dim3A_718] : memref<6x64x128xf32, #tpu.memory_space<vmem>>[vector<16xi32>, vector<16xi32>, vector<16xi32>], vector<16xf32>,
      %exp3A_727 = math.exp %gather3A_726 : vector<16xf32>
      %add3A_728 = arith.addf %gather3A_725, %exp3A_727 : vector<16xf32>
      %add3A_729 = arith.constant 0 : i32
      %add3A_730 = vector.broadcast %add3A_729 : i32 to vector<16xi32>
      %add3A_731 = arith.addi %iota3A, %add3A_730 : vector<16xi32>
      tpu.vector_store_idx %arg9[%add3A_731, %broadcast_in_dim3A_721], %gather3A_725 : memref<128x80xf32, #tpu.memory_space<vmem>>[vector<16xi32>, vector<16xi32>], vector<16xf32>,
      %add3A_732 = arith.constant 32 : i32
      %add3A_733 = vector.broadcast %add3A_732 : i32 to vector<16xi32>
      %add3A_734 = arith.addi %add3A_731, %add3A_733 : vector<16xi32>
      tpu.vector_store_idx %arg9[%add3A_734, %broadcast_in_dim3A_721], %add3A_728 : memref<128x80xf32, #tpu.memory_space<vmem>>[vector<16xi32>, vector<16xi32>], vector<16xf32>,
      %add3A_735 = arith.constant 16 : i32
      %add3A_736 = vector.broadcast %add3A_735 : i32 to vector<16xi32>
      %add3A_737 = arith.addi %iota3A, %add3A_736 : vector<16xi32>
      %gather3A_738 = tpu.vector_load_idx %arg7[%broadcast_in_dim3A_720, %add3A_737, %broadcast_in_dim3A_718] : memref<6x64x128xf32, #tpu.memory_space<vmem>>[vector<16xi32>, vector<16xi32>, vector<16xi32>], vector<16xf32>,
      %gather3A_739 = tpu.vector_load_idx %arg8[%broadcast_in_dim3A_720, %add3A_737, %broadcast_in_dim3A_718] : memref<6x64x128xf32, #tpu.memory_space<vmem>>[vector<16xi32>, vector<16xi32>, vector<16xi32>], vector<16xf32>,
      %exp3A_740 = math.exp %gather3A_739 : vector<16xf32>
      %add3A_741 = arith.addf %gather3A_738, %exp3A_740 : vector<16xf32>
      %add3A_742 = arith.constant 16 : i32
      %add3A_743 = vector.broadcast %add3A_742 : i32 to vector<16xi32>
      %add3A_744 = arith.addi %iota3A, %add3A_743 : vector<16xi32>
      tpu.vector_store_idx %arg9[%add3A_744, %broadcast_in_dim3A_721], %gather3A_738 : memref<128x80xf32, #tpu.memory_space<vmem>>[vector<16xi32>, vector<16xi32>], vector<16xf32>,
      %add3A_745 = arith.constant 32 : i32
      %add3A_746 = vector.broadcast %add3A_745 : i32 to vector<16xi32>
      %add3A_747 = arith.addi %add3A_744, %add3A_746 : vector<16xi32>
      tpu.vector_store_idx %arg9[%add3A_747, %broadcast_in_dim3A_721], %add3A_741 : memref<128x80xf32, #tpu.memory_space<vmem>>[vector<16xi32>, vector<16xi32>], vector<16xf32>,
      %add3A_748 = arith.constant 32 : i32
      %add3A_749 = vector.broadcast %add3A_748 : i32 to vector<16xi32>
      %add3A_750 = arith.addi %iota3A, %add3A_749 : vector<16xi32>
      %gather3A_751 = tpu.vector_load_idx %arg7[%broadcast_in_dim3A_720, %add3A_750, %broadcast_in_dim3A_718] : memref<6x64x128xf32, #tpu.memory_space<vmem>>[vector<16xi32>, vector<16xi32>, vector<16xi32>], vector<16xf32>,
      %gather3A_752 = tpu.vector_load_idx %arg8[%broadcast_in_dim3A_720, %add3A_750, %broadcast_in_dim3A_718] : memref<6x64x128xf32, #tpu.memory_space<vmem>>[vector<16xi32>, vector<16xi32>, vector<16xi32>], vector<16xf32>,
      %exp3A_753 = math.exp %gather3A_752 : vector<16xf32>
      %add3A_754 = arith.addf %gather3A_751, %exp3A_753 : vector<16xf32>
      %add3A_755 = arith.constant 64 : i32
      %add3A_756 = vector.broadcast %add3A_755 : i32 to vector<16xi32>
      %add3A_757 = arith.addi %iota3A, %add3A_756 : vector<16xi32>
      tpu.vector_store_idx %arg9[%add3A_757, %broadcast_in_dim3A_721], %gather3A_751 : memref<128x80xf32, #tpu.memory_space<vmem>>[vector<16xi32>, vector<16xi32>], vector<16xf32>,
      %add3A_758 = arith.constant 32 : i32
      %add3A_759 = vector.broadcast %add3A_758 : i32 to vector<16xi32>
      %add3A_760 = arith.addi %add3A_757, %add3A_759 : vector<16xi32>
      tpu.vector_store_idx %arg9[%add3A_760, %broadcast_in_dim3A_721], %add3A_754 : memref<128x80xf32, #tpu.memory_space<vmem>>[vector<16xi32>, vector<16xi32>], vector<16xf32>,
      %add3A_761 = arith.constant 48 : i32
      %add3A_762 = vector.broadcast %add3A_761 : i32 to vector<16xi32>
      %add3A_763 = arith.addi %iota3A, %add3A_762 : vector<16xi32>
      %gather3A_764 = tpu.vector_load_idx %arg7[%broadcast_in_dim3A_720, %add3A_763, %broadcast_in_dim3A_718] : memref<6x64x128xf32, #tpu.memory_space<vmem>>[vector<16xi32>, vector<16xi32>, vector<16xi32>], vector<16xf32>,
      %gather3A_765 = tpu.vector_load_idx %arg8[%broadcast_in_dim3A_720, %add3A_763, %broadcast_in_dim3A_718] : memref<6x64x128xf32, #tpu.memory_space<vmem>>[vector<16xi32>, vector<16xi32>, vector<16xi32>], vector<16xf32>,
      %exp3A_766 = math.exp %gather3A_765 : vector<16xf32>
      %add3A_767 = arith.addf %gather3A_764, %exp3A_766 : vector<16xf32>
      %add3A_768 = arith.constant 80 : i32
      %add3A_769 = vector.broadcast %add3A_768 : i32 to vector<16xi32>
      %add3A_770 = arith.addi %iota3A, %add3A_769 : vector<16xi32>
      tpu.vector_store_idx %arg9[%add3A_770, %broadcast_in_dim3A_721], %gather3A_764 : memref<128x80xf32, #tpu.memory_space<vmem>>[vector<16xi32>, vector<16xi32>], vector<16xf32>,
      %add3A_771 = arith.constant 32 : i32
      %add3A_772 = vector.broadcast %add3A_771 : i32 to vector<16xi32>
      %add3A_773 = arith.addi %add3A_770, %add3A_772 : vector<16xi32>
      tpu.vector_store_idx %arg9[%add3A_773, %broadcast_in_dim3A_721], %add3A_767 : memref<128x80xf32, #tpu.memory_space<vmem>>[vector<16xi32>, vector<16xi32>], vector<16xf32>,
      %mul3A_774 = arith.constant 6 : i32
      %mul3A_775 = arith.muli %mul3A_774, %scan3A_357 : i32
      %add3A_776 = arith.constant 4 : i32
      %add3A_777 = arith.addi %mul3A_775, %add3A_776 : i32
      %add3A_778 = arith.constant 6 : i32
      %add3A_779 = arith.addi %add3A_777, %add3A_778 : i32
      %sub3A_780 = arith.constant 1 : i32
      %sub3A_781 = arith.subi %add3A_779, %sub3A_780 : i32
      %lt3A_782 = arith.constant 80 : i32
      %lt3A_783 = arith.cmpi slt, %sub3A_781, %lt3A_782 : i32
      %convert_element_type3A_784 = arith.extui %lt3A_783 : i1 to i32
      %cond3A_785 = arith.constant 0 : i32
      %cond3A_786 = arith.cmpi ne, %convert_element_type3A_784, %cond3A_785 : i32
      scf.if %cond3A_786 {
        %add3A_984 = arith.constant 6 : i32
        %add3A_985 = arith.addi %add3A_777, %add3A_984 : i32
        %sub3A_986 = arith.constant 1 : i32
        %sub3A_987 = arith.subi %add3A_985, %sub3A_986 : i32
        %get3A_988 = arith.index_cast %sub3A_987 : i32 to index
        %get3A_989 = tpu.vector_load %arg6[%get3A_988] {strides = array<i32>} : memref<96xi32, #tpu.memory_space<vmem>>, vector<16xi32>,
        %slice3A_990 = vector.extract_strided_slice %get3A_989 {offsets = [0], sizes = [1], strides = [1]} : vector<16xi32> to vector<1xi32>
        %squeeze3A_991 = vector.extract %slice3A_990[0] : i32 from vector<1xi32>
        %shift_right_arithmetic3A_992 = arith.constant 7 : i32
        %shift_right_arithmetic3A_993 = arith.shrsi %squeeze3A_991, %shift_right_arithmetic3A_992 : i32
        %shift_left3A_994 = arith.constant 7 : i32
        %shift_left3A_995 = arith.shli %shift_right_arithmetic3A_993, %shift_left3A_994 : i32
        %multiple_of3A_996 = tpu.assume_multiple %shift_left3A_995, 128 : i32
        %dma_start3A_997 = arith.constant 3 : i32
        %dma_start3A_998 = arith.constant 0 : i32
        %dma_start3A_999 = arith.constant 0 : i32
        %dma_start3A_1000 = tpu.memref_slice %arg7[%dma_start3A_997, %dma_start3A_998, %dma_start3A_999] : memref<6x64x128xf32, #tpu.memory_space<vmem>> -> memref<1x64x128xf32, #tpu.memory_space<vmem>>
        %dma_start3A_1001 = tpu.memref_squeeze %dma_start3A_1000 : memref<1x64x128xf32, #tpu.memory_space<vmem>> -> memref<64x128xf32, #tpu.memory_space<vmem>>
        %dma_start3A_1002 = arith.constant 0 : i32
        %dma_start3A_1003 = tpu.memref_slice %arg2[%dma_start3A_1002, %multiple_of3A_996] : memref<64x1000000xf32, #tpu.memory_space<hbm>> -> memref<64x128xf32, #tpu.memory_space<hbm>>
        %dma_start3A_1004 = arith.constant 0 : i32
        %dma_start3A_1005 = arith.constant 0 : i32
        %dma_start3A_1006 = tpu.memref_slice %arg7[%dma_start3A_997, %dma_start3A_1004, %dma_start3A_1005] : memref<6x64x128xf32, #tpu.memory_space<vmem>> -> memref<1x64x128xf32, #tpu.memory_space<vmem>>
        %dma_start3A_1007 = tpu.memref_squeeze %dma_start3A_1006 : memref<1x64x128xf32, #tpu.memory_space<vmem>> -> memref<64x128xf32, #tpu.memory_space<vmem>>
        %dma_start3A_1008 = arith.constant 0 : i32
        %dma_start3A_1009 = tpu.memref_slice %arg2[%dma_start3A_1008, %multiple_of3A_996] : memref<64x1000000xf32, #tpu.memory_space<hbm>> -> memref<64x128xf32, #tpu.memory_space<hbm>>
        tpu.enqueue_dma source(%dma_start3A_1009 : memref<64x128xf32, #tpu.memory_space<hbm>>) target(%dma_start3A_1007 : memref<64x128xf32, #tpu.memory_space<vmem>>) target_semaphore(%arg13 : memref<!tpu.dma_semaphore, #tpu.memory_space<semaphore_mem>>)
        %dma_start3A_1010 = arith.constant 3 : i32
        %dma_start3A_1011 = arith.constant 0 : i32
        %dma_start3A_1012 = arith.constant 0 : i32
        %dma_start3A_1013 = tpu.memref_slice %arg8[%dma_start3A_1010, %dma_start3A_1011, %dma_start3A_1012] : memref<6x64x128xf32, #tpu.memory_space<vmem>> -> memref<1x64x128xf32, #tpu.memory_space<vmem>>
        %dma_start3A_1014 = tpu.memref_squeeze %dma_start3A_1013 : memref<1x64x128xf32, #tpu.memory_space<vmem>> -> memref<64x128xf32, #tpu.memory_space<vmem>>
        %dma_start3A_1015 = arith.constant 0 : i32
        %dma_start3A_1016 = tpu.memref_slice %arg3[%dma_start3A_1015, %multiple_of3A_996] : memref<64x1000000xf32, #tpu.memory_space<hbm>> -> memref<64x128xf32, #tpu.memory_space<hbm>>
        %dma_start3A_1017 = arith.constant 0 : i32
        %dma_start3A_1018 = arith.constant 0 : i32
        %dma_start3A_1019 = tpu.memref_slice %arg8[%dma_start3A_1010, %dma_start3A_1017, %dma_start3A_1018] : memref<6x64x128xf32, #tpu.memory_space<vmem>> -> memref<1x64x128xf32, #tpu.memory_space<vmem>>
        %dma_start3A_1020 = tpu.memref_squeeze %dma_start3A_1019 : memref<1x64x128xf32, #tpu.memory_space<vmem>> -> memref<64x128xf32, #tpu.memory_space<vmem>>
        %dma_start3A_1021 = arith.constant 0 : i32
        %dma_start3A_1022 = tpu.memref_slice %arg3[%dma_start3A_1021, %multiple_of3A_996] : memref<64x1000000xf32, #tpu.memory_space<hbm>> -> memref<64x128xf32, #tpu.memory_space<hbm>>
        tpu.enqueue_dma source(%dma_start3A_1022 : memref<64x128xf32, #tpu.memory_space<hbm>>) target(%dma_start3A_1020 : memref<64x128xf32, #tpu.memory_space<vmem>>) target_semaphore(%arg19 : memref<!tpu.dma_semaphore, #tpu.memory_space<semaphore_mem>>)
      } else {
      }
      %dma_wait3A_787 = arith.constant 4 : i32
      %dma_wait3A_788 = arith.constant 0 : i32
      %dma_wait3A_789 = arith.constant 0 : i32
      %dma_wait3A_790 = tpu.memref_slice %arg7[%dma_wait3A_787, %dma_wait3A_788, %dma_wait3A_789] : memref<6x64x128xf32, #tpu.memory_space<vmem>> -> memref<1x64x128xf32, #tpu.memory_space<vmem>>
      %dma_wait3A_791 = tpu.memref_squeeze %dma_wait3A_790 : memref<1x64x128xf32, #tpu.memory_space<vmem>> -> memref<64x128xf32, #tpu.memory_space<vmem>>
      %dma_wait3A_792 = arith.constant 0 : i32
      %dma_wait3A_793 = arith.constant 0 : i32
      %dma_wait3A_794 = tpu.memref_slice %arg2[%dma_wait3A_792, %dma_wait3A_793] : memref<64x1000000xf32, #tpu.memory_space<hbm>> -> memref<64x128xf32, #tpu.memory_space<hbm>>
      %dma_wait3A_795 = arith.constant 0 : i32
      %dma_wait3A_796 = arith.constant 0 : i32
      %dma_wait3A_797 = tpu.memref_slice %arg7[%dma_wait3A_787, %dma_wait3A_795, %dma_wait3A_796] : memref<6x64x128xf32, #tpu.memory_space<vmem>> -> memref<1x64x128xf32, #tpu.memory_space<vmem>>
      %dma_wait3A_798 = tpu.memref_squeeze %dma_wait3A_797 : memref<1x64x128xf32, #tpu.memory_space<vmem>> -> memref<64x128xf32, #tpu.memory_space<vmem>>
      %dma_wait3A_799 = arith.constant 0 : i32
      %dma_wait3A_800 = arith.constant 0 : i32
      %dma_wait3A_801 = tpu.memref_slice %arg2[%dma_wait3A_799, %dma_wait3A_800] : memref<64x1000000xf32, #tpu.memory_space<hbm>> -> memref<64x128xf32, #tpu.memory_space<hbm>>
      tpu.wait_dma2 semaphore(%arg14 : memref<!tpu.dma_semaphore, #tpu.memory_space<semaphore_mem>>) src(%dma_wait3A_801 : memref<64x128xf32, #tpu.memory_space<hbm>>) dst(%dma_wait3A_798 : memref<64x128xf32, #tpu.memory_space<vmem>>)
      %dma_wait3A_802 = arith.constant 4 : i32
      %dma_wait3A_803 = arith.constant 0 : i32
      %dma_wait3A_804 = arith.constant 0 : i32
      %dma_wait3A_805 = tpu.memref_slice %arg8[%dma_wait3A_802, %dma_wait3A_803, %dma_wait3A_804] : memref<6x64x128xf32, #tpu.memory_space<vmem>> -> memref<1x64x128xf32, #tpu.memory_space<vmem>>
      %dma_wait3A_806 = tpu.memref_squeeze %dma_wait3A_805 : memref<1x64x128xf32, #tpu.memory_space<vmem>> -> memref<64x128xf32, #tpu.memory_space<vmem>>
      %dma_wait3A_807 = arith.constant 0 : i32
      %dma_wait3A_808 = arith.constant 0 : i32
      %dma_wait3A_809 = tpu.memref_slice %arg3[%dma_wait3A_807, %dma_wait3A_808] : memref<64x1000000xf32, #tpu.memory_space<hbm>> -> memref<64x128xf32, #tpu.memory_space<hbm>>
      %dma_wait3A_810 = arith.constant 0 : i32
      %dma_wait3A_811 = arith.constant 0 : i32
      %dma_wait3A_812 = tpu.memref_slice %arg8[%dma_wait3A_802, %dma_wait3A_810, %dma_wait3A_811] : memref<6x64x128xf32, #tpu.memory_space<vmem>> -> memref<1x64x128xf32, #tpu.memory_space<vmem>>
      %dma_wait3A_813 = tpu.memref_squeeze %dma_wait3A_812 : memref<1x64x128xf32, #tpu.memory_space<vmem>> -> memref<64x128xf32, #tpu.memory_space<vmem>>
      %dma_wait3A_814 = arith.constant 0 : i32
      %dma_wait3A_815 = arith.constant 0 : i32
      %dma_wait3A_816 = tpu.memref_slice %arg3[%dma_wait3A_814, %dma_wait3A_815] : memref<64x1000000xf32, #tpu.memory_space<hbm>> -> memref<64x128xf32, #tpu.memory_space<hbm>>
      tpu.wait_dma2 semaphore(%arg20 : memref<!tpu.dma_semaphore, #tpu.memory_space<semaphore_mem>>) src(%dma_wait3A_816 : memref<64x128xf32, #tpu.memory_space<hbm>>) dst(%dma_wait3A_813 : memref<64x128xf32, #tpu.memory_space<vmem>>)
      %get3A_817 = arith.index_cast %add3A_777 : i32 to index
      %get3A_818 = tpu.vector_load %arg6[%get3A_817] {strides = array<i32>} : memref<96xi32, #tpu.memory_space<vmem>>, vector<16xi32>,
      %slice3A_819 = vector.extract_strided_slice %get3A_818 {offsets = [0], sizes = [1], strides = [1]} : vector<16xi32> to vector<1xi32>
      %squeeze3A_820 = vector.extract %slice3A_819[0] : i32 from vector<1xi32>
      %and3A_821 = arith.constant 127 : i32
      %and3A_822 = arith.andi %squeeze3A_820, %and3A_821 : i32
      %broadcast_in_dim3A_823 = vector.broadcast %and3A_822 : i32 to vector<16xi32>
      %broadcast_in_dim3A_824 = arith.constant 4 : i32
      %broadcast_in_dim3A_825 = vector.broadcast %broadcast_in_dim3A_824 : i32 to vector<16xi32>
      %broadcast_in_dim3A_826 = vector.broadcast %add3A_777 : i32 to vector<16xi32>
      %add3A_827 = arith.constant 0 : i32
      %add3A_828 = vector.broadcast %add3A_827 : i32 to vector<16xi32>
      %add3A_829 = arith.addi %iota3A, %add3A_828 : vector<16xi32>
      %gather3A_830 = tpu.vector_load_idx %arg7[%broadcast_in_dim3A_825, %add3A_829, %broadcast_in_dim3A_823] : memref<6x64x128xf32, #tpu.memory_space<vmem>>[vector<16xi32>, vector<16xi32>, vector<16xi32>], vector<16xf32>,
      %gather3A_831 = tpu.vector_load_idx %arg8[%broadcast_in_dim3A_825, %add3A_829, %broadcast_in_dim3A_823] : memref<6x64x128xf32, #tpu.memory_space<vmem>>[vector<16xi32>, vector<16xi32>, vector<16xi32>], vector<16xf32>,
      %exp3A_832 = math.exp %gather3A_831 : vector<16xf32>
      %add3A_833 = arith.addf %gather3A_830, %exp3A_832 : vector<16xf32>
      %add3A_834 = arith.constant 0 : i32
      %add3A_835 = vector.broadcast %add3A_834 : i32 to vector<16xi32>
      %add3A_836 = arith.addi %iota3A, %add3A_835 : vector<16xi32>
      tpu.vector_store_idx %arg9[%add3A_836, %broadcast_in_dim3A_826], %gather3A_830 : memref<128x80xf32, #tpu.memory_space<vmem>>[vector<16xi32>, vector<16xi32>], vector<16xf32>,
      %add3A_837 = arith.constant 32 : i32
      %add3A_838 = vector.broadcast %add3A_837 : i32 to vector<16xi32>
      %add3A_839 = arith.addi %add3A_836, %add3A_838 : vector<16xi32>
      tpu.vector_store_idx %arg9[%add3A_839, %broadcast_in_dim3A_826], %add3A_833 : memref<128x80xf32, #tpu.memory_space<vmem>>[vector<16xi32>, vector<16xi32>], vector<16xf32>,
      %add3A_840 = arith.constant 16 : i32
      %add3A_841 = vector.broadcast %add3A_840 : i32 to vector<16xi32>
      %add3A_842 = arith.addi %iota3A, %add3A_841 : vector<16xi32>
      %gather3A_843 = tpu.vector_load_idx %arg7[%broadcast_in_dim3A_825, %add3A_842, %broadcast_in_dim3A_823] : memref<6x64x128xf32, #tpu.memory_space<vmem>>[vector<16xi32>, vector<16xi32>, vector<16xi32>], vector<16xf32>,
      %gather3A_844 = tpu.vector_load_idx %arg8[%broadcast_in_dim3A_825, %add3A_842, %broadcast_in_dim3A_823] : memref<6x64x128xf32, #tpu.memory_space<vmem>>[vector<16xi32>, vector<16xi32>, vector<16xi32>], vector<16xf32>,
      %exp3A_845 = math.exp %gather3A_844 : vector<16xf32>
      %add3A_846 = arith.addf %gather3A_843, %exp3A_845 : vector<16xf32>
      %add3A_847 = arith.constant 16 : i32
      %add3A_848 = vector.broadcast %add3A_847 : i32 to vector<16xi32>
      %add3A_849 = arith.addi %iota3A, %add3A_848 : vector<16xi32>
      tpu.vector_store_idx %arg9[%add3A_849, %broadcast_in_dim3A_826], %gather3A_843 : memref<128x80xf32, #tpu.memory_space<vmem>>[vector<16xi32>, vector<16xi32>], vector<16xf32>,
      %add3A_850 = arith.constant 32 : i32
      %add3A_851 = vector.broadcast %add3A_850 : i32 to vector<16xi32>
      %add3A_852 = arith.addi %add3A_849, %add3A_851 : vector<16xi32>
      tpu.vector_store_idx %arg9[%add3A_852, %broadcast_in_dim3A_826], %add3A_846 : memref<128x80xf32, #tpu.memory_space<vmem>>[vector<16xi32>, vector<16xi32>], vector<16xf32>,
      %add3A_853 = arith.constant 32 : i32
      %add3A_854 = vector.broadcast %add3A_853 : i32 to vector<16xi32>
      %add3A_855 = arith.addi %iota3A, %add3A_854 : vector<16xi32>
      %gather3A_856 = tpu.vector_load_idx %arg7[%broadcast_in_dim3A_825, %add3A_855, %broadcast_in_dim3A_823] : memref<6x64x128xf32, #tpu.memory_space<vmem>>[vector<16xi32>, vector<16xi32>, vector<16xi32>], vector<16xf32>,
      %gather3A_857 = tpu.vector_load_idx %arg8[%broadcast_in_dim3A_825, %add3A_855, %broadcast_in_dim3A_823] : memref<6x64x128xf32, #tpu.memory_space<vmem>>[vector<16xi32>, vector<16xi32>, vector<16xi32>], vector<16xf32>,
      %exp3A_858 = math.exp %gather3A_857 : vector<16xf32>
      %add3A_859 = arith.addf %gather3A_856, %exp3A_858 : vector<16xf32>
      %add3A_860 = arith.constant 64 : i32
      %add3A_861 = vector.broadcast %add3A_860 : i32 to vector<16xi32>
      %add3A_862 = arith.addi %iota3A, %add3A_861 : vector<16xi32>
      tpu.vector_store_idx %arg9[%add3A_862, %broadcast_in_dim3A_826], %gather3A_856 : memref<128x80xf32, #tpu.memory_space<vmem>>[vector<16xi32>, vector<16xi32>], vector<16xf32>,
      %add3A_863 = arith.constant 32 : i32
      %add3A_864 = vector.broadcast %add3A_863 : i32 to vector<16xi32>
      %add3A_865 = arith.addi %add3A_862, %add3A_864 : vector<16xi32>
      tpu.vector_store_idx %arg9[%add3A_865, %broadcast_in_dim3A_826], %add3A_859 : memref<128x80xf32, #tpu.memory_space<vmem>>[vector<16xi32>, vector<16xi32>], vector<16xf32>,
      %add3A_866 = arith.constant 48 : i32
      %add3A_867 = vector.broadcast %add3A_866 : i32 to vector<16xi32>
      %add3A_868 = arith.addi %iota3A, %add3A_867 : vector<16xi32>
      %gather3A_869 = tpu.vector_load_idx %arg7[%broadcast_in_dim3A_825, %add3A_868, %broadcast_in_dim3A_823] : memref<6x64x128xf32, #tpu.memory_space<vmem>>[vector<16xi32>, vector<16xi32>, vector<16xi32>], vector<16xf32>,
      %gather3A_870 = tpu.vector_load_idx %arg8[%broadcast_in_dim3A_825, %add3A_868, %broadcast_in_dim3A_823] : memref<6x64x128xf32, #tpu.memory_space<vmem>>[vector<16xi32>, vector<16xi32>, vector<16xi32>], vector<16xf32>,
      %exp3A_871 = math.exp %gather3A_870 : vector<16xf32>
      %add3A_872 = arith.addf %gather3A_869, %exp3A_871 : vector<16xf32>
      %add3A_873 = arith.constant 80 : i32
      %add3A_874 = vector.broadcast %add3A_873 : i32 to vector<16xi32>
      %add3A_875 = arith.addi %iota3A, %add3A_874 : vector<16xi32>
      tpu.vector_store_idx %arg9[%add3A_875, %broadcast_in_dim3A_826], %gather3A_869 : memref<128x80xf32, #tpu.memory_space<vmem>>[vector<16xi32>, vector<16xi32>], vector<16xf32>,
      %add3A_876 = arith.constant 32 : i32
      %add3A_877 = vector.broadcast %add3A_876 : i32 to vector<16xi32>
      %add3A_878 = arith.addi %add3A_875, %add3A_877 : vector<16xi32>
      tpu.vector_store_idx %arg9[%add3A_878, %broadcast_in_dim3A_826], %add3A_872 : memref<128x80xf32, #tpu.memory_space<vmem>>[vector<16xi32>, vector<16xi32>], vector<16xf32>,
      %mul3A_879 = arith.constant 6 : i32
      %mul3A_880 = arith.muli %mul3A_879, %scan3A_357 : i32
      %add3A_881 = arith.constant 5 : i32
      %add3A_882 = arith.addi %mul3A_880, %add3A_881 : i32
      %add3A_883 = arith.constant 6 : i32
      %add3A_884 = arith.addi %add3A_882, %add3A_883 : i32
      %sub3A_885 = arith.constant 1 : i32
      %sub3A_886 = arith.subi %add3A_884, %sub3A_885 : i32
      %lt3A_887 = arith.constant 80 : i32
      %lt3A_888 = arith.cmpi slt, %sub3A_886, %lt3A_887 : i32
      %convert_element_type3A_889 = arith.extui %lt3A_888 : i1 to i32
      %cond3A_890 = arith.constant 0 : i32
      %cond3A_891 = arith.cmpi ne, %convert_element_type3A_889, %cond3A_890 : i32
      scf.if %cond3A_891 {
        %add3A_984 = arith.constant 6 : i32
        %add3A_985 = arith.addi %add3A_882, %add3A_984 : i32
        %sub3A_986 = arith.constant 1 : i32
        %sub3A_987 = arith.subi %add3A_985, %sub3A_986 : i32
        %get3A_988 = arith.index_cast %sub3A_987 : i32 to index
        %get3A_989 = tpu.vector_load %arg6[%get3A_988] {strides = array<i32>} : memref<96xi32, #tpu.memory_space<vmem>>, vector<16xi32>,
        %slice3A_990 = vector.extract_strided_slice %get3A_989 {offsets = [0], sizes = [1], strides = [1]} : vector<16xi32> to vector<1xi32>
        %squeeze3A_991 = vector.extract %slice3A_990[0] : i32 from vector<1xi32>
        %shift_right_arithmetic3A_992 = arith.constant 7 : i32
        %shift_right_arithmetic3A_993 = arith.shrsi %squeeze3A_991, %shift_right_arithmetic3A_992 : i32
        %shift_left3A_994 = arith.constant 7 : i32
        %shift_left3A_995 = arith.shli %shift_right_arithmetic3A_993, %shift_left3A_994 : i32
        %multiple_of3A_996 = tpu.assume_multiple %shift_left3A_995, 128 : i32
        %dma_start3A_997 = arith.constant 4 : i32
        %dma_start3A_998 = arith.constant 0 : i32
        %dma_start3A_999 = arith.constant 0 : i32
        %dma_start3A_1000 = tpu.memref_slice %arg7[%dma_start3A_997, %dma_start3A_998, %dma_start3A_999] : memref<6x64x128xf32, #tpu.memory_space<vmem>> -> memref<1x64x128xf32, #tpu.memory_space<vmem>>
        %dma_start3A_1001 = tpu.memref_squeeze %dma_start3A_1000 : memref<1x64x128xf32, #tpu.memory_space<vmem>> -> memref<64x128xf32, #tpu.memory_space<vmem>>
        %dma_start3A_1002 = arith.constant 0 : i32
        %dma_start3A_1003 = tpu.memref_slice %arg2[%dma_start3A_1002, %multiple_of3A_996] : memref<64x1000000xf32, #tpu.memory_space<hbm>> -> memref<64x128xf32, #tpu.memory_space<hbm>>
        %dma_start3A_1004 = arith.constant 0 : i32
        %dma_start3A_1005 = arith.constant 0 : i32
        %dma_start3A_1006 = tpu.memref_slice %arg7[%dma_start3A_997, %dma_start3A_1004, %dma_start3A_1005] : memref<6x64x128xf32, #tpu.memory_space<vmem>> -> memref<1x64x128xf32, #tpu.memory_space<vmem>>
        %dma_start3A_1007 = tpu.memref_squeeze %dma_start3A_1006 : memref<1x64x128xf32, #tpu.memory_space<vmem>> -> memref<64x128xf32, #tpu.memory_space<vmem>>
        %dma_start3A_1008 = arith.constant 0 : i32
        %dma_start3A_1009 = tpu.memref_slice %arg2[%dma_start3A_1008, %multiple_of3A_996] : memref<64x1000000xf32, #tpu.memory_space<hbm>> -> memref<64x128xf32, #tpu.memory_space<hbm>>
        tpu.enqueue_dma source(%dma_start3A_1009 : memref<64x128xf32, #tpu.memory_space<hbm>>) target(%dma_start3A_1007 : memref<64x128xf32, #tpu.memory_space<vmem>>) target_semaphore(%arg14 : memref<!tpu.dma_semaphore, #tpu.memory_space<semaphore_mem>>)
        %dma_start3A_1010 = arith.constant 4 : i32
        %dma_start3A_1011 = arith.constant 0 : i32
        %dma_start3A_1012 = arith.constant 0 : i32
        %dma_start3A_1013 = tpu.memref_slice %arg8[%dma_start3A_1010, %dma_start3A_1011, %dma_start3A_1012] : memref<6x64x128xf32, #tpu.memory_space<vmem>> -> memref<1x64x128xf32, #tpu.memory_space<vmem>>
        %dma_start3A_1014 = tpu.memref_squeeze %dma_start3A_1013 : memref<1x64x128xf32, #tpu.memory_space<vmem>> -> memref<64x128xf32, #tpu.memory_space<vmem>>
        %dma_start3A_1015 = arith.constant 0 : i32
        %dma_start3A_1016 = tpu.memref_slice %arg3[%dma_start3A_1015, %multiple_of3A_996] : memref<64x1000000xf32, #tpu.memory_space<hbm>> -> memref<64x128xf32, #tpu.memory_space<hbm>>
        %dma_start3A_1017 = arith.constant 0 : i32
        %dma_start3A_1018 = arith.constant 0 : i32
        %dma_start3A_1019 = tpu.memref_slice %arg8[%dma_start3A_1010, %dma_start3A_1017, %dma_start3A_1018] : memref<6x64x128xf32, #tpu.memory_space<vmem>> -> memref<1x64x128xf32, #tpu.memory_space<vmem>>
        %dma_start3A_1020 = tpu.memref_squeeze %dma_start3A_1019 : memref<1x64x128xf32, #tpu.memory_space<vmem>> -> memref<64x128xf32, #tpu.memory_space<vmem>>
        %dma_start3A_1021 = arith.constant 0 : i32
        %dma_start3A_1022 = tpu.memref_slice %arg3[%dma_start3A_1021, %multiple_of3A_996] : memref<64x1000000xf32, #tpu.memory_space<hbm>> -> memref<64x128xf32, #tpu.memory_space<hbm>>
        tpu.enqueue_dma source(%dma_start3A_1022 : memref<64x128xf32, #tpu.memory_space<hbm>>) target(%dma_start3A_1020 : memref<64x128xf32, #tpu.memory_space<vmem>>) target_semaphore(%arg20 : memref<!tpu.dma_semaphore, #tpu.memory_space<semaphore_mem>>)
      } else {
      }
      %dma_wait3A_892 = arith.constant 5 : i32
      %dma_wait3A_893 = arith.constant 0 : i32
      %dma_wait3A_894 = arith.constant 0 : i32
      %dma_wait3A_895 = tpu.memref_slice %arg7[%dma_wait3A_892, %dma_wait3A_893, %dma_wait3A_894] : memref<6x64x128xf32, #tpu.memory_space<vmem>> -> memref<1x64x128xf32, #tpu.memory_space<vmem>>
      %dma_wait3A_896 = tpu.memref_squeeze %dma_wait3A_895 : memref<1x64x128xf32, #tpu.memory_space<vmem>> -> memref<64x128xf32, #tpu.memory_space<vmem>>
      %dma_wait3A_897 = arith.constant 0 : i32
      %dma_wait3A_898 = arith.constant 0 : i32
      %dma_wait3A_899 = tpu.memref_slice %arg2[%dma_wait3A_897, %dma_wait3A_898] : memref<64x1000000xf32, #tpu.memory_space<hbm>> -> memref<64x128xf32, #tpu.memory_space<hbm>>
      %dma_wait3A_900 = arith.constant 0 : i32
      %dma_wait3A_901 = arith.constant 0 : i32
      %dma_wait3A_902 = tpu.memref_slice %arg7[%dma_wait3A_892, %dma_wait3A_900, %dma_wait3A_901] : memref<6x64x128xf32, #tpu.memory_space<vmem>> -> memref<1x64x128xf32, #tpu.memory_space<vmem>>
      %dma_wait3A_903 = tpu.memref_squeeze %dma_wait3A_902 : memref<1x64x128xf32, #tpu.memory_space<vmem>> -> memref<64x128xf32, #tpu.memory_space<vmem>>
      %dma_wait3A_904 = arith.constant 0 : i32
      %dma_wait3A_905 = arith.constant 0 : i32
      %dma_wait3A_906 = tpu.memref_slice %arg2[%dma_wait3A_904, %dma_wait3A_905] : memref<64x1000000xf32, #tpu.memory_space<hbm>> -> memref<64x128xf32, #tpu.memory_space<hbm>>
      tpu.wait_dma2 semaphore(%arg15 : memref<!tpu.dma_semaphore, #tpu.memory_space<semaphore_mem>>) src(%dma_wait3A_906 : memref<64x128xf32, #tpu.memory_space<hbm>>) dst(%dma_wait3A_903 : memref<64x128xf32, #tpu.memory_space<vmem>>)
      %dma_wait3A_907 = arith.constant 5 : i32
      %dma_wait3A_908 = arith.constant 0 : i32
      %dma_wait3A_909 = arith.constant 0 : i32
      %dma_wait3A_910 = tpu.memref_slice %arg8[%dma_wait3A_907, %dma_wait3A_908, %dma_wait3A_909] : memref<6x64x128xf32, #tpu.memory_space<vmem>> -> memref<1x64x128xf32, #tpu.memory_space<vmem>>
      %dma_wait3A_911 = tpu.memref_squeeze %dma_wait3A_910 : memref<1x64x128xf32, #tpu.memory_space<vmem>> -> memref<64x128xf32, #tpu.memory_space<vmem>>
      %dma_wait3A_912 = arith.constant 0 : i32
      %dma_wait3A_913 = arith.constant 0 : i32
      %dma_wait3A_914 = tpu.memref_slice %arg3[%dma_wait3A_912, %dma_wait3A_913] : memref<64x1000000xf32, #tpu.memory_space<hbm>> -> memref<64x128xf32, #tpu.memory_space<hbm>>
      %dma_wait3A_915 = arith.constant 0 : i32
      %dma_wait3A_916 = arith.constant 0 : i32
      %dma_wait3A_917 = tpu.memref_slice %arg8[%dma_wait3A_907, %dma_wait3A_915, %dma_wait3A_916] : memref<6x64x128xf32, #tpu.memory_space<vmem>> -> memref<1x64x128xf32, #tpu.memory_space<vmem>>
      %dma_wait3A_918 = tpu.memref_squeeze %dma_wait3A_917 : memref<1x64x128xf32, #tpu.memory_space<vmem>> -> memref<64x128xf32, #tpu.memory_space<vmem>>
      %dma_wait3A_919 = arith.constant 0 : i32
      %dma_wait3A_920 = arith.constant 0 : i32
      %dma_wait3A_921 = tpu.memref_slice %arg3[%dma_wait3A_919, %dma_wait3A_920] : memref<64x1000000xf32, #tpu.memory_space<hbm>> -> memref<64x128xf32, #tpu.memory_space<hbm>>
      tpu.wait_dma2 semaphore(%arg21 : memref<!tpu.dma_semaphore, #tpu.memory_space<semaphore_mem>>) src(%dma_wait3A_921 : memref<64x128xf32, #tpu.memory_space<hbm>>) dst(%dma_wait3A_918 : memref<64x128xf32, #tpu.memory_space<vmem>>)
      %get3A_922 = arith.index_cast %add3A_882 : i32 to index
      %get3A_923 = tpu.vector_load %arg6[%get3A_922] {strides = array<i32>} : memref<96xi32, #tpu.memory_space<vmem>>, vector<16xi32>,
      %slice3A_924 = vector.extract_strided_slice %get3A_923 {offsets = [0], sizes = [1], strides = [1]} : vector<16xi32> to vector<1xi32>
      %squeeze3A_925 = vector.extract %slice3A_924[0] : i32 from vector<1xi32>
      %and3A_926 = arith.constant 127 : i32
      %and3A_927 = arith.andi %squeeze3A_925, %and3A_926 : i32
      %broadcast_in_dim3A_928 = vector.broadcast %and3A_927 : i32 to vector<16xi32>
      %broadcast_in_dim3A_929 = arith.constant 5 : i32
      %broadcast_in_dim3A_930 = vector.broadcast %broadcast_in_dim3A_929 : i32 to vector<16xi32>
      %broadcast_in_dim3A_931 = vector.broadcast %add3A_882 : i32 to vector<16xi32>
      %add3A_932 = arith.constant 0 : i32
      %add3A_933 = vector.broadcast %add3A_932 : i32 to vector<16xi32>
      %add3A_934 = arith.addi %iota3A, %add3A_933 : vector<16xi32>
      %gather3A_935 = tpu.vector_load_idx %arg7[%broadcast_in_dim3A_930, %add3A_934, %broadcast_in_dim3A_928] : memref<6x64x128xf32, #tpu.memory_space<vmem>>[vector<16xi32>, vector<16xi32>, vector<16xi32>], vector<16xf32>,
      %gather3A_936 = tpu.vector_load_idx %arg8[%broadcast_in_dim3A_930, %add3A_934, %broadcast_in_dim3A_928] : memref<6x64x128xf32, #tpu.memory_space<vmem>>[vector<16xi32>, vector<16xi32>, vector<16xi32>], vector<16xf32>,
      %exp3A_937 = math.exp %gather3A_936 : vector<16xf32>
      %add3A_938 = arith.addf %gather3A_935, %exp3A_937 : vector<16xf32>
      %add3A_939 = arith.constant 0 : i32
      %add3A_940 = vector.broadcast %add3A_939 : i32 to vector<16xi32>
      %add3A_941 = arith.addi %iota3A, %add3A_940 : vector<16xi32>
      tpu.vector_store_idx %arg9[%add3A_941, %broadcast_in_dim3A_931], %gather3A_935 : memref<128x80xf32, #tpu.memory_space<vmem>>[vector<16xi32>, vector<16xi32>], vector<16xf32>,
      %add3A_942 = arith.constant 32 : i32
      %add3A_943 = vector.broadcast %add3A_942 : i32 to vector<16xi32>
      %add3A_944 = arith.addi %add3A_941, %add3A_943 : vector<16xi32>
      tpu.vector_store_idx %arg9[%add3A_944, %broadcast_in_dim3A_931], %add3A_938 : memref<128x80xf32, #tpu.memory_space<vmem>>[vector<16xi32>, vector<16xi32>], vector<16xf32>,
      %add3A_945 = arith.constant 16 : i32
      %add3A_946 = vector.broadcast %add3A_945 : i32 to vector<16xi32>
      %add3A_947 = arith.addi %iota3A, %add3A_946 : vector<16xi32>
      %gather3A_948 = tpu.vector_load_idx %arg7[%broadcast_in_dim3A_930, %add3A_947, %broadcast_in_dim3A_928] : memref<6x64x128xf32, #tpu.memory_space<vmem>>[vector<16xi32>, vector<16xi32>, vector<16xi32>], vector<16xf32>,
      %gather3A_949 = tpu.vector_load_idx %arg8[%broadcast_in_dim3A_930, %add3A_947, %broadcast_in_dim3A_928] : memref<6x64x128xf32, #tpu.memory_space<vmem>>[vector<16xi32>, vector<16xi32>, vector<16xi32>], vector<16xf32>,
      %exp3A_950 = math.exp %gather3A_949 : vector<16xf32>
      %add3A_951 = arith.addf %gather3A_948, %exp3A_950 : vector<16xf32>
      %add3A_952 = arith.constant 16 : i32
      %add3A_953 = vector.broadcast %add3A_952 : i32 to vector<16xi32>
      %add3A_954 = arith.addi %iota3A, %add3A_953 : vector<16xi32>
      tpu.vector_store_idx %arg9[%add3A_954, %broadcast_in_dim3A_931], %gather3A_948 : memref<128x80xf32, #tpu.memory_space<vmem>>[vector<16xi32>, vector<16xi32>], vector<16xf32>,
      %add3A_955 = arith.constant 32 : i32
      %add3A_956 = vector.broadcast %add3A_955 : i32 to vector<16xi32>
      %add3A_957 = arith.addi %add3A_954, %add3A_956 : vector<16xi32>
      tpu.vector_store_idx %arg9[%add3A_957, %broadcast_in_dim3A_931], %add3A_951 : memref<128x80xf32, #tpu.memory_space<vmem>>[vector<16xi32>, vector<16xi32>], vector<16xf32>,
      %add3A_958 = arith.constant 32 : i32
      %add3A_959 = vector.broadcast %add3A_958 : i32 to vector<16xi32>
      %add3A_960 = arith.addi %iota3A, %add3A_959 : vector<16xi32>
      %gather3A_961 = tpu.vector_load_idx %arg7[%broadcast_in_dim3A_930, %add3A_960, %broadcast_in_dim3A_928] : memref<6x64x128xf32, #tpu.memory_space<vmem>>[vector<16xi32>, vector<16xi32>, vector<16xi32>], vector<16xf32>,
      %gather3A_962 = tpu.vector_load_idx %arg8[%broadcast_in_dim3A_930, %add3A_960, %broadcast_in_dim3A_928] : memref<6x64x128xf32, #tpu.memory_space<vmem>>[vector<16xi32>, vector<16xi32>, vector<16xi32>], vector<16xf32>,
      %exp3A_963 = math.exp %gather3A_962 : vector<16xf32>
      %add3A_964 = arith.addf %gather3A_961, %exp3A_963 : vector<16xf32>
      %add3A_965 = arith.constant 64 : i32
      %add3A_966 = vector.broadcast %add3A_965 : i32 to vector<16xi32>
      %add3A_967 = arith.addi %iota3A, %add3A_966 : vector<16xi32>
      tpu.vector_store_idx %arg9[%add3A_967, %broadcast_in_dim3A_931], %gather3A_961 : memref<128x80xf32, #tpu.memory_space<vmem>>[vector<16xi32>, vector<16xi32>], vector<16xf32>,
      %add3A_968 = arith.constant 32 : i32
      %add3A_969 = vector.broadcast %add3A_968 : i32 to vector<16xi32>
      %add3A_970 = arith.addi %add3A_967, %add3A_969 : vector<16xi32>
      tpu.vector_store_idx %arg9[%add3A_970, %broadcast_in_dim3A_931], %add3A_964 : memref<128x80xf32, #tpu.memory_space<vmem>>[vector<16xi32>, vector<16xi32>], vector<16xf32>,
      %add3A_971 = arith.constant 48 : i32
      %add3A_972 = vector.broadcast %add3A_971 : i32 to vector<16xi32>
      %add3A_973 = arith.addi %iota3A, %add3A_972 : vector<16xi32>
      %gather3A_974 = tpu.vector_load_idx %arg7[%broadcast_in_dim3A_930, %add3A_973, %broadcast_in_dim3A_928] : memref<6x64x128xf32, #tpu.memory_space<vmem>>[vector<16xi32>, vector<16xi32>, vector<16xi32>], vector<16xf32>,
      %gather3A_975 = tpu.vector_load_idx %arg8[%broadcast_in_dim3A_930, %add3A_973, %broadcast_in_dim3A_928] : memref<6x64x128xf32, #tpu.memory_space<vmem>>[vector<16xi32>, vector<16xi32>, vector<16xi32>], vector<16xf32>,
      %exp3A_976 = math.exp %gather3A_975 : vector<16xf32>
      %add3A_977 = arith.addf %gather3A_974, %exp3A_976 : vector<16xf32>
      %add3A_978 = arith.constant 80 : i32
      %add3A_979 = vector.broadcast %add3A_978 : i32 to vector<16xi32>
      %add3A_980 = arith.addi %iota3A, %add3A_979 : vector<16xi32>
      tpu.vector_store_idx %arg9[%add3A_980, %broadcast_in_dim3A_931], %gather3A_974 : memref<128x80xf32, #tpu.memory_space<vmem>>[vector<16xi32>, vector<16xi32>], vector<16xf32>,
      %add3A_981 = arith.constant 32 : i32
      %add3A_982 = vector.broadcast %add3A_981 : i32 to vector<16xi32>
      %add3A_983 = arith.addi %add3A_980, %add3A_982 : vector<16xi32>
      tpu.vector_store_idx %arg9[%add3A_983, %broadcast_in_dim3A_931], %add3A_977 : memref<128x80xf32, #tpu.memory_space<vmem>>[vector<16xi32>, vector<16xi32>], vector<16xf32>,
    }
    %scan3A_175 = arith.constant 13 : i32
    %dma_wait3A = arith.constant 0 : i32
    %dma_wait3A_176 = arith.constant 0 : i32
    %dma_wait3A_177 = arith.constant 0 : i32
    %dma_wait3A_178 = tpu.memref_slice %arg7[%dma_wait3A, %dma_wait3A_176, %dma_wait3A_177] : memref<6x64x128xf32, #tpu.memory_space<vmem>> -> memref<1x64x128xf32, #tpu.memory_space<vmem>>
    %dma_wait3A_179 = tpu.memref_squeeze %dma_wait3A_178 : memref<1x64x128xf32, #tpu.memory_space<vmem>> -> memref<64x128xf32, #tpu.memory_space<vmem>>
    %dma_wait3A_180 = arith.constant 0 : i32
    %dma_wait3A_181 = arith.constant 0 : i32
    %dma_wait3A_182 = tpu.memref_slice %arg2[%dma_wait3A_180, %dma_wait3A_181] : memref<64x1000000xf32, #tpu.memory_space<hbm>> -> memref<64x128xf32, #tpu.memory_space<hbm>>
    %dma_wait3A_183 = arith.constant 0 : i32
    %dma_wait3A_184 = arith.constant 0 : i32
    %dma_wait3A_185 = tpu.memref_slice %arg7[%dma_wait3A, %dma_wait3A_183, %dma_wait3A_184] : memref<6x64x128xf32, #tpu.memory_space<vmem>> -> memref<1x64x128xf32, #tpu.memory_space<vmem>>
    %dma_wait3A_186 = tpu.memref_squeeze %dma_wait3A_185 : memref<1x64x128xf32, #tpu.memory_space<vmem>> -> memref<64x128xf32, #tpu.memory_space<vmem>>
    %dma_wait3A_187 = arith.constant 0 : i32
    %dma_wait3A_188 = arith.constant 0 : i32
    %dma_wait3A_189 = tpu.memref_slice %arg2[%dma_wait3A_187, %dma_wait3A_188] : memref<64x1000000xf32, #tpu.memory_space<hbm>> -> memref<64x128xf32, #tpu.memory_space<hbm>>
    tpu.wait_dma2 semaphore(%arg10 : memref<!tpu.dma_semaphore, #tpu.memory_space<semaphore_mem>>) src(%dma_wait3A_189 : memref<64x128xf32, #tpu.memory_space<hbm>>) dst(%dma_wait3A_186 : memref<64x128xf32, #tpu.memory_space<vmem>>)
    %dma_wait3A_190 = arith.constant 0 : i32
    %dma_wait3A_191 = arith.constant 0 : i32
    %dma_wait3A_192 = arith.constant 0 : i32
    %dma_wait3A_193 = tpu.memref_slice %arg8[%dma_wait3A_190, %dma_wait3A_191, %dma_wait3A_192] : memref<6x64x128xf32, #tpu.memory_space<vmem>> -> memref<1x64x128xf32, #tpu.memory_space<vmem>>
    %dma_wait3A_194 = tpu.memref_squeeze %dma_wait3A_193 : memref<1x64x128xf32, #tpu.memory_space<vmem>> -> memref<64x128xf32, #tpu.memory_space<vmem>>
    %dma_wait3A_195 = arith.constant 0 : i32
    %dma_wait3A_196 = arith.constant 0 : i32
    %dma_wait3A_197 = tpu.memref_slice %arg3[%dma_wait3A_195, %dma_wait3A_196] : memref<64x1000000xf32, #tpu.memory_space<hbm>> -> memref<64x128xf32, #tpu.memory_space<hbm>>
    %dma_wait3A_198 = arith.constant 0 : i32
    %dma_wait3A_199 = arith.constant 0 : i32
    %dma_wait3A_200 = tpu.memref_slice %arg8[%dma_wait3A_190, %dma_wait3A_198, %dma_wait3A_199] : memref<6x64x128xf32, #tpu.memory_space<vmem>> -> memref<1x64x128xf32, #tpu.memory_space<vmem>>
    %dma_wait3A_201 = tpu.memref_squeeze %dma_wait3A_200 : memref<1x64x128xf32, #tpu.memory_space<vmem>> -> memref<64x128xf32, #tpu.memory_space<vmem>>
    %dma_wait3A_202 = arith.constant 0 : i32
    %dma_wait3A_203 = arith.constant 0 : i32
    %dma_wait3A_204 = tpu.memref_slice %arg3[%dma_wait3A_202, %dma_wait3A_203] : memref<64x1000000xf32, #tpu.memory_space<hbm>> -> memref<64x128xf32, #tpu.memory_space<hbm>>
    tpu.wait_dma2 semaphore(%arg16 : memref<!tpu.dma_semaphore, #tpu.memory_space<semaphore_mem>>) src(%dma_wait3A_204 : memref<64x128xf32, #tpu.memory_space<hbm>>) dst(%dma_wait3A_201 : memref<64x128xf32, #tpu.memory_space<vmem>>)
    %get3A_205 = arith.constant 78 : index
    %get3A_206 = tpu.vector_load %arg6[%get3A_205] {strides = array<i32>} : memref<96xi32, #tpu.memory_space<vmem>>, vector<16xi32>,
    %slice3A_207 = vector.extract_strided_slice %get3A_206 {offsets = [0], sizes = [1], strides = [1]} : vector<16xi32> to vector<1xi32>
    %squeeze3A_208 = vector.extract %slice3A_207[0] : i32 from vector<1xi32>
    %and3A = arith.constant 127 : i32
    %and3A_209 = arith.andi %squeeze3A_208, %and3A : i32
    %broadcast_in_dim3A = vector.broadcast %and3A_209 : i32 to vector<16xi32>
    %broadcast_in_dim3A_210 = arith.constant 0 : i32
    %broadcast_in_dim3A_211 = vector.broadcast %broadcast_in_dim3A_210 : i32 to vector<16xi32>
    %broadcast_in_dim3A_212 = arith.constant 78 : i32
    %broadcast_in_dim3A_213 = vector.broadcast %broadcast_in_dim3A_212 : i32 to vector<16xi32>
    %add3A_214 = arith.constant 0 : i32
    %add3A_215 = vector.broadcast %add3A_214 : i32 to vector<16xi32>
    %add3A_216 = arith.addi %iota3A, %add3A_215 : vector<16xi32>
    %gather3A = tpu.vector_load_idx %arg7[%broadcast_in_dim3A_211, %add3A_216, %broadcast_in_dim3A] : memref<6x64x128xf32, #tpu.memory_space<vmem>>[vector<16xi32>, vector<16xi32>, vector<16xi32>], vector<16xf32>,
    %gather3A_217 = tpu.vector_load_idx %arg8[%broadcast_in_dim3A_211, %add3A_216, %broadcast_in_dim3A] : memref<6x64x128xf32, #tpu.memory_space<vmem>>[vector<16xi32>, vector<16xi32>, vector<16xi32>], vector<16xf32>,
    %exp3A = math.exp %gather3A_217 : vector<16xf32>
    %add3A_218 = arith.addf %gather3A, %exp3A : vector<16xf32>
    %add3A_219 = arith.constant 0 : i32
    %add3A_220 = vector.broadcast %add3A_219 : i32 to vector<16xi32>
    %add3A_221 = arith.addi %iota3A, %add3A_220 : vector<16xi32>
    tpu.vector_store_idx %arg9[%add3A_221, %broadcast_in_dim3A_213], %gather3A : memref<128x80xf32, #tpu.memory_space<vmem>>[vector<16xi32>, vector<16xi32>], vector<16xf32>,
    %add3A_222 = arith.constant 32 : i32
    %add3A_223 = vector.broadcast %add3A_222 : i32 to vector<16xi32>
    %add3A_224 = arith.addi %add3A_221, %add3A_223 : vector<16xi32>
    tpu.vector_store_idx %arg9[%add3A_224, %broadcast_in_dim3A_213], %add3A_218 : memref<128x80xf32, #tpu.memory_space<vmem>>[vector<16xi32>, vector<16xi32>], vector<16xf32>,
    %add3A_225 = arith.constant 16 : i32
    %add3A_226 = vector.broadcast %add3A_225 : i32 to vector<16xi32>
    %add3A_227 = arith.addi %iota3A, %add3A_226 : vector<16xi32>
    %gather3A_228 = tpu.vector_load_idx %arg7[%broadcast_in_dim3A_211, %add3A_227, %broadcast_in_dim3A] : memref<6x64x128xf32, #tpu.memory_space<vmem>>[vector<16xi32>, vector<16xi32>, vector<16xi32>], vector<16xf32>,
    %gather3A_229 = tpu.vector_load_idx %arg8[%broadcast_in_dim3A_211, %add3A_227, %broadcast_in_dim3A] : memref<6x64x128xf32, #tpu.memory_space<vmem>>[vector<16xi32>, vector<16xi32>, vector<16xi32>], vector<16xf32>,
    %exp3A_230 = math.exp %gather3A_229 : vector<16xf32>
    %add3A_231 = arith.addf %gather3A_228, %exp3A_230 : vector<16xf32>
    %add3A_232 = arith.constant 16 : i32
    %add3A_233 = vector.broadcast %add3A_232 : i32 to vector<16xi32>
    %add3A_234 = arith.addi %iota3A, %add3A_233 : vector<16xi32>
    tpu.vector_store_idx %arg9[%add3A_234, %broadcast_in_dim3A_213], %gather3A_228 : memref<128x80xf32, #tpu.memory_space<vmem>>[vector<16xi32>, vector<16xi32>], vector<16xf32>,
    %add3A_235 = arith.constant 32 : i32
    %add3A_236 = vector.broadcast %add3A_235 : i32 to vector<16xi32>
    %add3A_237 = arith.addi %add3A_234, %add3A_236 : vector<16xi32>
    tpu.vector_store_idx %arg9[%add3A_237, %broadcast_in_dim3A_213], %add3A_231 : memref<128x80xf32, #tpu.memory_space<vmem>>[vector<16xi32>, vector<16xi32>], vector<16xf32>,
    %add3A_238 = arith.constant 32 : i32
    %add3A_239 = vector.broadcast %add3A_238 : i32 to vector<16xi32>
    %add3A_240 = arith.addi %iota3A, %add3A_239 : vector<16xi32>
    %gather3A_241 = tpu.vector_load_idx %arg7[%broadcast_in_dim3A_211, %add3A_240, %broadcast_in_dim3A] : memref<6x64x128xf32, #tpu.memory_space<vmem>>[vector<16xi32>, vector<16xi32>, vector<16xi32>], vector<16xf32>,
    %gather3A_242 = tpu.vector_load_idx %arg8[%broadcast_in_dim3A_211, %add3A_240, %broadcast_in_dim3A] : memref<6x64x128xf32, #tpu.memory_space<vmem>>[vector<16xi32>, vector<16xi32>, vector<16xi32>], vector<16xf32>,
    %exp3A_243 = math.exp %gather3A_242 : vector<16xf32>
    %add3A_244 = arith.addf %gather3A_241, %exp3A_243 : vector<16xf32>
    %add3A_245 = arith.constant 64 : i32
    %add3A_246 = vector.broadcast %add3A_245 : i32 to vector<16xi32>
    %add3A_247 = arith.addi %iota3A, %add3A_246 : vector<16xi32>
    tpu.vector_store_idx %arg9[%add3A_247, %broadcast_in_dim3A_213], %gather3A_241 : memref<128x80xf32, #tpu.memory_space<vmem>>[vector<16xi32>, vector<16xi32>], vector<16xf32>,
    %add3A_248 = arith.constant 32 : i32
    %add3A_249 = vector.broadcast %add3A_248 : i32 to vector<16xi32>
    %add3A_250 = arith.addi %add3A_247, %add3A_249 : vector<16xi32>
    tpu.vector_store_idx %arg9[%add3A_250, %broadcast_in_dim3A_213], %add3A_244 : memref<128x80xf32, #tpu.memory_space<vmem>>[vector<16xi32>, vector<16xi32>], vector<16xf32>,
    %add3A_251 = arith.constant 48 : i32
    %add3A_252 = vector.broadcast %add3A_251 : i32 to vector<16xi32>
    %add3A_253 = arith.addi %iota3A, %add3A_252 : vector<16xi32>
    %gather3A_254 = tpu.vector_load_idx %arg7[%broadcast_in_dim3A_211, %add3A_253, %broadcast_in_dim3A] : memref<6x64x128xf32, #tpu.memory_space<vmem>>[vector<16xi32>, vector<16xi32>, vector<16xi32>], vector<16xf32>,
    %gather3A_255 = tpu.vector_load_idx %arg8[%broadcast_in_dim3A_211, %add3A_253, %broadcast_in_dim3A] : memref<6x64x128xf32, #tpu.memory_space<vmem>>[vector<16xi32>, vector<16xi32>, vector<16xi32>], vector<16xf32>,
    %exp3A_256 = math.exp %gather3A_255 : vector<16xf32>
    %add3A_257 = arith.addf %gather3A_254, %exp3A_256 : vector<16xf32>
    %add3A_258 = arith.constant 80 : i32
    %add3A_259 = vector.broadcast %add3A_258 : i32 to vector<16xi32>
    %add3A_260 = arith.addi %iota3A, %add3A_259 : vector<16xi32>
    tpu.vector_store_idx %arg9[%add3A_260, %broadcast_in_dim3A_213], %gather3A_254 : memref<128x80xf32, #tpu.memory_space<vmem>>[vector<16xi32>, vector<16xi32>], vector<16xf32>,
    %add3A_261 = arith.constant 32 : i32
    %add3A_262 = vector.broadcast %add3A_261 : i32 to vector<16xi32>
    %add3A_263 = arith.addi %add3A_260, %add3A_262 : vector<16xi32>
    tpu.vector_store_idx %arg9[%add3A_263, %broadcast_in_dim3A_213], %add3A_257 : memref<128x80xf32, #tpu.memory_space<vmem>>[vector<16xi32>, vector<16xi32>], vector<16xf32>,
    %dma_wait3A_264 = arith.constant 1 : i32
    %dma_wait3A_265 = arith.constant 0 : i32
    %dma_wait3A_266 = arith.constant 0 : i32
    %dma_wait3A_267 = tpu.memref_slice %arg7[%dma_wait3A_264, %dma_wait3A_265, %dma_wait3A_266] : memref<6x64x128xf32, #tpu.memory_space<vmem>> -> memref<1x64x128xf32, #tpu.memory_space<vmem>>
    %dma_wait3A_268 = tpu.memref_squeeze %dma_wait3A_267 : memref<1x64x128xf32, #tpu.memory_space<vmem>> -> memref<64x128xf32, #tpu.memory_space<vmem>>
    %dma_wait3A_269 = arith.constant 0 : i32
    %dma_wait3A_270 = arith.constant 0 : i32
    %dma_wait3A_271 = tpu.memref_slice %arg2[%dma_wait3A_269, %dma_wait3A_270] : memref<64x1000000xf32, #tpu.memory_space<hbm>> -> memref<64x128xf32, #tpu.memory_space<hbm>>
    %dma_wait3A_272 = arith.constant 0 : i32
    %dma_wait3A_273 = arith.constant 0 : i32
    %dma_wait3A_274 = tpu.memref_slice %arg7[%dma_wait3A_264, %dma_wait3A_272, %dma_wait3A_273] : memref<6x64x128xf32, #tpu.memory_space<vmem>> -> memref<1x64x128xf32, #tpu.memory_space<vmem>>
    %dma_wait3A_275 = tpu.memref_squeeze %dma_wait3A_274 : memref<1x64x128xf32, #tpu.memory_space<vmem>> -> memref<64x128xf32, #tpu.memory_space<vmem>>
    %dma_wait3A_276 = arith.constant 0 : i32
    %dma_wait3A_277 = arith.constant 0 : i32
    %dma_wait3A_278 = tpu.memref_slice %arg2[%dma_wait3A_276, %dma_wait3A_277] : memref<64x1000000xf32, #tpu.memory_space<hbm>> -> memref<64x128xf32, #tpu.memory_space<hbm>>
    tpu.wait_dma2 semaphore(%arg11 : memref<!tpu.dma_semaphore, #tpu.memory_space<semaphore_mem>>) src(%dma_wait3A_278 : memref<64x128xf32, #tpu.memory_space<hbm>>) dst(%dma_wait3A_275 : memref<64x128xf32, #tpu.memory_space<vmem>>)
    %dma_wait3A_279 = arith.constant 1 : i32
    %dma_wait3A_280 = arith.constant 0 : i32
    %dma_wait3A_281 = arith.constant 0 : i32
    %dma_wait3A_282 = tpu.memref_slice %arg8[%dma_wait3A_279, %dma_wait3A_280, %dma_wait3A_281] : memref<6x64x128xf32, #tpu.memory_space<vmem>> -> memref<1x64x128xf32, #tpu.memory_space<vmem>>
    %dma_wait3A_283 = tpu.memref_squeeze %dma_wait3A_282 : memref<1x64x128xf32, #tpu.memory_space<vmem>> -> memref<64x128xf32, #tpu.memory_space<vmem>>
    %dma_wait3A_284 = arith.constant 0 : i32
    %dma_wait3A_285 = arith.constant 0 : i32
    %dma_wait3A_286 = tpu.memref_slice %arg3[%dma_wait3A_284, %dma_wait3A_285] : memref<64x1000000xf32, #tpu.memory_space<hbm>> -> memref<64x128xf32, #tpu.memory_space<hbm>>
    %dma_wait3A_287 = arith.constant 0 : i32
    %dma_wait3A_288 = arith.constant 0 : i32
    %dma_wait3A_289 = tpu.memref_slice %arg8[%dma_wait3A_279, %dma_wait3A_287, %dma_wait3A_288] : memref<6x64x128xf32, #tpu.memory_space<vmem>> -> memref<1x64x128xf32, #tpu.memory_space<vmem>>
    %dma_wait3A_290 = tpu.memref_squeeze %dma_wait3A_289 : memref<1x64x128xf32, #tpu.memory_space<vmem>> -> memref<64x128xf32, #tpu.memory_space<vmem>>
    %dma_wait3A_291 = arith.constant 0 : i32
    %dma_wait3A_292 = arith.constant 0 : i32
    %dma_wait3A_293 = tpu.memref_slice %arg3[%dma_wait3A_291, %dma_wait3A_292] : memref<64x1000000xf32, #tpu.memory_space<hbm>> -> memref<64x128xf32, #tpu.memory_space<hbm>>
    tpu.wait_dma2 semaphore(%arg17 : memref<!tpu.dma_semaphore, #tpu.memory_space<semaphore_mem>>) src(%dma_wait3A_293 : memref<64x128xf32, #tpu.memory_space<hbm>>) dst(%dma_wait3A_290 : memref<64x128xf32, #tpu.memory_space<vmem>>)
    %get3A_294 = arith.constant 79 : index
    %get3A_295 = tpu.vector_load %arg6[%get3A_294] {strides = array<i32>} : memref<96xi32, #tpu.memory_space<vmem>>, vector<16xi32>,
    %slice3A_296 = vector.extract_strided_slice %get3A_295 {offsets = [0], sizes = [1], strides = [1]} : vector<16xi32> to vector<1xi32>
    %squeeze3A_297 = vector.extract %slice3A_296[0] : i32 from vector<1xi32>
    %and3A_298 = arith.constant 127 : i32
    %and3A_299 = arith.andi %squeeze3A_297, %and3A_298 : i32
    %broadcast_in_dim3A_300 = vector.broadcast %and3A_299 : i32 to vector<16xi32>
    %broadcast_in_dim3A_301 = arith.constant 1 : i32
    %broadcast_in_dim3A_302 = vector.broadcast %broadcast_in_dim3A_301 : i32 to vector<16xi32>
    %broadcast_in_dim3A_303 = arith.constant 79 : i32
    %broadcast_in_dim3A_304 = vector.broadcast %broadcast_in_dim3A_303 : i32 to vector<16xi32>
    %add3A_305 = arith.constant 0 : i32
    %add3A_306 = vector.broadcast %add3A_305 : i32 to vector<16xi32>
    %add3A_307 = arith.addi %iota3A, %add3A_306 : vector<16xi32>
    %gather3A_308 = tpu.vector_load_idx %arg7[%broadcast_in_dim3A_302, %add3A_307, %broadcast_in_dim3A_300] : memref<6x64x128xf32, #tpu.memory_space<vmem>>[vector<16xi32>, vector<16xi32>, vector<16xi32>], vector<16xf32>,
    %gather3A_309 = tpu.vector_load_idx %arg8[%broadcast_in_dim3A_302, %add3A_307, %broadcast_in_dim3A_300] : memref<6x64x128xf32, #tpu.memory_space<vmem>>[vector<16xi32>, vector<16xi32>, vector<16xi32>], vector<16xf32>,
    %exp3A_310 = math.exp %gather3A_309 : vector<16xf32>
    %add3A_311 = arith.addf %gather3A_308, %exp3A_310 : vector<16xf32>
    %add3A_312 = arith.constant 0 : i32
    %add3A_313 = vector.broadcast %add3A_312 : i32 to vector<16xi32>
    %add3A_314 = arith.addi %iota3A, %add3A_313 : vector<16xi32>
    tpu.vector_store_idx %arg9[%add3A_314, %broadcast_in_dim3A_304], %gather3A_308 : memref<128x80xf32, #tpu.memory_space<vmem>>[vector<16xi32>, vector<16xi32>], vector<16xf32>,
    %add3A_315 = arith.constant 32 : i32
    %add3A_316 = vector.broadcast %add3A_315 : i32 to vector<16xi32>
    %add3A_317 = arith.addi %add3A_314, %add3A_316 : vector<16xi32>
    tpu.vector_store_idx %arg9[%add3A_317, %broadcast_in_dim3A_304], %add3A_311 : memref<128x80xf32, #tpu.memory_space<vmem>>[vector<16xi32>, vector<16xi32>], vector<16xf32>,
    %add3A_318 = arith.constant 16 : i32
    %add3A_319 = vector.broadcast %add3A_318 : i32 to vector<16xi32>
    %add3A_320 = arith.addi %iota3A, %add3A_319 : vector<16xi32>
    %gather3A_321 = tpu.vector_load_idx %arg7[%broadcast_in_dim3A_302, %add3A_320, %broadcast_in_dim3A_300] : memref<6x64x128xf32, #tpu.memory_space<vmem>>[vector<16xi32>, vector<16xi32>, vector<16xi32>], vector<16xf32>,
    %gather3A_322 = tpu.vector_load_idx %arg8[%broadcast_in_dim3A_302, %add3A_320, %broadcast_in_dim3A_300] : memref<6x64x128xf32, #tpu.memory_space<vmem>>[vector<16xi32>, vector<16xi32>, vector<16xi32>], vector<16xf32>,
    %exp3A_323 = math.exp %gather3A_322 : vector<16xf32>
    %add3A_324 = arith.addf %gather3A_321, %exp3A_323 : vector<16xf32>
    %add3A_325 = arith.constant 16 : i32
    %add3A_326 = vector.broadcast %add3A_325 : i32 to vector<16xi32>
    %add3A_327 = arith.addi %iota3A, %add3A_326 : vector<16xi32>
    tpu.vector_store_idx %arg9[%add3A_327, %broadcast_in_dim3A_304], %gather3A_321 : memref<128x80xf32, #tpu.memory_space<vmem>>[vector<16xi32>, vector<16xi32>], vector<16xf32>,
    %add3A_328 = arith.constant 32 : i32
    %add3A_329 = vector.broadcast %add3A_328 : i32 to vector<16xi32>
    %add3A_330 = arith.addi %add3A_327, %add3A_329 : vector<16xi32>
    tpu.vector_store_idx %arg9[%add3A_330, %broadcast_in_dim3A_304], %add3A_324 : memref<128x80xf32, #tpu.memory_space<vmem>>[vector<16xi32>, vector<16xi32>], vector<16xf32>,
    %add3A_331 = arith.constant 32 : i32
    %add3A_332 = vector.broadcast %add3A_331 : i32 to vector<16xi32>
    %add3A_333 = arith.addi %iota3A, %add3A_332 : vector<16xi32>
    %gather3A_334 = tpu.vector_load_idx %arg7[%broadcast_in_dim3A_302, %add3A_333, %broadcast_in_dim3A_300] : memref<6x64x128xf32, #tpu.memory_space<vmem>>[vector<16xi32>, vector<16xi32>, vector<16xi32>], vector<16xf32>,
    %gather3A_335 = tpu.vector_load_idx %arg8[%broadcast_in_dim3A_302, %add3A_333, %broadcast_in_dim3A_300] : memref<6x64x128xf32, #tpu.memory_space<vmem>>[vector<16xi32>, vector<16xi32>, vector<16xi32>], vector<16xf32>,
    %exp3A_336 = math.exp %gather3A_335 : vector<16xf32>
    %add3A_337 = arith.addf %gather3A_334, %exp3A_336 : vector<16xf32>
    %add3A_338 = arith.constant 64 : i32
    %add3A_339 = vector.broadcast %add3A_338 : i32 to vector<16xi32>
    %add3A_340 = arith.addi %iota3A, %add3A_339 : vector<16xi32>
    tpu.vector_store_idx %arg9[%add3A_340, %broadcast_in_dim3A_304], %gather3A_334 : memref<128x80xf32, #tpu.memory_space<vmem>>[vector<16xi32>, vector<16xi32>], vector<16xf32>,
    %add3A_341 = arith.constant 32 : i32
    %add3A_342 = vector.broadcast %add3A_341 : i32 to vector<16xi32>
    %add3A_343 = arith.addi %add3A_340, %add3A_342 : vector<16xi32>
    tpu.vector_store_idx %arg9[%add3A_343, %broadcast_in_dim3A_304], %add3A_337 : memref<128x80xf32, #tpu.memory_space<vmem>>[vector<16xi32>, vector<16xi32>], vector<16xf32>,
    %add3A_344 = arith.constant 48 : i32
    %add3A_345 = vector.broadcast %add3A_344 : i32 to vector<16xi32>
    %add3A_346 = arith.addi %iota3A, %add3A_345 : vector<16xi32>
    %gather3A_347 = tpu.vector_load_idx %arg7[%broadcast_in_dim3A_302, %add3A_346, %broadcast_in_dim3A_300] : memref<6x64x128xf32, #tpu.memory_space<vmem>>[vector<16xi32>, vector<16xi32>, vector<16xi32>], vector<16xf32>,
    %gather3A_348 = tpu.vector_load_idx %arg8[%broadcast_in_dim3A_302, %add3A_346, %broadcast_in_dim3A_300] : memref<6x64x128xf32, #tpu.memory_space<vmem>>[vector<16xi32>, vector<16xi32>, vector<16xi32>], vector<16xf32>,
    %exp3A_349 = math.exp %gather3A_348 : vector<16xf32>
    %add3A_350 = arith.addf %gather3A_347, %exp3A_349 : vector<16xf32>
    %add3A_351 = arith.constant 80 : i32
    %add3A_352 = vector.broadcast %add3A_351 : i32 to vector<16xi32>
    %add3A_353 = arith.addi %iota3A, %add3A_352 : vector<16xi32>
    tpu.vector_store_idx %arg9[%add3A_353, %broadcast_in_dim3A_304], %gather3A_347 : memref<128x80xf32, #tpu.memory_space<vmem>>[vector<16xi32>, vector<16xi32>], vector<16xf32>,
    %add3A_354 = arith.constant 32 : i32
    %add3A_355 = vector.broadcast %add3A_354 : i32 to vector<16xi32>
    %add3A_356 = arith.addi %add3A_353, %add3A_355 : vector<16xi32>
    tpu.vector_store_idx %arg9[%add3A_356, %broadcast_in_dim3A_304], %add3A_350 : memref<128x80xf32, #tpu.memory_space<vmem>>[vector<16xi32>, vector<16xi32>], vector<16xf32>,
    "tpu.region"() ({
      %run_scoped3A = tpu.sem_alloc : memref<!tpu.dma_semaphore, #tpu.memory_space<semaphore_mem>>
      %dma_start3A_357 = arith.constant 0 : i32
      %dma_start3A_358 = arith.constant 0 : i32
      %dma_start3A_359 = tpu.memref_slice %arg5[%add3A, %dma_start3A_357, %dma_start3A_358] : memref<32x128x80xf32, #tpu.memory_space<hbm>> -> memref<1x128x80xf32, #tpu.memory_space<hbm>>
      %dma_start3A_360 = tpu.memref_squeeze %dma_start3A_359 : memref<1x128x80xf32, #tpu.memory_space<hbm>> -> memref<128x80xf32, #tpu.memory_space<hbm>>
      %dma_start3A_361 = arith.constant 0 : i32
      %dma_start3A_362 = arith.constant 0 : i32
      %dma_start3A_363 = tpu.memref_slice %arg5[%add3A, %dma_start3A_361, %dma_start3A_362] : memref<32x128x80xf32, #tpu.memory_space<hbm>> -> memref<1x128x80xf32, #tpu.memory_space<hbm>>
      %dma_start3A_364 = tpu.memref_squeeze %dma_start3A_363 : memref<1x128x80xf32, #tpu.memory_space<hbm>> -> memref<128x80xf32, #tpu.memory_space<hbm>>
      tpu.enqueue_dma source(%arg9 : memref<128x80xf32, #tpu.memory_space<vmem>>) target(%dma_start3A_364 : memref<128x80xf32, #tpu.memory_space<hbm>>) target_semaphore(%run_scoped3A : memref<!tpu.dma_semaphore, #tpu.memory_space<semaphore_mem>>)
      %dma_wait3A_365 = arith.constant 0 : i32
      %dma_wait3A_366 = arith.constant 0 : i32
      %dma_wait3A_367 = tpu.memref_slice %arg5[%add3A, %dma_wait3A_365, %dma_wait3A_366] : memref<32x128x80xf32, #tpu.memory_space<hbm>> -> memref<1x128x80xf32, #tpu.memory_space<hbm>>
      %dma_wait3A_368 = tpu.memref_squeeze %dma_wait3A_367 : memref<1x128x80xf32, #tpu.memory_space<hbm>> -> memref<128x80xf32, #tpu.memory_space<hbm>>
      %dma_wait3A_369 = arith.constant 0 : i32
      %dma_wait3A_370 = arith.constant 0 : i32
      %dma_wait3A_371 = tpu.memref_slice %arg5[%add3A, %dma_wait3A_369, %dma_wait3A_370] : memref<32x128x80xf32, #tpu.memory_space<hbm>> -> memref<1x128x80xf32, #tpu.memory_space<hbm>>
      %dma_wait3A_372 = tpu.memref_squeeze %dma_wait3A_371 : memref<1x128x80xf32, #tpu.memory_space<hbm>> -> memref<128x80xf32, #tpu.memory_space<hbm>>
      tpu.wait_dma2 semaphore(%run_scoped3A : memref<!tpu.dma_semaphore, #tpu.memory_space<semaphore_mem>>) src(%arg9 : memref<128x80xf32, #tpu.memory_space<vmem>>) dst(%dma_wait3A_372 : memref<128x80xf32, #tpu.memory_space<hbm>>)
      tpu.yield
    }) : () -> ()
    return
  }
}

module attributes {stable_mosaic.version = 14 : i64} {
  func.func @_tc_body(%arg0: i32, %arg1: memref<1536xi32, #tpu.memory_space<smem>>, %arg2: memref<1536xi32, #tpu.memory_space<smem>>, %arg3: memref<64x128xf32, #tpu.memory_space<vmem>>, %arg4: memref<64x128xf32, #tpu.memory_space<vmem>>, %arg5: memref<64x128xf32, #tpu.memory_space<vmem>>, %arg6: memref<64x128xf32, #tpu.memory_space<vmem>>, %arg7: memref<64x128xf32, #tpu.memory_space<vmem>>, %arg8: memref<64x128xf32, #tpu.memory_space<vmem>>, %arg9: memref<64x128xf32, #tpu.memory_space<vmem>>, %arg10: memref<64x128xf32, #tpu.memory_space<vmem>>, %arg11: memref<64x128xf32, #tpu.memory_space<vmem>>, %arg12: memref<64x128xf32, #tpu.memory_space<vmem>>, %arg13: memref<64x128xf32, #tpu.memory_space<vmem>>, %arg14: memref<64x128xf32, #tpu.memory_space<vmem>>, %arg15: memref<64x128xf32, #tpu.memory_space<vmem>>, %arg16: memref<64x128xf32, #tpu.memory_space<vmem>>, %arg17: memref<64x128xf32, #tpu.memory_space<vmem>>, %arg18: memref<64x128xf32, #tpu.memory_space<vmem>>, %arg19: memref<1x128x8xf32, #tpu.memory_space<vmem>>) attributes {dimension_semantics = [#tpu.dimension_semantics<arbitrary>], iteration_bounds = array<i64: 192>, scalar_prefetch = 2 : i64, scratch_operands = 0 : i64, tpu.core_type = #tpu.core_type<tc>, window_params = [{transform_indices = @transform_0, window_bounds = array<i64: 64, 128>}, {transform_indices = @transform_1, window_bounds = array<i64: 64, 128>}, {transform_indices = @transform_2, window_bounds = array<i64: 64, 128>}, {transform_indices = @transform_3, window_bounds = array<i64: 64, 128>}, {transform_indices = @transform_4, window_bounds = array<i64: 64, 128>}, {transform_indices = @transform_5, window_bounds = array<i64: 64, 128>}, {transform_indices = @transform_6, window_bounds = array<i64: 64, 128>}, {transform_indices = @transform_7, window_bounds = array<i64: 64, 128>}, {transform_indices = @transform_8, window_bounds = array<i64: 64, 128>}, {transform_indices = @transform_9, window_bounds = array<i64: 64, 128>}, {transform_indices = @transform_10, window_bounds = array<i64: 64, 128>}, {transform_indices = @transform_11, window_bounds = array<i64: 64, 128>}, {transform_indices = @transform_12, window_bounds = array<i64: 64, 128>}, {transform_indices = @transform_13, window_bounds = array<i64: 64, 128>}, {transform_indices = @transform_14, window_bounds = array<i64: 64, 128>}, {transform_indices = @transform_15, window_bounds = array<i64: 64, 128>}, {transform_indices = @transform_16, window_bounds = array<i64: 1, 128, 8>}]} {
    %mul3A = arith.constant 8 : i32
    %mul3A_0 = arith.muli %arg0, %mul3A : i32
    %add3A = arith.constant 0 : i32
    %add3A_1 = arith.addi %mul3A_0, %add3A : i32
    %get3A = arith.index_cast %add3A_1 : i32 to index
    %get3A_2 = memref.load %arg2[%get3A] : memref<1536xi32, #tpu.memory_space<smem>>
    %sub3A = arith.constant 128 : i32
    %sub3A_3 = arith.subi %sub3A, %get3A_2 : i32
    %and3A = arith.constant 127 : i32
    %and3A_4 = arith.andi %sub3A_3, %and3A : i32
    %get3A_5 = arith.constant 0 : index
    %get3A_6 = arith.constant 0 : index
    %get3A_7 = vector.load %arg3[%get3A_5, %get3A_6] : memref<64x128xf32, #tpu.memory_space<vmem>>, vector<64x128xf32>
    %roll3A = tpu.dynamic_rotate %get3A_7 by %and3A_4 dim 1 : vector<64x128xf32>, i32 -> vector<64x128xf32>
    %get3A_8 = arith.constant 0 : index
    %get3A_9 = arith.constant 0 : index
    %get3A_10 = vector.load %arg11[%get3A_8, %get3A_9] : memref<64x128xf32, #tpu.memory_space<vmem>>, vector<64x128xf32>
    %roll3A_11 = tpu.dynamic_rotate %get3A_10 by %and3A_4 dim 1 : vector<64x128xf32>, i32 -> vector<64x128xf32>
    %slice3A = vector.extract_strided_slice %roll3A {offsets = [0, 0], sizes = [64, 1], strides = [1, 1]} : vector<64x128xf32> to vector<64x1xf32>
    %slice3A_12 = vector.extract_strided_slice %roll3A_11 {offsets = [0, 0], sizes = [64, 1], strides = [1, 1]} : vector<64x128xf32> to vector<64x1xf32>
    %exp3A = math.exp %slice3A_12 : vector<64x1xf32>
    %add3A_13 = arith.addf %slice3A, %exp3A : vector<64x1xf32>
    %slice3A_14 = vector.extract_strided_slice %slice3A {offsets = [0, 0], sizes = [32, 1], strides = [1, 1]} : vector<64x1xf32> to vector<32x1xf32>
    %slice3A_15 = vector.extract_strided_slice %add3A_13 {offsets = [0, 0], sizes = [32, 1], strides = [1, 1]} : vector<64x1xf32> to vector<32x1xf32>
    %slice3A_16 = vector.extract_strided_slice %slice3A {offsets = [32, 0], sizes = [32, 1], strides = [1, 1]} : vector<64x1xf32> to vector<32x1xf32>
    %slice3A_17 = vector.extract_strided_slice %add3A_13 {offsets = [32, 0], sizes = [32, 1], strides = [1, 1]} : vector<64x1xf32> to vector<32x1xf32>
    %concatenate3A = tpu.concatenate %slice3A_14, %slice3A_15, %slice3A_16, %slice3A_17 in 0 : vector<32x1xf32>, vector<32x1xf32>, vector<32x1xf32>, vector<32x1xf32> -> vector<128x1xf32>
    %mul3A_18 = arith.constant 8 : i32
    %mul3A_19 = arith.muli %arg0, %mul3A_18 : i32
    %add3A_20 = arith.constant 1 : i32
    %add3A_21 = arith.addi %mul3A_19, %add3A_20 : i32
    %get3A_22 = arith.index_cast %add3A_21 : i32 to index
    %get3A_23 = memref.load %arg2[%get3A_22] : memref<1536xi32, #tpu.memory_space<smem>>
    %sub3A_24 = arith.constant 128 : i32
    %sub3A_25 = arith.subi %sub3A_24, %get3A_23 : i32
    %and3A_26 = arith.constant 127 : i32
    %and3A_27 = arith.andi %sub3A_25, %and3A_26 : i32
    %get3A_28 = arith.constant 0 : index
    %get3A_29 = arith.constant 0 : index
    %get3A_30 = vector.load %arg4[%get3A_28, %get3A_29] : memref<64x128xf32, #tpu.memory_space<vmem>>, vector<64x128xf32>
    %roll3A_31 = tpu.dynamic_rotate %get3A_30 by %and3A_27 dim 1 : vector<64x128xf32>, i32 -> vector<64x128xf32>
    %get3A_32 = arith.constant 0 : index
    %get3A_33 = arith.constant 0 : index
    %get3A_34 = vector.load %arg12[%get3A_32, %get3A_33] : memref<64x128xf32, #tpu.memory_space<vmem>>, vector<64x128xf32>
    %roll3A_35 = tpu.dynamic_rotate %get3A_34 by %and3A_27 dim 1 : vector<64x128xf32>, i32 -> vector<64x128xf32>
    %slice3A_36 = vector.extract_strided_slice %roll3A_31 {offsets = [0, 0], sizes = [64, 1], strides = [1, 1]} : vector<64x128xf32> to vector<64x1xf32>
    %slice3A_37 = vector.extract_strided_slice %roll3A_35 {offsets = [0, 0], sizes = [64, 1], strides = [1, 1]} : vector<64x128xf32> to vector<64x1xf32>
    %exp3A_38 = math.exp %slice3A_37 : vector<64x1xf32>
    %add3A_39 = arith.addf %slice3A_36, %exp3A_38 : vector<64x1xf32>
    %slice3A_40 = vector.extract_strided_slice %slice3A_36 {offsets = [0, 0], sizes = [32, 1], strides = [1, 1]} : vector<64x1xf32> to vector<32x1xf32>
    %slice3A_41 = vector.extract_strided_slice %add3A_39 {offsets = [0, 0], sizes = [32, 1], strides = [1, 1]} : vector<64x1xf32> to vector<32x1xf32>
    %slice3A_42 = vector.extract_strided_slice %slice3A_36 {offsets = [32, 0], sizes = [32, 1], strides = [1, 1]} : vector<64x1xf32> to vector<32x1xf32>
    %slice3A_43 = vector.extract_strided_slice %add3A_39 {offsets = [32, 0], sizes = [32, 1], strides = [1, 1]} : vector<64x1xf32> to vector<32x1xf32>
    %concatenate3A_44 = tpu.concatenate %slice3A_40, %slice3A_41, %slice3A_42, %slice3A_43 in 0 : vector<32x1xf32>, vector<32x1xf32>, vector<32x1xf32>, vector<32x1xf32> -> vector<128x1xf32>
    %mul3A_45 = arith.constant 8 : i32
    %mul3A_46 = arith.muli %arg0, %mul3A_45 : i32
    %add3A_47 = arith.constant 2 : i32
    %add3A_48 = arith.addi %mul3A_46, %add3A_47 : i32
    %get3A_49 = arith.index_cast %add3A_48 : i32 to index
    %get3A_50 = memref.load %arg2[%get3A_49] : memref<1536xi32, #tpu.memory_space<smem>>
    %sub3A_51 = arith.constant 128 : i32
    %sub3A_52 = arith.subi %sub3A_51, %get3A_50 : i32
    %and3A_53 = arith.constant 127 : i32
    %and3A_54 = arith.andi %sub3A_52, %and3A_53 : i32
    %get3A_55 = arith.constant 0 : index
    %get3A_56 = arith.constant 0 : index
    %get3A_57 = vector.load %arg5[%get3A_55, %get3A_56] : memref<64x128xf32, #tpu.memory_space<vmem>>, vector<64x128xf32>
    %roll3A_58 = tpu.dynamic_rotate %get3A_57 by %and3A_54 dim 1 : vector<64x128xf32>, i32 -> vector<64x128xf32>
    %get3A_59 = arith.constant 0 : index
    %get3A_60 = arith.constant 0 : index
    %get3A_61 = vector.load %arg13[%get3A_59, %get3A_60] : memref<64x128xf32, #tpu.memory_space<vmem>>, vector<64x128xf32>
    %roll3A_62 = tpu.dynamic_rotate %get3A_61 by %and3A_54 dim 1 : vector<64x128xf32>, i32 -> vector<64x128xf32>
    %slice3A_63 = vector.extract_strided_slice %roll3A_58 {offsets = [0, 0], sizes = [64, 1], strides = [1, 1]} : vector<64x128xf32> to vector<64x1xf32>
    %slice3A_64 = vector.extract_strided_slice %roll3A_62 {offsets = [0, 0], sizes = [64, 1], strides = [1, 1]} : vector<64x128xf32> to vector<64x1xf32>
    %exp3A_65 = math.exp %slice3A_64 : vector<64x1xf32>
    %add3A_66 = arith.addf %slice3A_63, %exp3A_65 : vector<64x1xf32>
    %slice3A_67 = vector.extract_strided_slice %slice3A_63 {offsets = [0, 0], sizes = [32, 1], strides = [1, 1]} : vector<64x1xf32> to vector<32x1xf32>
    %slice3A_68 = vector.extract_strided_slice %add3A_66 {offsets = [0, 0], sizes = [32, 1], strides = [1, 1]} : vector<64x1xf32> to vector<32x1xf32>
    %slice3A_69 = vector.extract_strided_slice %slice3A_63 {offsets = [32, 0], sizes = [32, 1], strides = [1, 1]} : vector<64x1xf32> to vector<32x1xf32>
    %slice3A_70 = vector.extract_strided_slice %add3A_66 {offsets = [32, 0], sizes = [32, 1], strides = [1, 1]} : vector<64x1xf32> to vector<32x1xf32>
    %concatenate3A_71 = tpu.concatenate %slice3A_67, %slice3A_68, %slice3A_69, %slice3A_70 in 0 : vector<32x1xf32>, vector<32x1xf32>, vector<32x1xf32>, vector<32x1xf32> -> vector<128x1xf32>
    %mul3A_72 = arith.constant 8 : i32
    %mul3A_73 = arith.muli %arg0, %mul3A_72 : i32
    %add3A_74 = arith.constant 3 : i32
    %add3A_75 = arith.addi %mul3A_73, %add3A_74 : i32
    %get3A_76 = arith.index_cast %add3A_75 : i32 to index
    %get3A_77 = memref.load %arg2[%get3A_76] : memref<1536xi32, #tpu.memory_space<smem>>
    %sub3A_78 = arith.constant 128 : i32
    %sub3A_79 = arith.subi %sub3A_78, %get3A_77 : i32
    %and3A_80 = arith.constant 127 : i32
    %and3A_81 = arith.andi %sub3A_79, %and3A_80 : i32
    %get3A_82 = arith.constant 0 : index
    %get3A_83 = arith.constant 0 : index
    %get3A_84 = vector.load %arg6[%get3A_82, %get3A_83] : memref<64x128xf32, #tpu.memory_space<vmem>>, vector<64x128xf32>
    %roll3A_85 = tpu.dynamic_rotate %get3A_84 by %and3A_81 dim 1 : vector<64x128xf32>, i32 -> vector<64x128xf32>
    %get3A_86 = arith.constant 0 : index
    %get3A_87 = arith.constant 0 : index
    %get3A_88 = vector.load %arg14[%get3A_86, %get3A_87] : memref<64x128xf32, #tpu.memory_space<vmem>>, vector<64x128xf32>
    %roll3A_89 = tpu.dynamic_rotate %get3A_88 by %and3A_81 dim 1 : vector<64x128xf32>, i32 -> vector<64x128xf32>
    %slice3A_90 = vector.extract_strided_slice %roll3A_85 {offsets = [0, 0], sizes = [64, 1], strides = [1, 1]} : vector<64x128xf32> to vector<64x1xf32>
    %slice3A_91 = vector.extract_strided_slice %roll3A_89 {offsets = [0, 0], sizes = [64, 1], strides = [1, 1]} : vector<64x128xf32> to vector<64x1xf32>
    %exp3A_92 = math.exp %slice3A_91 : vector<64x1xf32>
    %add3A_93 = arith.addf %slice3A_90, %exp3A_92 : vector<64x1xf32>
    %slice3A_94 = vector.extract_strided_slice %slice3A_90 {offsets = [0, 0], sizes = [32, 1], strides = [1, 1]} : vector<64x1xf32> to vector<32x1xf32>
    %slice3A_95 = vector.extract_strided_slice %add3A_93 {offsets = [0, 0], sizes = [32, 1], strides = [1, 1]} : vector<64x1xf32> to vector<32x1xf32>
    %slice3A_96 = vector.extract_strided_slice %slice3A_90 {offsets = [32, 0], sizes = [32, 1], strides = [1, 1]} : vector<64x1xf32> to vector<32x1xf32>
    %slice3A_97 = vector.extract_strided_slice %add3A_93 {offsets = [32, 0], sizes = [32, 1], strides = [1, 1]} : vector<64x1xf32> to vector<32x1xf32>
    %concatenate3A_98 = tpu.concatenate %slice3A_94, %slice3A_95, %slice3A_96, %slice3A_97 in 0 : vector<32x1xf32>, vector<32x1xf32>, vector<32x1xf32>, vector<32x1xf32> -> vector<128x1xf32>
    %mul3A_99 = arith.constant 8 : i32
    %mul3A_100 = arith.muli %arg0, %mul3A_99 : i32
    %add3A_101 = arith.constant 4 : i32
    %add3A_102 = arith.addi %mul3A_100, %add3A_101 : i32
    %get3A_103 = arith.index_cast %add3A_102 : i32 to index
    %get3A_104 = memref.load %arg2[%get3A_103] : memref<1536xi32, #tpu.memory_space<smem>>
    %sub3A_105 = arith.constant 128 : i32
    %sub3A_106 = arith.subi %sub3A_105, %get3A_104 : i32
    %and3A_107 = arith.constant 127 : i32
    %and3A_108 = arith.andi %sub3A_106, %and3A_107 : i32
    %get3A_109 = arith.constant 0 : index
    %get3A_110 = arith.constant 0 : index
    %get3A_111 = vector.load %arg7[%get3A_109, %get3A_110] : memref<64x128xf32, #tpu.memory_space<vmem>>, vector<64x128xf32>
    %roll3A_112 = tpu.dynamic_rotate %get3A_111 by %and3A_108 dim 1 : vector<64x128xf32>, i32 -> vector<64x128xf32>
    %get3A_113 = arith.constant 0 : index
    %get3A_114 = arith.constant 0 : index
    %get3A_115 = vector.load %arg15[%get3A_113, %get3A_114] : memref<64x128xf32, #tpu.memory_space<vmem>>, vector<64x128xf32>
    %roll3A_116 = tpu.dynamic_rotate %get3A_115 by %and3A_108 dim 1 : vector<64x128xf32>, i32 -> vector<64x128xf32>
    %slice3A_117 = vector.extract_strided_slice %roll3A_112 {offsets = [0, 0], sizes = [64, 1], strides = [1, 1]} : vector<64x128xf32> to vector<64x1xf32>
    %slice3A_118 = vector.extract_strided_slice %roll3A_116 {offsets = [0, 0], sizes = [64, 1], strides = [1, 1]} : vector<64x128xf32> to vector<64x1xf32>
    %exp3A_119 = math.exp %slice3A_118 : vector<64x1xf32>
    %add3A_120 = arith.addf %slice3A_117, %exp3A_119 : vector<64x1xf32>
    %slice3A_121 = vector.extract_strided_slice %slice3A_117 {offsets = [0, 0], sizes = [32, 1], strides = [1, 1]} : vector<64x1xf32> to vector<32x1xf32>
    %slice3A_122 = vector.extract_strided_slice %add3A_120 {offsets = [0, 0], sizes = [32, 1], strides = [1, 1]} : vector<64x1xf32> to vector<32x1xf32>
    %slice3A_123 = vector.extract_strided_slice %slice3A_117 {offsets = [32, 0], sizes = [32, 1], strides = [1, 1]} : vector<64x1xf32> to vector<32x1xf32>
    %slice3A_124 = vector.extract_strided_slice %add3A_120 {offsets = [32, 0], sizes = [32, 1], strides = [1, 1]} : vector<64x1xf32> to vector<32x1xf32>
    %concatenate3A_125 = tpu.concatenate %slice3A_121, %slice3A_122, %slice3A_123, %slice3A_124 in 0 : vector<32x1xf32>, vector<32x1xf32>, vector<32x1xf32>, vector<32x1xf32> -> vector<128x1xf32>
    %mul3A_126 = arith.constant 8 : i32
    %mul3A_127 = arith.muli %arg0, %mul3A_126 : i32
    %add3A_128 = arith.constant 5 : i32
    %add3A_129 = arith.addi %mul3A_127, %add3A_128 : i32
    %get3A_130 = arith.index_cast %add3A_129 : i32 to index
    %get3A_131 = memref.load %arg2[%get3A_130] : memref<1536xi32, #tpu.memory_space<smem>>
    %sub3A_132 = arith.constant 128 : i32
    %sub3A_133 = arith.subi %sub3A_132, %get3A_131 : i32
    %and3A_134 = arith.constant 127 : i32
    %and3A_135 = arith.andi %sub3A_133, %and3A_134 : i32
    %get3A_136 = arith.constant 0 : index
    %get3A_137 = arith.constant 0 : index
    %get3A_138 = vector.load %arg8[%get3A_136, %get3A_137] : memref<64x128xf32, #tpu.memory_space<vmem>>, vector<64x128xf32>
    %roll3A_139 = tpu.dynamic_rotate %get3A_138 by %and3A_135 dim 1 : vector<64x128xf32>, i32 -> vector<64x128xf32>
    %get3A_140 = arith.constant 0 : index
    %get3A_141 = arith.constant 0 : index
    %get3A_142 = vector.load %arg16[%get3A_140, %get3A_141] : memref<64x128xf32, #tpu.memory_space<vmem>>, vector<64x128xf32>
    %roll3A_143 = tpu.dynamic_rotate %get3A_142 by %and3A_135 dim 1 : vector<64x128xf32>, i32 -> vector<64x128xf32>
    %slice3A_144 = vector.extract_strided_slice %roll3A_139 {offsets = [0, 0], sizes = [64, 1], strides = [1, 1]} : vector<64x128xf32> to vector<64x1xf32>
    %slice3A_145 = vector.extract_strided_slice %roll3A_143 {offsets = [0, 0], sizes = [64, 1], strides = [1, 1]} : vector<64x128xf32> to vector<64x1xf32>
    %exp3A_146 = math.exp %slice3A_145 : vector<64x1xf32>
    %add3A_147 = arith.addf %slice3A_144, %exp3A_146 : vector<64x1xf32>
    %slice3A_148 = vector.extract_strided_slice %slice3A_144 {offsets = [0, 0], sizes = [32, 1], strides = [1, 1]} : vector<64x1xf32> to vector<32x1xf32>
    %slice3A_149 = vector.extract_strided_slice %add3A_147 {offsets = [0, 0], sizes = [32, 1], strides = [1, 1]} : vector<64x1xf32> to vector<32x1xf32>
    %slice3A_150 = vector.extract_strided_slice %slice3A_144 {offsets = [32, 0], sizes = [32, 1], strides = [1, 1]} : vector<64x1xf32> to vector<32x1xf32>
    %slice3A_151 = vector.extract_strided_slice %add3A_147 {offsets = [32, 0], sizes = [32, 1], strides = [1, 1]} : vector<64x1xf32> to vector<32x1xf32>
    %concatenate3A_152 = tpu.concatenate %slice3A_148, %slice3A_149, %slice3A_150, %slice3A_151 in 0 : vector<32x1xf32>, vector<32x1xf32>, vector<32x1xf32>, vector<32x1xf32> -> vector<128x1xf32>
    %mul3A_153 = arith.constant 8 : i32
    %mul3A_154 = arith.muli %arg0, %mul3A_153 : i32
    %add3A_155 = arith.constant 6 : i32
    %add3A_156 = arith.addi %mul3A_154, %add3A_155 : i32
    %get3A_157 = arith.index_cast %add3A_156 : i32 to index
    %get3A_158 = memref.load %arg2[%get3A_157] : memref<1536xi32, #tpu.memory_space<smem>>
    %sub3A_159 = arith.constant 128 : i32
    %sub3A_160 = arith.subi %sub3A_159, %get3A_158 : i32
    %and3A_161 = arith.constant 127 : i32
    %and3A_162 = arith.andi %sub3A_160, %and3A_161 : i32
    %get3A_163 = arith.constant 0 : index
    %get3A_164 = arith.constant 0 : index
    %get3A_165 = vector.load %arg9[%get3A_163, %get3A_164] : memref<64x128xf32, #tpu.memory_space<vmem>>, vector<64x128xf32>
    %roll3A_166 = tpu.dynamic_rotate %get3A_165 by %and3A_162 dim 1 : vector<64x128xf32>, i32 -> vector<64x128xf32>
    %get3A_167 = arith.constant 0 : index
    %get3A_168 = arith.constant 0 : index
    %get3A_169 = vector.load %arg17[%get3A_167, %get3A_168] : memref<64x128xf32, #tpu.memory_space<vmem>>, vector<64x128xf32>
    %roll3A_170 = tpu.dynamic_rotate %get3A_169 by %and3A_162 dim 1 : vector<64x128xf32>, i32 -> vector<64x128xf32>
    %slice3A_171 = vector.extract_strided_slice %roll3A_166 {offsets = [0, 0], sizes = [64, 1], strides = [1, 1]} : vector<64x128xf32> to vector<64x1xf32>
    %slice3A_172 = vector.extract_strided_slice %roll3A_170 {offsets = [0, 0], sizes = [64, 1], strides = [1, 1]} : vector<64x128xf32> to vector<64x1xf32>
    %exp3A_173 = math.exp %slice3A_172 : vector<64x1xf32>
    %add3A_174 = arith.addf %slice3A_171, %exp3A_173 : vector<64x1xf32>
    %slice3A_175 = vector.extract_strided_slice %slice3A_171 {offsets = [0, 0], sizes = [32, 1], strides = [1, 1]} : vector<64x1xf32> to vector<32x1xf32>
    %slice3A_176 = vector.extract_strided_slice %add3A_174 {offsets = [0, 0], sizes = [32, 1], strides = [1, 1]} : vector<64x1xf32> to vector<32x1xf32>
    %slice3A_177 = vector.extract_strided_slice %slice3A_171 {offsets = [32, 0], sizes = [32, 1], strides = [1, 1]} : vector<64x1xf32> to vector<32x1xf32>
    %slice3A_178 = vector.extract_strided_slice %add3A_174 {offsets = [32, 0], sizes = [32, 1], strides = [1, 1]} : vector<64x1xf32> to vector<32x1xf32>
    %concatenate3A_179 = tpu.concatenate %slice3A_175, %slice3A_176, %slice3A_177, %slice3A_178 in 0 : vector<32x1xf32>, vector<32x1xf32>, vector<32x1xf32>, vector<32x1xf32> -> vector<128x1xf32>
    %mul3A_180 = arith.constant 8 : i32
    %mul3A_181 = arith.muli %arg0, %mul3A_180 : i32
    %add3A_182 = arith.constant 7 : i32
    %add3A_183 = arith.addi %mul3A_181, %add3A_182 : i32
    %get3A_184 = arith.index_cast %add3A_183 : i32 to index
    %get3A_185 = memref.load %arg2[%get3A_184] : memref<1536xi32, #tpu.memory_space<smem>>
    %sub3A_186 = arith.constant 128 : i32
    %sub3A_187 = arith.subi %sub3A_186, %get3A_185 : i32
    %and3A_188 = arith.constant 127 : i32
    %and3A_189 = arith.andi %sub3A_187, %and3A_188 : i32
    %get3A_190 = arith.constant 0 : index
    %get3A_191 = arith.constant 0 : index
    %get3A_192 = vector.load %arg10[%get3A_190, %get3A_191] : memref<64x128xf32, #tpu.memory_space<vmem>>, vector<64x128xf32>
    %roll3A_193 = tpu.dynamic_rotate %get3A_192 by %and3A_189 dim 1 : vector<64x128xf32>, i32 -> vector<64x128xf32>
    %get3A_194 = arith.constant 0 : index
    %get3A_195 = arith.constant 0 : index
    %get3A_196 = vector.load %arg18[%get3A_194, %get3A_195] : memref<64x128xf32, #tpu.memory_space<vmem>>, vector<64x128xf32>
    %roll3A_197 = tpu.dynamic_rotate %get3A_196 by %and3A_189 dim 1 : vector<64x128xf32>, i32 -> vector<64x128xf32>
    %slice3A_198 = vector.extract_strided_slice %roll3A_193 {offsets = [0, 0], sizes = [64, 1], strides = [1, 1]} : vector<64x128xf32> to vector<64x1xf32>
    %slice3A_199 = vector.extract_strided_slice %roll3A_197 {offsets = [0, 0], sizes = [64, 1], strides = [1, 1]} : vector<64x128xf32> to vector<64x1xf32>
    %exp3A_200 = math.exp %slice3A_199 : vector<64x1xf32>
    %add3A_201 = arith.addf %slice3A_198, %exp3A_200 : vector<64x1xf32>
    %slice3A_202 = vector.extract_strided_slice %slice3A_198 {offsets = [0, 0], sizes = [32, 1], strides = [1, 1]} : vector<64x1xf32> to vector<32x1xf32>
    %slice3A_203 = vector.extract_strided_slice %add3A_201 {offsets = [0, 0], sizes = [32, 1], strides = [1, 1]} : vector<64x1xf32> to vector<32x1xf32>
    %slice3A_204 = vector.extract_strided_slice %slice3A_198 {offsets = [32, 0], sizes = [32, 1], strides = [1, 1]} : vector<64x1xf32> to vector<32x1xf32>
    %slice3A_205 = vector.extract_strided_slice %add3A_201 {offsets = [32, 0], sizes = [32, 1], strides = [1, 1]} : vector<64x1xf32> to vector<32x1xf32>
    %concatenate3A_206 = tpu.concatenate %slice3A_202, %slice3A_203, %slice3A_204, %slice3A_205 in 0 : vector<32x1xf32>, vector<32x1xf32>, vector<32x1xf32>, vector<32x1xf32> -> vector<128x1xf32>
    %concatenate3A_207 = tpu.concatenate %concatenate3A, %concatenate3A_44, %concatenate3A_71, %concatenate3A_98, %concatenate3A_125, %concatenate3A_152, %concatenate3A_179, %concatenate3A_206 in 1 : vector<128x1xf32>, vector<128x1xf32>, vector<128x1xf32>, vector<128x1xf32>, vector<128x1xf32>, vector<128x1xf32>, vector<128x1xf32>, vector<128x1xf32> -> vector<128x8xf32>
    %broadcast_in_dim3A = vector.shape_cast %concatenate3A_207 : vector<128x8xf32> to vector<1x128x8xf32>
    %swap3A = arith.constant 0 : index
    %swap3A_208 = arith.constant 0 : index
    %swap3A_209 = arith.constant 0 : index
    %swap3A_210 = vector.load %arg19[%swap3A, %swap3A_208, %swap3A_209] : memref<1x128x8xf32, #tpu.memory_space<vmem>>, vector<1x128x8xf32>
    tpu.vector_store %arg19[%swap3A, %swap3A_208, %swap3A_209], %broadcast_in_dim3A {strides = array<i32>} : memref<1x128x8xf32, #tpu.memory_space<vmem>>, vector<1x128x8xf32>,
    return
  }
  func.func @transform_0(%arg0: i32, %arg1: memref<1536xi32, #tpu.memory_space<smem>>, %arg2: memref<1536xi32, #tpu.memory_space<smem>>) -> (i32, i32) {
    %mul3A = arith.constant 8 : i32
    %mul3A_0 = arith.muli %arg0, %mul3A : i32
    %add3A = arith.constant 0 : i32
    %add3A_1 = arith.addi %mul3A_0, %add3A : i32
    %get3A = arith.index_cast %add3A_1 : i32 to index
    %get3A_2 = memref.load %arg1[%get3A] : memref<1536xi32, #tpu.memory_space<smem>>
    %c0_i32 = arith.constant 0 : i32
    %c0_i32_3 = arith.constant 0 : i32
    return %c0_i32, %get3A_2 : i32, i32
  }
  func.func @transform_1(%arg0: i32, %arg1: memref<1536xi32, #tpu.memory_space<smem>>, %arg2: memref<1536xi32, #tpu.memory_space<smem>>) -> (i32, i32) {
    %mul3A = arith.constant 8 : i32
    %mul3A_0 = arith.muli %arg0, %mul3A : i32
    %add3A = arith.constant 1 : i32
    %add3A_1 = arith.addi %mul3A_0, %add3A : i32
    %get3A = arith.index_cast %add3A_1 : i32 to index
    %get3A_2 = memref.load %arg1[%get3A] : memref<1536xi32, #tpu.memory_space<smem>>
    %c0_i32 = arith.constant 0 : i32
    %c0_i32_3 = arith.constant 0 : i32
    return %c0_i32, %get3A_2 : i32, i32
  }
  func.func @transform_2(%arg0: i32, %arg1: memref<1536xi32, #tpu.memory_space<smem>>, %arg2: memref<1536xi32, #tpu.memory_space<smem>>) -> (i32, i32) {
    %mul3A = arith.constant 8 : i32
    %mul3A_0 = arith.muli %arg0, %mul3A : i32
    %add3A = arith.constant 2 : i32
    %add3A_1 = arith.addi %mul3A_0, %add3A : i32
    %get3A = arith.index_cast %add3A_1 : i32 to index
    %get3A_2 = memref.load %arg1[%get3A] : memref<1536xi32, #tpu.memory_space<smem>>
    %c0_i32 = arith.constant 0 : i32
    %c0_i32_3 = arith.constant 0 : i32
    return %c0_i32, %get3A_2 : i32, i32
  }
  func.func @transform_3(%arg0: i32, %arg1: memref<1536xi32, #tpu.memory_space<smem>>, %arg2: memref<1536xi32, #tpu.memory_space<smem>>) -> (i32, i32) {
    %mul3A = arith.constant 8 : i32
    %mul3A_0 = arith.muli %arg0, %mul3A : i32
    %add3A = arith.constant 3 : i32
    %add3A_1 = arith.addi %mul3A_0, %add3A : i32
    %get3A = arith.index_cast %add3A_1 : i32 to index
    %get3A_2 = memref.load %arg1[%get3A] : memref<1536xi32, #tpu.memory_space<smem>>
    %c0_i32 = arith.constant 0 : i32
    %c0_i32_3 = arith.constant 0 : i32
    return %c0_i32, %get3A_2 : i32, i32
  }
  func.func @transform_4(%arg0: i32, %arg1: memref<1536xi32, #tpu.memory_space<smem>>, %arg2: memref<1536xi32, #tpu.memory_space<smem>>) -> (i32, i32) {
    %mul3A = arith.constant 8 : i32
    %mul3A_0 = arith.muli %arg0, %mul3A : i32
    %add3A = arith.constant 4 : i32
    %add3A_1 = arith.addi %mul3A_0, %add3A : i32
    %get3A = arith.index_cast %add3A_1 : i32 to index
    %get3A_2 = memref.load %arg1[%get3A] : memref<1536xi32, #tpu.memory_space<smem>>
    %c0_i32 = arith.constant 0 : i32
    %c0_i32_3 = arith.constant 0 : i32
    return %c0_i32, %get3A_2 : i32, i32
  }
  func.func @transform_5(%arg0: i32, %arg1: memref<1536xi32, #tpu.memory_space<smem>>, %arg2: memref<1536xi32, #tpu.memory_space<smem>>) -> (i32, i32) {
    %mul3A = arith.constant 8 : i32
    %mul3A_0 = arith.muli %arg0, %mul3A : i32
    %add3A = arith.constant 5 : i32
    %add3A_1 = arith.addi %mul3A_0, %add3A : i32
    %get3A = arith.index_cast %add3A_1 : i32 to index
    %get3A_2 = memref.load %arg1[%get3A] : memref<1536xi32, #tpu.memory_space<smem>>
    %c0_i32 = arith.constant 0 : i32
    %c0_i32_3 = arith.constant 0 : i32
    return %c0_i32, %get3A_2 : i32, i32
  }
  func.func @transform_6(%arg0: i32, %arg1: memref<1536xi32, #tpu.memory_space<smem>>, %arg2: memref<1536xi32, #tpu.memory_space<smem>>) -> (i32, i32) {
    %mul3A = arith.constant 8 : i32
    %mul3A_0 = arith.muli %arg0, %mul3A : i32
    %add3A = arith.constant 6 : i32
    %add3A_1 = arith.addi %mul3A_0, %add3A : i32
    %get3A = arith.index_cast %add3A_1 : i32 to index
    %get3A_2 = memref.load %arg1[%get3A] : memref<1536xi32, #tpu.memory_space<smem>>
    %c0_i32 = arith.constant 0 : i32
    %c0_i32_3 = arith.constant 0 : i32
    return %c0_i32, %get3A_2 : i32, i32
  }
  func.func @transform_7(%arg0: i32, %arg1: memref<1536xi32, #tpu.memory_space<smem>>, %arg2: memref<1536xi32, #tpu.memory_space<smem>>) -> (i32, i32) {
    %mul3A = arith.constant 8 : i32
    %mul3A_0 = arith.muli %arg0, %mul3A : i32
    %add3A = arith.constant 7 : i32
    %add3A_1 = arith.addi %mul3A_0, %add3A : i32
    %get3A = arith.index_cast %add3A_1 : i32 to index
    %get3A_2 = memref.load %arg1[%get3A] : memref<1536xi32, #tpu.memory_space<smem>>
    %c0_i32 = arith.constant 0 : i32
    %c0_i32_3 = arith.constant 0 : i32
    return %c0_i32, %get3A_2 : i32, i32
  }
  func.func @transform_8(%arg0: i32, %arg1: memref<1536xi32, #tpu.memory_space<smem>>, %arg2: memref<1536xi32, #tpu.memory_space<smem>>) -> (i32, i32) {
    %mul3A = arith.constant 8 : i32
    %mul3A_0 = arith.muli %arg0, %mul3A : i32
    %add3A = arith.constant 0 : i32
    %add3A_1 = arith.addi %mul3A_0, %add3A : i32
    %get3A = arith.index_cast %add3A_1 : i32 to index
    %get3A_2 = memref.load %arg1[%get3A] : memref<1536xi32, #tpu.memory_space<smem>>
    %c0_i32 = arith.constant 0 : i32
    %c0_i32_3 = arith.constant 0 : i32
    return %c0_i32, %get3A_2 : i32, i32
  }
  func.func @transform_9(%arg0: i32, %arg1: memref<1536xi32, #tpu.memory_space<smem>>, %arg2: memref<1536xi32, #tpu.memory_space<smem>>) -> (i32, i32) {
    %mul3A = arith.constant 8 : i32
    %mul3A_0 = arith.muli %arg0, %mul3A : i32
    %add3A = arith.constant 1 : i32
    %add3A_1 = arith.addi %mul3A_0, %add3A : i32
    %get3A = arith.index_cast %add3A_1 : i32 to index
    %get3A_2 = memref.load %arg1[%get3A] : memref<1536xi32, #tpu.memory_space<smem>>
    %c0_i32 = arith.constant 0 : i32
    %c0_i32_3 = arith.constant 0 : i32
    return %c0_i32, %get3A_2 : i32, i32
  }
  func.func @transform_10(%arg0: i32, %arg1: memref<1536xi32, #tpu.memory_space<smem>>, %arg2: memref<1536xi32, #tpu.memory_space<smem>>) -> (i32, i32) {
    %mul3A = arith.constant 8 : i32
    %mul3A_0 = arith.muli %arg0, %mul3A : i32
    %add3A = arith.constant 2 : i32
    %add3A_1 = arith.addi %mul3A_0, %add3A : i32
    %get3A = arith.index_cast %add3A_1 : i32 to index
    %get3A_2 = memref.load %arg1[%get3A] : memref<1536xi32, #tpu.memory_space<smem>>
    %c0_i32 = arith.constant 0 : i32
    %c0_i32_3 = arith.constant 0 : i32
    return %c0_i32, %get3A_2 : i32, i32
  }
  func.func @transform_11(%arg0: i32, %arg1: memref<1536xi32, #tpu.memory_space<smem>>, %arg2: memref<1536xi32, #tpu.memory_space<smem>>) -> (i32, i32) {
    %mul3A = arith.constant 8 : i32
    %mul3A_0 = arith.muli %arg0, %mul3A : i32
    %add3A = arith.constant 3 : i32
    %add3A_1 = arith.addi %mul3A_0, %add3A : i32
    %get3A = arith.index_cast %add3A_1 : i32 to index
    %get3A_2 = memref.load %arg1[%get3A] : memref<1536xi32, #tpu.memory_space<smem>>
    %c0_i32 = arith.constant 0 : i32
    %c0_i32_3 = arith.constant 0 : i32
    return %c0_i32, %get3A_2 : i32, i32
  }
  func.func @transform_12(%arg0: i32, %arg1: memref<1536xi32, #tpu.memory_space<smem>>, %arg2: memref<1536xi32, #tpu.memory_space<smem>>) -> (i32, i32) {
    %mul3A = arith.constant 8 : i32
    %mul3A_0 = arith.muli %arg0, %mul3A : i32
    %add3A = arith.constant 4 : i32
    %add3A_1 = arith.addi %mul3A_0, %add3A : i32
    %get3A = arith.index_cast %add3A_1 : i32 to index
    %get3A_2 = memref.load %arg1[%get3A] : memref<1536xi32, #tpu.memory_space<smem>>
    %c0_i32 = arith.constant 0 : i32
    %c0_i32_3 = arith.constant 0 : i32
    return %c0_i32, %get3A_2 : i32, i32
  }
  func.func @transform_13(%arg0: i32, %arg1: memref<1536xi32, #tpu.memory_space<smem>>, %arg2: memref<1536xi32, #tpu.memory_space<smem>>) -> (i32, i32) {
    %mul3A = arith.constant 8 : i32
    %mul3A_0 = arith.muli %arg0, %mul3A : i32
    %add3A = arith.constant 5 : i32
    %add3A_1 = arith.addi %mul3A_0, %add3A : i32
    %get3A = arith.index_cast %add3A_1 : i32 to index
    %get3A_2 = memref.load %arg1[%get3A] : memref<1536xi32, #tpu.memory_space<smem>>
    %c0_i32 = arith.constant 0 : i32
    %c0_i32_3 = arith.constant 0 : i32
    return %c0_i32, %get3A_2 : i32, i32
  }
  func.func @transform_14(%arg0: i32, %arg1: memref<1536xi32, #tpu.memory_space<smem>>, %arg2: memref<1536xi32, #tpu.memory_space<smem>>) -> (i32, i32) {
    %mul3A = arith.constant 8 : i32
    %mul3A_0 = arith.muli %arg0, %mul3A : i32
    %add3A = arith.constant 6 : i32
    %add3A_1 = arith.addi %mul3A_0, %add3A : i32
    %get3A = arith.index_cast %add3A_1 : i32 to index
    %get3A_2 = memref.load %arg1[%get3A] : memref<1536xi32, #tpu.memory_space<smem>>
    %c0_i32 = arith.constant 0 : i32
    %c0_i32_3 = arith.constant 0 : i32
    return %c0_i32, %get3A_2 : i32, i32
  }
  func.func @transform_15(%arg0: i32, %arg1: memref<1536xi32, #tpu.memory_space<smem>>, %arg2: memref<1536xi32, #tpu.memory_space<smem>>) -> (i32, i32) {
    %mul3A = arith.constant 8 : i32
    %mul3A_0 = arith.muli %arg0, %mul3A : i32
    %add3A = arith.constant 7 : i32
    %add3A_1 = arith.addi %mul3A_0, %add3A : i32
    %get3A = arith.index_cast %add3A_1 : i32 to index
    %get3A_2 = memref.load %arg1[%get3A] : memref<1536xi32, #tpu.memory_space<smem>>
    %c0_i32 = arith.constant 0 : i32
    %c0_i32_3 = arith.constant 0 : i32
    return %c0_i32, %get3A_2 : i32, i32
  }
  func.func @transform_16(%arg0: i32, %arg1: memref<1536xi32, #tpu.memory_space<smem>>, %arg2: memref<1536xi32, #tpu.memory_space<smem>>) -> (i32, i32, i32) {
    %c0_i32 = arith.constant 0 : i32
    %c0_i32_0 = arith.constant 0 : i32
    %c0_i32_1 = arith.constant 0 : i32
    return %arg0, %c0_i32, %c0_i32_0 : i32, i32, i32
  }
}

</mosaic_0001>

<sc_bundles>
// kernel: kernel.4.cloned.1.call-start
scs
__scs_entry_jumppad:
0x0: {  	(pc) =	sbr.rel $0x88, $3  }
0x1: {  	(tag) =	ssettag $0x0;
	lr =	simm.s32 $0x1  }
0x2: {  	[smem:$0x3F9E] =	sst lr;
	_ =	strace $0xD0000000  }
0x3: {  	_ = 	snop  }
0x4: {  	_ = 	snop  }
0x5: {  	_ = 	snop  }
0x6: {  	_ = 	snop  }
0x7: {  	_ = 	snop  }
__scs_overlays_trampoline_lowered:
0x8: {  	[smem:$0x3FAD] =	sst s0  }
0x9: {  	[smem:$0x3FAE] =	sst s1  }
0xa: {  	[smem:$0x3FAF] =	sst s2  }
0xb: {  	[smem:$0x3FB0] =	sst s3  }
0xc: {  	[smem:$0x3FB1] =	sst s4  }
0xd: {  	[smem:$0x3FB2] =	sst s5  }
0xe: {  	[smem:$0x3FB3] =	sst s6  }
0xf: {  	[smem:$0x3FB4] =	sst s7  }
0x10: {  	[smem:$0x3FB5] =	sst s8  }
0x11: {  	[smem:$0x3FB6] =	sst s9;
	s0 =	simm.s32 @!p0 $0x0  }
0x12: {  	s1 =	sld [smem:$0x3F9C];
	s0 =	simm.s32 @p0 $0x1  }
0x13: {  	[smem:$0x3FB7] =	sst s0;
	s0 =	simm.s32 @!p1 $0x0  }
0x14: {  	s2 =	sld [smem:$0x3F9B];
	s0 =	simm.s32 @p1 $0x1  }
0x15: {  	[smem:$0x3FB8] =	sst s0;
	s0 =	simm.s32 @!p2 $0x0  }
0x16: {  	s3 =	sld [smem:$0x3FDB];
	s0 =	simm.s32 @p2 $0x1  }
0x17: {  	s4 =	simm.s32 $0x1BF5;
	[smem:$0x3FBA] =	sst s0  }
0x18: {  	s0 =	sld [smem:$0x3F9D];
	_ =	swait.ge [sflag:s4], $0x0  }
0x19: {  	s7 =	sld [smem:$0x3F9E]  }
0x1a: {  	s8 =	sadd.s32 $0xFFFFE003, lr  }
0x1b: {  	s9 =	sadd.s32 $0xFFFFFEF7, lr;
	s5 =	simm.s32 $0xFFFFFFFF;
	p2 =	slt.u32 s8, $0xFFFFF086  }
0x1c: {  	p1 =	slt.u32 s9, $0xF7A;
	s5 =	simm.s32 @!p2 $0x0  }
0x1d: {  	s5 =	simm.s32 @p1 $0x1;
	p0 =	seq.s32 s7, s2  }
0x1e: {  	s7 =	smul.u32 @!p0 $0xF7A, s2;
	p2 =	seq.s32 @!p0 s5, $0x0  }
0x1f: {  	s9 =	smul.u32 $0xF7A, s1;
	s8 =	simm.s32 @!p0 $0x1BF5;
	p2 =	por !p2, p0  }
0x20: {  	[sflag:s8] =	ssyncset.s32 @!p0 $0xFFFFF086;
	s6 =	sadd.s32 @!p0 s3, s7;
	s7 =	simm.s32 @!p0 $0x108  }
0x21: {  	s3 =	sadd.s32 s3, s9;
	s6 =	sadd.s32 @!p0 $0x88, s6;
	s7 =	simm.s32 @p2 $0x1082  }
0x22: {  	[simem:s7], [sflag:s8] =	dma.local @!p0 [hbm:s6], $0xF7A  }
0x23: {  	s9 =	sor.u32 $0xD0000000, s2;
	s6 =	simm.s32 $0x108;
	_ =	swait.ge @!p0 [sflag:s8], $0x0  }
0x24: {  	s3 =	sadd.s32 $0x88, s3;
	s6 =	simm.s32 @!p1 $0x1082;
	[sflag:s4] =	ssyncset.s32 $0xFFFFF086  }
0x25: {  	[simem:s6], [sflag:s4] =	dma.local [hbm:s3], $0xF7A  }
0x26: {  	[smem:$0x3F9E] =	sst s1;
	(tag) =	ssettag s2;
	_ =	strace s9  }
0x27: {  	s1 =	sld [smem:$0x3FAE]  }
0x28: {  	s2 =	sld [smem:$0x3FAF]  }
0x29: {  	s4 =	sld [smem:$0x3FB1]  }
0x2a: {  	p0 =	seq.s32 s5, $0x0;
	s5 =	sld [smem:$0x3FB2]  }
0x2b: {  	s6 =	sld [smem:$0x3FB3]  }
0x2c: {  	s7 =	sld [smem:$0x3FB4]  }
0x2d: {  	s3 =	simm.s32 $0x108;
	s8 =	sld [smem:$0x3FB5]  }
0x2e: {  	s3 =	simm.s32 @!p0 $0x1082;
	s9 =	sld [smem:$0x3FB6]  }
0x2f: {  	lr =	sadd.s32 s0, s3;
	s0 =	sld [smem:$0x3FAD]  }
0x30: {  	s3 =	sld [smem:$0x3FB0]  }
0x31: {  	[smem:$0x3FB9] =	sst s10  }
0x32: {  	s10 =	sld [smem:$0x3FB7];
	_ =	sdelay $0x3  }
0x33: {  	p0 =	seq.s32 s10, $0x1;
	s10 =	sld [smem:$0x3FB9];
	_ =	sdelay $0x3  }
0x34: {  	[smem:$0x3FB9] =	sst s10  }
0x35: {  	s10 =	sld [smem:$0x3FB8];
	_ =	sdelay $0x3  }
0x36: {  	p1 =	seq.s32 s10, $0x1;
	s10 =	sld [smem:$0x3FB9];
	_ =	sdelay $0x3  }
0x37: {  	[smem:$0x3FB9] =	sst s10  }
0x38: {  	s10 =	sld [smem:$0x3FBA]  }
0x39: {  	_ = 	snop;
	(pc) =	sbr.ind lr, $3  }
0x3a: {  	_ = 	snop  }
0x3b: {  	_ = 	snop  }
0x3c: {  	p2 =	seq.s32 s10, $0x1;
	s10 =	sld [smem:$0x3FB9]  }
0x3d: {  	_ =	shalt  }
0x3e: {  	_ =	shalt  }
0x3f: {  	_ =	shalt  }
0x40: {  	_ =	shalt  }
0x41: {  	_ =	shalt  }
0x42: {  	_ =	shalt  }
0x43: {  	_ =	shalt  }
0x44: {  	_ =	shalt  }
0x45: {  	_ =	shalt  }
0x46: {  	_ =	shalt  }
0x47: {  	_ =	shalt  }
0x48: {  	_ =	shalt  }
0x49: {  	_ =	shalt  }
0x4a: {  	_ =	shalt  }
0x4b: {  	_ =	shalt  }
0x4c: {  	_ =	shalt  }
0x4d: {  	_ =	shalt  }
0x4e: {  	_ =	shalt  }
0x4f: {  	_ =	shalt  }
0x50: {  	_ =	shalt  }
0x51: {  	_ =	shalt  }
0x52: {  	_ =	shalt  }
0x53: {  	_ =	shalt  }
0x54: {  	_ =	shalt  }
0x55: {  	_ =	shalt  }
0x56: {  	_ =	shalt  }
0x57: {  	_ =	shalt  }
0x58: {  	_ =	shalt  }
0x59: {  	_ =	shalt  }
0x5a: {  	_ =	shalt  }
0x5b: {  	_ =	shalt  }
0x5c: {  	_ =	shalt  }
0x5d: {  	_ =	shalt  }
0x5e: {  	_ =	shalt  }
0x5f: {  	_ =	shalt  }
0x60: {  	_ =	shalt  }
0x61: {  	_ =	shalt  }
0x62: {  	_ =	shalt  }
0x63: {  	_ =	shalt  }
0x64: {  	_ =	shalt  }
0x65: {  	_ =	shalt  }
0x66: {  	_ =	shalt  }
0x67: {  	_ =	shalt  }
0x68: {  	_ =	shalt  }
0x69: {  	_ =	shalt  }
0x6a: {  	_ =	shalt  }
0x6b: {  	_ =	shalt  }
0x6c: {  	_ =	shalt  }
0x6d: {  	_ =	shalt  }
0x6e: {  	_ =	shalt  }
0x6f: {  	_ =	shalt  }
0x70: {  	_ =	shalt  }
0x71: {  	_ =	shalt  }
0x72: {  	_ =	shalt  }
0x73: {  	_ =	shalt  }
0x74: {  	_ =	shalt  }
0x75: {  	_ =	shalt  }
0x76: {  	_ =	shalt  }
0x77: {  	_ =	shalt  }
0x78: {  	_ =	shalt  }
0x79: {  	_ =	shalt  }
0x7a: {  	_ =	shalt  }
0x7b: {  	_ =	shalt  }
0x7c: {  	_ =	shalt  }
0x7d: {  	_ =	shalt  }
0x7e: {  	_ =	shalt  }
0x7f: {  	_ =	shalt  }
0x80: {  	_ =	shalt  }
0x81: {  	_ =	shalt  }
0x82: {  	_ =	shalt  }
0x83: {  	_ =	shalt  }
0x84: {  	_ =	shalt  }
0x85: {  	_ =	shalt  }
0x86: {  	_ =	shalt  }
0x87: {  	_ =	shalt  }
.Lfunc_end0:
.L_simem_size_0:
called_computation_lowered:
.L_overlay_start_0:
0x88: {  	s2 =	sld [smem:$0x3FD9]  }
0x89: {  	s3 =	sld [smem:$0x3FFE];
	_ =	sdelay $0x1  }
0x8a: {  	s1 =	srdreg.scid  }
0x8b: {  	s0 =	sand.u32 $0x1, s1  }
0x8c: {  	s17 =	sshll.u32 s0, $0xA;
	s2 =	sadd.s32 s3, s2  }
0x8d: {  	s2 =	sadd.s32 s2, s17  }
0x8e: {  	[smem:$0x3FC5] =	sst s2  }
0x8f: {  	_ = 	snop  }
0x90: {  	s2 =	sld [smem:$0x3FC9]  }
0x91: {  	s18 =	sld [smem:$0x3FC8]  }
0x92: {  	s4 =	sld [smem:$0x3FD0];
	(tm) =	ssettm $0x1  }
0x93: {  	s5 =	sld [smem:$0x3FFB];
	_ =	sdelay $0x3  }
0x94: {  	_ =	strace s5  }
0x95: {  	s5 =	sld [smem:$0x3FFC];
	_ =	sdelay $0x3  }
0x96: {  	_ =	strace s5  }
0x97: {  	s5 =	sld [smem:$0x3FFD];
	_ =	sdelay $0x3  }
0x98: {  	_ =	strace s5  }
0x99: {  	_ =	strace $0x8FFFFFFF  }
0x9a: {  	s19 =	sld [smem:$0x3FDB];
	_ =	sdelay $0x1  }
0x9b: {  	s6 =	simm.s32 $_scs_section_size  }
0x9c: {  	s7 =	simm.s32 $_size__tile_overlayer_lowered;
	s8 =	simm.s32 $_tile_overlayer_lowered  }
0x9d: {  	s22 =	simm.s32 $0x1BFF;
	s21 =	sshll.u32 s8, $0x1;
	s5 =	sadd.s32 s6, s19  }
0x9e: {  	s9 =	simm.s32 $0x0;
	s20 =	sshll.u32 s7, $0x1;
	s7 =	sadd.s32 s21, s5  }
0x9f: {  	[timem:s9], [sflag:s22] =	dma.local [hbm:s7], s20  }
0xa0: {  	_ =	swait.ge [sflag:s22], s20  }
0xa1: {  	s6 =	ssub.s32 $0x0, s20;
	[sflag:s22] =	ssyncset.done $0x0  }
0xa2: {  	[sflag:s22] =	ssyncadd.s32 s6;
	_ =	sdelay $0x1  }
0xa3: {  	s23 =	simm.s32 $0x1B8B  }
0xa4: {  	_ =	swait.ge [sflag:s23], $0x1  }
0xa5: {  	[sflag:s23] =	ssyncset.done $0x0  }
0xa6: {  	s25 =	simm.s32 $0x1B8E;
	s24 =	sld [smem:$0x3FFE];
	[sflag:s23] =	ssyncadd.s32 $0xFFFFFFFF  }
0xa7: {  	s26 =	simm.s32 $execute0_lowered;
	[smem:$0x3FD2] =	sst s25  }
0xa8: {  	s7 =	sshll.u32 s26, $0x1;
	_ =	strace $0x80000046;
	[dreg:$0x1] =	wrdreg $0xFFFFFFFF  }
0xa9: {  	s28 =	simm.s32 $_size_execute0_lowered;
	s5 =	sadd.s32 s5, s7;
	[dreg:$0x0] =	wrdreg $0x0  }
0xaa: {  	s7 =	sshll.u32 s28, $0x1;
	[dreg:$0x2] =	wrdreg s5  }
0xab: {  	[dreg:$0x3] =	wrdreg s7  }
0xac: {  	[dreg:$0x4] =	wrdreg $0xC0  }
0xad: {  	_ =	task [dreg:s9], $0x5FFFF  }
0xae: {  	[dreg:$0x1] =	wrdreg $0xFFFFFFFF  }
0xaf: {  	[dreg:$0x0] =	wrdreg $0x60  }
0xb0: {  	[dreg:$0x2] =	wrdreg s2  }
0xb1: {  	[dreg:$0x3] =	wrdreg s18  }
0xb2: {  	[dreg:$0x4] =	wrdreg s24  }
0xb3: {  	[dreg:$0x5] =	wrdreg s4  }
0xb4: {  	[dreg:$0x6] =	wrdreg $0x9  }
0xb5: {  	_ =	task.clear_ibuf [dreg:s9], $0x7FFFF;
	_ =	strace $0x90000046  }
0xb6: {  	s29 =	simm.s32 $0x9;
	_ =	strace $0x80000048  }
0xb7: {  	_ =	swait.ge [sflag:s29], $0x1  }
0xb8: {  	[sflag:s29] =	ssyncadd.s32 $0xFFFFFFFF  }
0xb9: {  	_ =	strace $0x90000048  }
0xba: {  	_ =	sfence  }
0xbb: {  	s30 =	sld [smem:$0x0];
	_ =	sdelay $0x2  }
0xbc: {  	s31 =	sshll.u32 s1, $0xD;
	s1 =	sshrl.u32 s1, $0x2  }
0xbd: {  	s3 =	sand.u32 $0x4000, s31;
	s1 =	sadd.s32 s1, s30  }
0xbe: {  	s0 =	sor.u32 s3, s0;
	s1 =	sshll.u32 s1, $0x11  }
0xbf: {  	s0 =	sor.u32 s1, s0  }
0xc0: {  	s0 =	sadd.s32 $0x8F2B, s0  }
0xc1: {  	[sflag:s0] =	ssyncadd.remote.s32 $0x1  }
0xc2: {  	_ =	sfence.sel $0xFFFF  }
0xc3: {  	[dreg:$0x0] =	wrdreg $0xFFFFFFFF;
	(pc) =	sbr.abs _section_cstart, $3  }
0xc4: {  	[dreg:$0x1] =	wrdreg $0xFFFFFFFF  }
0xc5: {  	_ =	task.clear_ibuf [dreg:s9], $0x2FFFF;
	_ =	strace $0x9FFFFFFF  }
0xc6: {  	(tm) =	ssettm $0x7FFFFFFF  }
0xc7: {  	_ =	shalt  }
tec
execute0_lowered:
.L_overlay_start_1:
0x0: {  	(tag) =	ssettag $0x1  }
0x1: {  	s0 =	rddreg [dreg:$0x0]  }
0x2: {  	s2 =	rddreg [dreg:$0x1]  }
0x3: {  	s1 =	srdreg.scid;
	s3 =	rddreg [dreg:$0x2]  }
0x4: {  	s5 =	stileid.u32;
	s6 =	rddreg [dreg:$0x3]  }
0x5: {  	s8 =	simm.s32 $0xD;
	s9 =	simm.s32 $0x400;
	s10 =	simm.s32 $0x7A1400  }
0x6: {  	s11 =	simm.s32 $0x80;
	s12 =	simm.s32 $0xC080;
	s13 =	simm.s32 $0x2080  }
0x7: {  	v0 =	vlaneseq.u32;
	s14 =	simm.s32 $0xE080;
	s25 =	simm.s32 $0xA080;
	s26 =	simm.s32 $0x16080  }
0x8: {  	s21 =	simm.s32 $0x1;
	s22 =	simm.s32 $0x7;
	s28 =	simm.s32 $0x9;
	v0 =	vmul.u32 $0x80, v0  }
0x9: {  	s29 =	simm.s32 $0x4;
	s30 =	simm.s32 $0xA;
	s1 =	sand.u32 $0x1, s1  }
0xa: {  	s31 =	simm.s32 $0x5;
	s15 =	simm.s32 $0xC;
	s4 =	sshll.u32 s1, $0x4;
	v1 =	vor.u32 $0x1000, v0  }
0xb: {  	s16 =	simm.s32 $0x0;
	s1 =	ssub.s32 $0x2, s1;
	s7 =	sor.u32 s5, s4;
	v2 =	vor.u32 $0x800, v0;
	v3 =	vor.u32 $0x1800, v0;
	v4 =	vor.u32 $0x2000, v0  }
0xc: {  	s4 =	simm.s32 $0x0;
	s23 =	sshrl.u32 s1, $0x1;
	v5 =	vor.u32 $0x3000, v0;
	v6 =	vor.u32 $0x2800, v0;
	v7 =	vor.u32 $0x3800, v0;
	s5 =	smul.u32 $0xA, s7  }
0xd: {  	v8 =	vor.u32 $0x4000, v0;
	v9 =	vor.u32 $0x4800, v0;
	v10 =	vor.u32 $0x5000, v0;
	[smem:$0x7FF] =	sst s4;
	s1 =	ssub.s32 s1, s23;
	s24 =	sshll.u32 s7, $0xB  }
0xe: {  	v11 =	vor.u32 $0x5800, v0;
	v12 =	vor.u32 $0x6000, v0;
	v13 =	vor.u32 $0x6800, v0;
	s23 =	simm.s32 $0x18080;
	_ =	strace $0x80000047;
	[dreg:$0x5] =	wrdreg s25  }
0xf: {  	v14 =	vor.u32 $0x7000, v0;
	v15 =	vor.u32 $0x7800, v0;
	v16 =	vor.u32 $0x8000, v0;
	s7 =	smax.u32 s1, $0x1;
	[dreg:$0x6] =	wrdreg s26;
	s3 =	sadd.s32 s5, s3  }
0x10: {  	v17 =	vor.u32 $0x8800, v0;
	v18 =	vor.u32 $0x9000, v0;
	v19 =	vor.u32 $0x9800, v0;
	s25 =	simm.s32 $0x8;
	s26 =	simm.s32 $0x3;
	s3 =	sadd.s32 $0x800, s3  }
0x11: {  	v20 =	vor.u32 $0xA000, v0;
	v21 =	vor.u32 $0xA800, v0;
	v22 =	vor.u32 $0xB000, v0;
	s1 =	simm.s32 $0x6;
	[dreg:$0x7] =	wrdreg s3;
	s3 =	sadd.s32 s6, s24  }
0x12: {  	v23 =	vor.u32 $0xB800, v0;
	v24 =	vor.u32 $0x4E, v0;
	v25 =	vor.u32 $0x104E, v0;
	s24 =	simm.s32 $0x2;
	[dreg:$0x8] =	wrdreg s3;
	s3 =	simm.s32 $0xB  }
.LBB2_1:
0x13: {  	s5 =	rddreg [dreg:$0x7]  }
0x14: {  	[tilespmem:s4], [sflag:$0xD] =	stream.linear.gather [hbm4b:s5+s4], $0x50, $0x38;
	[tilespmem:$0x1C080] =	vst v63  }
0x15: {  	_ =	swait.ge [sflag:s8], $0x50  }
0x16: {  	[sflag:s8] =	ssyncset.done $0x0  }
0x17: {  	[sflag:s8] =	ssyncadd.s32 $0xFFFFFFB0  }
0x18: {  	v26 =	vld [tilespmem:$0x0];
	_ =	sdelay $0x4  }
0x19: {  	(v2sf) =	vpush v26, $0x0;
	_ =	sdelay $0xe  }
0x1a: {  	s17 =	spop (v2sf)  }
0x1b: {  	s17 =	sand.u32 $0xFFFFF80, s17  }
0x1c: {  	s18 =	sadd.s32 s0, s17  }
0x1d: {  	[tilespmem:s11], [sflag:$0x1] =	stream.strided.gather [hbm4b:s18+s9], $0x2000, s10, s9, $0x38;
	[tilespmem:$0x1C080] =	vst v63  }
0x1e: {  	s17 =	sadd.s32 s2, s17  }
0x1f: {  	[tilespmem:s12], [sflag:$0x7] =	stream.strided.gather [hbm4b:s17+s9], $0x2000, s10, s9, $0x38;
	[tilespmem:$0x1C080] =	vst v63  }
0x20: {  	v26 =	vld [tilespmem:$0x1];
	_ =	sdelay $0x4  }
0x21: {  	(v2sf) =	vpush v26, $0x0;
	_ =	sdelay $0xe  }
0x22: {  	s20 =	spop (v2sf)  }
0x23: {  	s17 =	sand.u32 $0xFFFFF80, s20  }
0x24: {  	s4 =	sadd.s32 s0, s17  }
0x25: {  	[tilespmem:s13], [sflag:$0x2] =	stream.strided.gather [hbm4b:s4+s9], $0x2000, s10, s9, $0x38;
	[tilespmem:$0x1C080] =	vst v63  }
0x26: {  	s17 =	sadd.s32 s2, s17  }
0x27: {  	[tilespmem:s14], [sflag:$0x8] =	stream.strided.gather [hbm4b:s17+s9], $0x2000, s10, s9, $0x38;
	[tilespmem:$0x1C080] =	vst v63  }
0x28: {  	v26 =	vld [tilespmem:$0x2];
	_ =	sdelay $0x4  }
0x29: {  	(v2sf) =	vpush v26, $0x0;
	_ =	sdelay $0xe  }
0x2a: {  	s5 =	spop (v2sf)  }
0x2b: {  	s17 =	sand.u32 $0xFFFFF80, s5  }
0x2c: {  	s19 =	simm.s32 $0x4080;
	s6 =	sadd.s32 s0, s17  }
0x2d: {  	[tilespmem:s19], [sflag:$0x3] =	stream.strided.gather [hbm4b:s6+s9], $0x2000, s10, s9, $0x38;
	[tilespmem:$0x1C080] =	vst v63  }
0x2e: {  	s20 =	simm.s32 $0x10080;
	s17 =	sadd.s32 s2, s17  }
0x2f: {  	[tilespmem:s20], [sflag:$0x9] =	stream.strided.gather [hbm4b:s17+s9], $0x2000, s10, s9, $0x38;
	[tilespmem:$0x1C080] =	vst v63  }
0x30: {  	v26 =	vld [tilespmem:$0x3];
	_ =	sdelay $0x4  }
0x31: {  	(v2sf) =	vpush v26, $0x0;
	_ =	sdelay $0xe  }
0x32: {  	s5 =	spop (v2sf)  }
0x33: {  	s17 =	sand.u32 $0xFFFFF80, s5  }
0x34: {  	s19 =	simm.s32 $0x6080;
	s6 =	sadd.s32 s0, s17  }
0x35: {  	[tilespmem:s19], [sflag:$0x4] =	stream.strided.gather [hbm4b:s6+s9], $0x2000, s10, s9, $0x38;
	[tilespmem:$0x1C080] =	vst v63  }
0x36: {  	s20 =	simm.s32 $0x12080;
	s17 =	sadd.s32 s2, s17  }
0x37: {  	[tilespmem:s20], [sflag:$0xA] =	stream.strided.gather [hbm4b:s17+s9], $0x2000, s10, s9, $0x38;
	[tilespmem:$0x1C080] =	vst v63  }
0x38: {  	v26 =	vld [tilespmem:$0x4];
	_ =	sdelay $0x4  }
0x39: {  	(v2sf) =	vpush v26, $0x0;
	_ =	sdelay $0xe  }
0x3a: {  	s5 =	spop (v2sf)  }
0x3b: {  	s17 =	sand.u32 $0xFFFFF80, s5  }
0x3c: {  	s19 =	simm.s32 $0x8080;
	s6 =	sadd.s32 s0, s17  }
0x3d: {  	[tilespmem:s19], [sflag:$0x5] =	stream.strided.gather [hbm4b:s6+s9], $0x2000, s10, s9, $0x38;
	[tilespmem:$0x1C080] =	vst v63  }
0x3e: {  	s20 =	simm.s32 $0x14080;
	s17 =	sadd.s32 s2, s17  }
0x3f: {  	[tilespmem:s20], [sflag:$0xB] =	stream.strided.gather [hbm4b:s17+s9], $0x2000, s10, s9, $0x38;
	[tilespmem:$0x1C080] =	vst v63  }
0x40: {  	s18 =	simm.s32 $0x0;
	s17 =	simm.s32 $0x5  }
.LBB2_2:
0x41: {  	v26 =	vld [tilespmem:s17+$0x0];
	_ =	sdelay $0x4  }
0x42: {  	(v2sf) =	vpush v26, $0x0;
	_ =	sdelay $0xe  }
0x43: {  	s19 =	spop (v2sf)  }
0x44: {  	s19 =	sand.u32 $0xFFFFF80, s19  }
0x45: {  	s20 =	rddreg [dreg:$0x5];
	s4 =	sadd.s32 s0, s19  }
0x46: {  	[tilespmem:s20], [sflag:$0x6] =	stream.strided.gather [hbm4b:s4+s9], $0x2000, s10, s9, $0x38;
	[tilespmem:$0x1C080] =	vst v63  }
0x47: {  	s5 =	rddreg [dreg:$0x6];
	s19 =	sadd.s32 s2, s19  }
0x48: {  	[tilespmem:s5], [sflag:$0xC] =	stream.strided.gather [hbm4b:s19+s9], $0x2000, s10, s9, $0x38;
	[tilespmem:$0x1C080] =	vst v63  }
0x49: {  	_ =	swait.ge [sflag:s21], $0x2000  }
0x4a: {  	[sflag:s21] =	ssyncset.done $0x0  }
0x4b: {  	[sflag:s21] =	ssyncadd.s32 $0xFFFFE000  }
0x4c: {  	_ =	swait.ge [sflag:s22], $0x2000  }
0x4d: {  	[sflag:s22] =	ssyncset.done $0x0  }
0x4e: {  	[sflag:s22] =	ssyncadd.s32 $0xFFFFE000  }
0x4f: {  	v26 =	vld [tilespmem:s17+$0xFFFFFFFB];
	_ =	sdelay $0x4  }
0x50: {  	(v2sf) =	vpush v26, $0x0;
	_ =	sdelay $0xe  }
0x51: {  	s20 =	spop (v2sf)  }
0x52: {  	s4 =	sand.u32 $0x7F, s20  }
0x53: {  	v26 =	vor.u32 s4, v0;
	_ =	sdelay $0x4  }
0x54: {  	v27 =	vld.idx.msk [tilespmem:v26+s12+$0x0], $0xffff;
	_ =	sdelay $0x4  }
0x55: {  	v27 =	vmul.f32 $1.442695020e+00, v27;
	_ =	sdelay $0x1  }
0x56: {  	(erf) = vpow2.f32 v27;
	_ =	sdelay $0x1  }
0x57: {  	v27 =	vmov s18  }
0x58: {  	v27 =	vand.u32 $0x7E, v27  }
0x59: {  	v27 =	vbroadcast v27, $0x0  }
0x5a: {  	v26 =	vld.idx.msk [tilespmem:v26+s11+$0x0], $0xffff  }
0x5b: {  	v28 =	vor.u32 v0, v27  }
0x5c: {  	v29 =	vor.u32 v1, v27  }
0x5d: {  	v30 =	vor.u32 s4, v2  }
0x5e: {  	v31 =	vpop (erf)  }
0x5f: {  	v31 =	vadd.f32 v31, v26  }
0x60: {  	[tilespmem:v28+s23+$0x0] =	vst.idx.msk $0xffff, v26  }
0x61: {  	[tilespmem:v29+s23+$0x0] =	vst.idx.msk $0xffff, v31  }
0x62: {  	v26 =	vld.idx.msk [tilespmem:v30+s12+$0x0], $0xffff;
	_ =	sdelay $0x4  }
0x63: {  	v26 =	vmul.f32 $1.442695020e+00, v26;
	_ =	sdelay $0x1  }
0x64: {  	(erf) = vpow2.f32 v26;
	_ =	sdelay $0x4  }
0x65: {  	v26 =	vld.idx.msk [tilespmem:v30+s11+$0x0], $0xffff  }
0x66: {  	v46 =	vor.u32 v2, v27  }
0x67: {  	v47 =	vor.u32 v3, v27  }
0x68: {  	v48 =	vor.u32 s4, v1  }
0x69: {  	v49 =	vpop (erf)  }
0x6a: {  	v31 =	vadd.f32 v49, v26  }
0x6b: {  	[tilespmem:v46+s23+$0x0] =	vst.idx.msk $0xffff, v26  }
0x6c: {  	[tilespmem:v47+s23+$0x0] =	vst.idx.msk $0xffff, v31  }
0x6d: {  	v26 =	vld.idx.msk [tilespmem:v48+s12+$0x0], $0xffff;
	_ =	sdelay $0x4  }
0x6e: {  	v26 =	vmul.f32 $1.442695020e+00, v26;
	_ =	sdelay $0x1  }
0x6f: {  	(erf) = vpow2.f32 v26;
	_ =	sdelay $0x4  }
0x70: {  	v26 =	vld.idx.msk [tilespmem:v48+s11+$0x0], $0xffff  }
0x71: {  	v50 =	vor.u32 v4, v27  }
0x72: {  	v51 =	vor.u32 v5, v27  }
0x73: {  	v52 =	vor.u32 s4, v3  }
0x74: {  	v53 =	vpop (erf)  }
0x75: {  	v31 =	vadd.f32 v53, v26  }
0x76: {  	[tilespmem:v50+s23+$0x0] =	vst.idx.msk $0xffff, v26  }
0x77: {  	[tilespmem:v51+s23+$0x0] =	vst.idx.msk $0xffff, v31  }
0x78: {  	v26 =	vld.idx.msk [tilespmem:v52+s12+$0x0], $0xffff;
	_ =	sdelay $0x4  }
0x79: {  	v26 =	vmul.f32 $1.442695020e+00, v26;
	_ =	sdelay $0x1  }
0x7a: {  	(erf) = vpow2.f32 v26;
	_ =	sdelay $0x4  }
0x7b: {  	v26 =	vld.idx.msk [tilespmem:v52+s11+$0x0], $0xffff  }
0x7c: {  	v54 =	vor.u32 v6, v27  }
0x7d: {  	v27 =	vor.u32 v7, v27;
	_ =	sdelay $0x1  }
0x7e: {  	v55 =	vpop (erf)  }
0x7f: {  	v29 =	vadd.f32 v55, v26  }
0x80: {  	[tilespmem:v54+s23+$0x0] =	vst.idx.msk $0xffff, v26  }
0x81: {  	[tilespmem:v27+s23+$0x0] =	vst.idx.msk $0xffff, v29  }
0x82: {  	v26 =	vld [tilespmem:s17+$0x1];
	_ =	sdelay $0x4  }
0x83: {  	(v2sf) =	vpush v26, $0x0;
	_ =	sdelay $0xe  }
0x84: {  	s5 =	spop (v2sf)  }
0x85: {  	s4 =	sand.u32 $0xFFFFF80, s5  }
0x86: {  	s6 =	sadd.s32 s0, s4  }
0x87: {  	[tilespmem:s11], [sflag:$0x1] =	stream.strided.gather [hbm4b:s6+s9], $0x2000, s10, s9, $0x38;
	[tilespmem:$0x1C080] =	vst v63  }
0x88: {  	s4 =	sadd.s32 s2, s4  }
0x89: {  	[tilespmem:s12], [sflag:$0x7] =	stream.strided.gather [hbm4b:s4+s9], $0x2000, s10, s9, $0x38;
	[tilespmem:$0x1C080] =	vst v63  }
0x8a: {  	_ =	swait.ge [sflag:s24], $0x2000  }
0x8b: {  	[sflag:s24] =	ssyncset.done $0x0  }
0x8c: {  	[sflag:s24] =	ssyncadd.s32 $0xFFFFE000  }
0x8d: {  	_ =	swait.ge [sflag:s25], $0x2000  }
0x8e: {  	[sflag:s25] =	ssyncset.done $0x0  }
0x8f: {  	[sflag:s25] =	ssyncadd.s32 $0xFFFFE000  }
0x90: {  	v26 =	vld [tilespmem:s17+$0xFFFFFFFC];
	_ =	sdelay $0x4  }
0x91: {  	(v2sf) =	vpush v26, $0x0;
	_ =	sdelay $0xe  }
0x92: {  	s19 =	spop (v2sf)  }
0x93: {  	s4 =	sand.u32 $0x7F, s19  }
0x94: {  	v26 =	vor.u32 s4, v4;
	_ =	sdelay $0x4  }
0x95: {  	v27 =	vld.idx.msk [tilespmem:v26+s12+$0x0], $0xffff;
	_ =	sdelay $0x4  }
0x96: {  	v27 =	vmul.f32 $1.442695020e+00, v27;
	_ =	sdelay $0x1  }
0x97: {  	(erf) = vpow2.f32 v27  }
0x98: {  	s20 =	sadd.s32 $0x1, s18  }
0x99: {  	v27 =	vmov s20  }
0x9a: {  	v27 =	vand.u32 $0x7F, v27  }
0x9b: {  	v27 =	vbroadcast v27, $0x0  }
0x9c: {  	v26 =	vld.idx.msk [tilespmem:v26+s11+$0x0], $0xffff  }
0x9d: {  	v56 =	vor.u32 v0, v27  }
0x9e: {  	v57 =	vor.u32 v1, v27  }
0x9f: {  	v58 =	vor.u32 s4, v6  }
0xa0: {  	v59 =	vpop (erf)  }
0xa1: {  	v31 =	vadd.f32 v59, v26  }
0xa2: {  	[tilespmem:v56+s23+$0x0] =	vst.idx.msk $0xffff, v26  }
0xa3: {  	[tilespmem:v57+s23+$0x0] =	vst.idx.msk $0xffff, v31  }
0xa4: {  	v26 =	vld.idx.msk [tilespmem:v58+s12+$0x0], $0xffff;
	_ =	sdelay $0x4  }
0xa5: {  	v26 =	vmul.f32 $1.442695020e+00, v26;
	_ =	sdelay $0x1  }
0xa6: {  	(erf) = vpow2.f32 v26;
	_ =	sdelay $0x4  }
0xa7: {  	v26 =	vld.idx.msk [tilespmem:v58+s11+$0x0], $0xffff  }
0xa8: {  	v60 =	vor.u32 v2, v27  }
0xa9: {  	v61 =	vor.u32 v3, v27  }
0xaa: {  	v62 =	vor.u32 s4, v5  }
0xab: {  	v63 =	vpop (erf)  }
0xac: {  	v31 =	vadd.f32 v63, v26  }
0xad: {  	[tilespmem:v60+s23+$0x0] =	vst.idx.msk $0xffff, v26  }
0xae: {  	[tilespmem:v61+s23+$0x0] =	vst.idx.msk $0xffff, v31  }
0xaf: {  	v26 =	vld.idx.msk [tilespmem:v62+s12+$0x0], $0xffff;
	_ =	sdelay $0x4  }
0xb0: {  	v26 =	vmul.f32 $1.442695020e+00, v26;
	_ =	sdelay $0x1  }
0xb1: {  	(erf) = vpow2.f32 v26;
	_ =	sdelay $0x4  }
0xb2: {  	v26 =	vld.idx.msk [tilespmem:v62+s11+$0x0], $0xffff  }
0xb3: {  	v33 =	vor.u32 v4, v27  }
0xb4: {  	v34 =	vor.u32 v5, v27  }
0xb5: {  	v35 =	vor.u32 s4, v7  }
0xb6: {  	v36 =	vpop (erf)  }
0xb7: {  	v31 =	vadd.f32 v36, v26  }
0xb8: {  	[tilespmem:v33+s23+$0x0] =	vst.idx.msk $0xffff, v26  }
0xb9: {  	[tilespmem:v34+s23+$0x0] =	vst.idx.msk $0xffff, v31  }
0xba: {  	v26 =	vld.idx.msk [tilespmem:v35+s12+$0x0], $0xffff;
	_ =	sdelay $0x4  }
0xbb: {  	v26 =	vmul.f32 $1.442695020e+00, v26;
	_ =	sdelay $0x1  }
0xbc: {  	(erf) = vpow2.f32 v26;
	_ =	sdelay $0x4  }
0xbd: {  	v26 =	vld.idx.msk [tilespmem:v35+s11+$0x0], $0xffff  }
0xbe: {  	v37 =	vor.u32 v6, v27  }
0xbf: {  	v27 =	vor.u32 v7, v27;
	_ =	sdelay $0x1  }
0xc0: {  	v38 =	vpop (erf)  }
0xc1: {  	v29 =	vadd.f32 v38, v26  }
0xc2: {  	[tilespmem:v37+s23+$0x0] =	vst.idx.msk $0xffff, v26  }
0xc3: {  	[tilespmem:v27+s23+$0x0] =	vst.idx.msk $0xffff, v29  }
0xc4: {  	v26 =	vld [tilespmem:s17+$0x2];
	_ =	sdelay $0x4  }
0xc5: {  	(v2sf) =	vpush v26, $0x0;
	_ =	sdelay $0xe  }
0xc6: {  	s5 =	spop (v2sf)  }
0xc7: {  	s4 =	sand.u32 $0xFFFFF80, s5  }
0xc8: {  	s6 =	sadd.s32 s0, s4  }
0xc9: {  	[tilespmem:s13], [sflag:$0x2] =	stream.strided.gather [hbm4b:s6+s9], $0x2000, s10, s9, $0x38;
	[tilespmem:$0x1C080] =	vst v63  }
0xca: {  	s4 =	sadd.s32 s2, s4  }
0xcb: {  	[tilespmem:s14], [sflag:$0x8] =	stream.strided.gather [hbm4b:s4+s9], $0x2000, s10, s9, $0x38;
	[tilespmem:$0x1C080] =	vst v63  }
0xcc: {  	_ =	swait.ge [sflag:s26], $0x2000  }
0xcd: {  	[sflag:s26] =	ssyncset.done $0x0  }
0xce: {  	[sflag:s26] =	ssyncadd.s32 $0xFFFFE000  }
0xcf: {  	_ =	swait.ge [sflag:s28], $0x2000  }
0xd0: {  	[sflag:s28] =	ssyncset.done $0x0  }
0xd1: {  	[sflag:s28] =	ssyncadd.s32 $0xFFFFE000  }
0xd2: {  	v26 =	vld [tilespmem:s17+$0xFFFFFFFD];
	_ =	sdelay $0x4  }
0xd3: {  	(v2sf) =	vpush v26, $0x0;
	_ =	sdelay $0xe  }
0xd4: {  	s19 =	spop (v2sf)  }
0xd5: {  	s4 =	sand.u32 $0x7F, s19  }
0xd6: {  	v26 =	vor.u32 s4, v8;
	_ =	sdelay $0x4  }
0xd7: {  	v27 =	vld.idx.msk [tilespmem:v26+s12+$0x0], $0xffff;
	_ =	sdelay $0x4  }
0xd8: {  	v27 =	vmul.f32 $1.442695020e+00, v27;
	_ =	sdelay $0x1  }
0xd9: {  	(erf) = vpow2.f32 v27;
	_ =	sdelay $0x2  }
0xda: {  	s20 =	sadd.s32 $0x2, s18  }
0xdb: {  	v27 =	vmov s20  }
0xdc: {  	v26 =	vld.idx.msk [tilespmem:v26+s11+$0x0], $0xffff;
	v27 =	vand.u32 $0xFE, v27  }
0xdd: {  	v39 =	vadd.s32 v0, v27  }
0xde: {  	v40 =	vadd.s32 v1, v27  }
0xdf: {  	v41 =	vor.u32 s4, v9  }
0xe0: {  	v42 =	vpop (erf)  }
0xe1: {  	v31 =	vadd.f32 v42, v26  }
0xe2: {  	[tilespmem:v39+s23+$0x0] =	vst.idx.msk $0xffff, v26  }
0xe3: {  	[tilespmem:v40+s23+$0x0] =	vst.idx.msk $0xffff, v31  }
0xe4: {  	v26 =	vld.idx.msk [tilespmem:v41+s12+$0x0], $0xffff;
	_ =	sdelay $0x4  }
0xe5: {  	v26 =	vmul.f32 $1.442695020e+00, v26;
	_ =	sdelay $0x1  }
0xe6: {  	(erf) = vpow2.f32 v26;
	_ =	sdelay $0x4  }
0xe7: {  	v26 =	vld.idx.msk [tilespmem:v41+s11+$0x0], $0xffff  }
0xe8: {  	v43 =	vadd.s32 v2, v27  }
0xe9: {  	v44 =	vadd.s32 v3, v27  }
0xea: {  	v45 =	vor.u32 s4, v10  }
0xeb: {  	v46 =	vpop (erf)  }
0xec: {  	v31 =	vadd.f32 v46, v26  }
0xed: {  	[tilespmem:v43+s23+$0x0] =	vst.idx.msk $0xffff, v26  }
0xee: {  	[tilespmem:v44+s23+$0x0] =	vst.idx.msk $0xffff, v31  }
0xef: {  	v26 =	vld.idx.msk [tilespmem:v45+s12+$0x0], $0xffff;
	_ =	sdelay $0x4  }
0xf0: {  	v26 =	vmul.f32 $1.442695020e+00, v26;
	_ =	sdelay $0x1  }
0xf1: {  	(erf) = vpow2.f32 v26;
	_ =	sdelay $0x4  }
0xf2: {  	v26 =	vld.idx.msk [tilespmem:v45+s11+$0x0], $0xffff  }
0xf3: {  	v47 =	vadd.s32 v4, v27  }
0xf4: {  	v48 =	vadd.s32 v5, v27  }
0xf5: {  	v49 =	vor.u32 s4, v11  }
0xf6: {  	v50 =	vpop (erf)  }
0xf7: {  	v31 =	vadd.f32 v50, v26  }
0xf8: {  	[tilespmem:v47+s23+$0x0] =	vst.idx.msk $0xffff, v26  }
0xf9: {  	[tilespmem:v48+s23+$0x0] =	vst.idx.msk $0xffff, v31  }
0xfa: {  	v26 =	vld.idx.msk [tilespmem:v49+s12+$0x0], $0xffff;
	_ =	sdelay $0x4  }
0xfb: {  	v26 =	vmul.f32 $1.442695020e+00, v26;
	_ =	sdelay $0x1  }
0xfc: {  	(erf) = vpow2.f32 v26;
	_ =	sdelay $0x4  }
0xfd: {  	v26 =	vld.idx.msk [tilespmem:v49+s11+$0x0], $0xffff  }
0xfe: {  	v51 =	vadd.s32 v6, v27  }
0xff: {  	v27 =	vadd.s32 v7, v27;
	_ =	sdelay $0x1  }
0x100: {  	v52 =	vpop (erf)  }
0x101: {  	v29 =	vadd.f32 v52, v26  }
0x102: {  	[tilespmem:v51+s23+$0x0] =	vst.idx.msk $0xffff, v26  }
0x103: {  	p0 =	seq.s32 s18, $0x48;
	[tilespmem:v27+s23+$0x0] =	vst.idx.msk $0xffff, v29  }
0x104: {  	v26 =	vld @!p0 [tilespmem:s17+$0x3];
	_ =	sdelay $0x4  }
0x105: {  	(v2sf) =	vpush @!p0 v26, $0x0;
	_ =	sdelay $0xe  }
0x106: {  	s4 =	spop @!p0 (v2sf)  }
0x107: {  	s6 =	simm.s32 @!p0 $0x4080;
	s4 =	sand.u32 @!p0 $0xFFFFF80, s4  }
0x108: {  	s19 =	simm.s32 @!p0 $0x400;
	s20 =	simm.s32 @!p0 $0x7A1400;
	s5 =	sadd.s32 @!p0 s0, s4  }
0x109: {  	[tilespmem:s6], [sflag:$0x3] =	stream.strided.gather @!p0 [hbm4b:s5+s19], $0x2000, s20, s19, $0x38;
	[tilespmem:$0x1C080] =	vst v63  }
0x10a: {  	s4 =	sadd.s32 @!p0 s2, s4;
	s5 =	simm.s32 @!p0 $0x10080  }
0x10b: {  	[tilespmem:s5], [sflag:$0x9] =	stream.strided.gather @!p0 [hbm4b:s4+s19], $0x2000, s20, s19, $0x38;
	[tilespmem:$0x1C080] =	vst v63  }
0x10c: {  	_ =	swait.ge [sflag:s29], $0x2000  }
0x10d: {  	[sflag:s29] =	ssyncset.done $0x0  }
0x10e: {  	[sflag:s29] =	ssyncadd.s32 $0xFFFFE000  }
0x10f: {  	_ =	swait.ge [sflag:s30], $0x2000  }
0x110: {  	[sflag:s30] =	ssyncset.done $0x0  }
0x111: {  	[sflag:s30] =	ssyncadd.s32 $0xFFFFE000  }
0x112: {  	v26 =	vld [tilespmem:s17+$0xFFFFFFFE];
	_ =	sdelay $0x4  }
0x113: {  	(v2sf) =	vpush v26, $0x0;
	_ =	sdelay $0xe  }
0x114: {  	s5 =	spop (v2sf)  }
0x115: {  	s4 =	sand.u32 $0x7F, s5  }
0x116: {  	v26 =	vor.u32 s4, v12;
	_ =	sdelay $0x4  }
0x117: {  	v27 =	vld.idx.msk [tilespmem:v26+s12+$0x0], $0xffff;
	_ =	sdelay $0x4  }
0x118: {  	v27 =	vmul.f32 $1.442695020e+00, v27;
	_ =	sdelay $0x1  }
0x119: {  	(erf) = vpow2.f32 v27;
	_ =	sdelay $0x2  }
0x11a: {  	s6 =	sadd.s32 $0x3, s18  }
0x11b: {  	v27 =	vmov s6  }
0x11c: {  	v26 =	vld.idx.msk [tilespmem:v26+s11+$0x0], $0xffff;
	v27 =	vand.u32 $0xFF, v27  }
0x11d: {  	v53 =	vadd.s32 v0, v27  }
0x11e: {  	v54 =	vadd.s32 v1, v27  }
0x11f: {  	v55 =	vor.u32 s4, v13  }
0x120: {  	v56 =	vpop (erf)  }
0x121: {  	v31 =	vadd.f32 v56, v26  }
0x122: {  	[tilespmem:v53+s23+$0x0] =	vst.idx.msk $0xffff, v26  }
0x123: {  	[tilespmem:v54+s23+$0x0] =	vst.idx.msk $0xffff, v31  }
0x124: {  	v26 =	vld.idx.msk [tilespmem:v55+s12+$0x0], $0xffff;
	_ =	sdelay $0x4  }
0x125: {  	v26 =	vmul.f32 $1.442695020e+00, v26;
	_ =	sdelay $0x1  }
0x126: {  	(erf) = vpow2.f32 v26;
	_ =	sdelay $0x4  }
0x127: {  	v26 =	vld.idx.msk [tilespmem:v55+s11+$0x0], $0xffff  }
0x128: {  	v57 =	vadd.s32 v2, v27  }
0x129: {  	v58 =	vadd.s32 v3, v27  }
0x12a: {  	v59 =	vor.u32 s4, v14  }
0x12b: {  	v60 =	vpop (erf)  }
0x12c: {  	v31 =	vadd.f32 v60, v26  }
0x12d: {  	[tilespmem:v57+s23+$0x0] =	vst.idx.msk $0xffff, v26  }
0x12e: {  	[tilespmem:v58+s23+$0x0] =	vst.idx.msk $0xffff, v31  }
0x12f: {  	v26 =	vld.idx.msk [tilespmem:v59+s12+$0x0], $0xffff;
	_ =	sdelay $0x4  }
0x130: {  	v26 =	vmul.f32 $1.442695020e+00, v26;
	_ =	sdelay $0x1  }
0x131: {  	(erf) = vpow2.f32 v26;
	_ =	sdelay $0x4  }
0x132: {  	v26 =	vld.idx.msk [tilespmem:v59+s11+$0x0], $0xffff  }
0x133: {  	v61 =	vadd.s32 v4, v27  }
0x134: {  	v62 =	vadd.s32 v5, v27  }
0x135: {  	v63 =	vor.u32 s4, v15  }
0x136: {  	v33 =	vpop (erf)  }
0x137: {  	v31 =	vadd.f32 v33, v26  }
0x138: {  	[tilespmem:v61+s23+$0x0] =	vst.idx.msk $0xffff, v26  }
0x139: {  	[tilespmem:v62+s23+$0x0] =	vst.idx.msk $0xffff, v31  }
0x13a: {  	v26 =	vld.idx.msk [tilespmem:v63+s12+$0x0], $0xffff;
	_ =	sdelay $0x4  }
0x13b: {  	v26 =	vmul.f32 $1.442695020e+00, v26;
	_ =	sdelay $0x1  }
0x13c: {  	(erf) = vpow2.f32 v26;
	_ =	sdelay $0x4  }
0x13d: {  	v26 =	vld.idx.msk [tilespmem:v63+s11+$0x0], $0xffff  }
0x13e: {  	v34 =	vadd.s32 v6, v27  }
0x13f: {  	v27 =	vadd.s32 v7, v27;
	_ =	sdelay $0x1  }
0x140: {  	v35 =	vpop (erf)  }
0x141: {  	v29 =	vadd.f32 v35, v26  }
0x142: {  	[tilespmem:v34+s23+$0x0] =	vst.idx.msk $0xffff, v26  }
0x143: {  	[tilespmem:v27+s23+$0x0] =	vst.idx.msk $0xffff, v29  }
0x144: {  	v26 =	vld @!p0 [tilespmem:s17+$0x4];
	_ =	sdelay $0x4  }
0x145: {  	(v2sf) =	vpush @!p0 v26, $0x0;
	_ =	sdelay $0xe  }
0x146: {  	s4 =	spop @!p0 (v2sf)  }
0x147: {  	s4 =	sand.u32 @!p0 $0xFFFFF80, s4  }
0x148: {  	s6 =	simm.s32 @!p0 $0x6080;
	s5 =	sadd.s32 @!p0 s0, s4  }
0x149: {  	[tilespmem:s6], [sflag:$0x4] =	stream.strided.gather @!p0 [hbm4b:s5+s19], $0x2000, s20, s19, $0x38;
	[tilespmem:$0x1C080] =	vst v63  }
0x14a: {  	s4 =	sadd.s32 @!p0 s2, s4;
	s5 =	simm.s32 @!p0 $0x12080  }
0x14b: {  	[tilespmem:s5], [sflag:$0xA] =	stream.strided.gather @!p0 [hbm4b:s4+s19], $0x2000, s20, s19, $0x38;
	[tilespmem:$0x1C080] =	vst v63  }
0x14c: {  	_ =	swait.ge [sflag:s31], $0x2000  }
0x14d: {  	[sflag:s31] =	ssyncset.done $0x0  }
0x14e: {  	[sflag:s31] =	ssyncadd.s32 $0xFFFFE000  }
0x14f: {  	_ =	swait.ge [sflag:s3], $0x2000  }
0x150: {  	[sflag:s3] =	ssyncset.done $0x0  }
0x151: {  	[sflag:s3] =	ssyncadd.s32 $0xFFFFE000  }
0x152: {  	v26 =	vld [tilespmem:s17+$0xFFFFFFFF];
	_ =	sdelay $0x4  }
0x153: {  	(v2sf) =	vpush v26, $0x0;
	_ =	sdelay $0xe  }
0x154: {  	s5 =	spop (v2sf)  }
0x155: {  	s4 =	sand.u32 $0x7F, s5  }
0x156: {  	v26 =	vor.u32 s4, v16;
	_ =	sdelay $0x4  }
0x157: {  	v27 =	vld.idx.msk [tilespmem:v26+s12+$0x0], $0xffff;
	_ =	sdelay $0x4  }
0x158: {  	v27 =	vmul.f32 $1.442695020e+00, v27;
	_ =	sdelay $0x1  }
0x159: {  	(erf) = vpow2.f32 v27;
	_ =	sdelay $0x2  }
0x15a: {  	s6 =	sadd.s32 $0x4, s18  }
0x15b: {  	v27 =	vmov s6  }
0x15c: {  	v26 =	vld.idx.msk [tilespmem:v26+s11+$0x0], $0xffff;
	v27 =	vand.u32 $0xFE, v27  }
0x15d: {  	v36 =	vadd.s32 v0, v27  }
0x15e: {  	v37 =	vadd.s32 v1, v27  }
0x15f: {  	v38 =	vor.u32 s4, v17  }
0x160: {  	v39 =	vpop (erf)  }
0x161: {  	v31 =	vadd.f32 v39, v26  }
0x162: {  	[tilespmem:v36+s23+$0x0] =	vst.idx.msk $0xffff, v26  }
0x163: {  	[tilespmem:v37+s23+$0x0] =	vst.idx.msk $0xffff, v31  }
0x164: {  	v26 =	vld.idx.msk [tilespmem:v38+s12+$0x0], $0xffff;
	_ =	sdelay $0x4  }
0x165: {  	v26 =	vmul.f32 $1.442695020e+00, v26;
	_ =	sdelay $0x1  }
0x166: {  	(erf) = vpow2.f32 v26;
	_ =	sdelay $0x4  }
0x167: {  	v26 =	vld.idx.msk [tilespmem:v38+s11+$0x0], $0xffff  }
0x168: {  	v40 =	vadd.s32 v2, v27  }
0x169: {  	v41 =	vadd.s32 v3, v27  }
0x16a: {  	v42 =	vor.u32 s4, v18  }
0x16b: {  	v43 =	vpop (erf)  }
0x16c: {  	v31 =	vadd.f32 v43, v26  }
0x16d: {  	[tilespmem:v40+s23+$0x0] =	vst.idx.msk $0xffff, v26  }
0x16e: {  	[tilespmem:v41+s23+$0x0] =	vst.idx.msk $0xffff, v31  }
0x16f: {  	v26 =	vld.idx.msk [tilespmem:v42+s12+$0x0], $0xffff;
	_ =	sdelay $0x4  }
0x170: {  	v26 =	vmul.f32 $1.442695020e+00, v26;
	_ =	sdelay $0x1  }
0x171: {  	(erf) = vpow2.f32 v26;
	_ =	sdelay $0x4  }
0x172: {  	v26 =	vld.idx.msk [tilespmem:v42+s11+$0x0], $0xffff  }
0x173: {  	v44 =	vadd.s32 v4, v27  }
0x174: {  	v45 =	vadd.s32 v5, v27  }
0x175: {  	v46 =	vor.u32 s4, v19  }
0x176: {  	v47 =	vpop (erf)  }
0x177: {  	v31 =	vadd.f32 v47, v26  }
0x178: {  	[tilespmem:v44+s23+$0x0] =	vst.idx.msk $0xffff, v26  }
0x179: {  	[tilespmem:v45+s23+$0x0] =	vst.idx.msk $0xffff, v31  }
0x17a: {  	v26 =	vld.idx.msk [tilespmem:v46+s12+$0x0], $0xffff;
	_ =	sdelay $0x4  }
0x17b: {  	v26 =	vmul.f32 $1.442695020e+00, v26;
	_ =	sdelay $0x1  }
0x17c: {  	(erf) = vpow2.f32 v26;
	_ =	sdelay $0x4  }
0x17d: {  	v26 =	vld.idx.msk [tilespmem:v46+s11+$0x0], $0xffff  }
0x17e: {  	v48 =	vadd.s32 v6, v27  }
0x17f: {  	v27 =	vadd.s32 v7, v27;
	_ =	sdelay $0x1  }
0x180: {  	v49 =	vpop (erf)  }
0x181: {  	v29 =	vadd.f32 v49, v26  }
0x182: {  	[tilespmem:v48+s23+$0x0] =	vst.idx.msk $0xffff, v26  }
0x183: {  	[tilespmem:v27+s23+$0x0] =	vst.idx.msk $0xffff, v29  }
0x184: {  	v26 =	vld @!p0 [tilespmem:s17+$0x5];
	_ =	sdelay $0x4  }
0x185: {  	(v2sf) =	vpush @!p0 v26, $0x0;
	_ =	sdelay $0xe  }
0x186: {  	s4 =	spop @!p0 (v2sf)  }
0x187: {  	s4 =	sand.u32 @!p0 $0xFFFFF80, s4  }
0x188: {  	s6 =	simm.s32 @!p0 $0x8080;
	s5 =	sadd.s32 @!p0 s0, s4  }
0x189: {  	[tilespmem:s6], [sflag:$0x5] =	stream.strided.gather @!p0 [hbm4b:s5+s19], $0x2000, s20, s19, $0x38;
	[tilespmem:$0x1C080] =	vst v63  }
0x18a: {  	s4 =	sadd.s32 @!p0 s2, s4;
	s5 =	simm.s32 @!p0 $0x14080  }
0x18b: {  	[tilespmem:s5], [sflag:$0xB] =	stream.strided.gather @!p0 [hbm4b:s4+s19], $0x2000, s20, s19, $0x38;
	[tilespmem:$0x1C080] =	vst v63  }
0x18c: {  	_ =	swait.ge [sflag:s1], $0x2000  }
0x18d: {  	[sflag:s1] =	ssyncset.done $0x0  }
0x18e: {  	[sflag:s1] =	ssyncadd.s32 $0xFFFFE000  }
0x18f: {  	_ =	swait.ge [sflag:s15], $0x2000  }
0x190: {  	[sflag:s15] =	ssyncset.done $0x0  }
0x191: {  	[sflag:s15] =	ssyncadd.s32 $0xFFFFE000  }
0x192: {  	v26 =	vld [tilespmem:s17+$0x0];
	_ =	sdelay $0x4  }
0x193: {  	(v2sf) =	vpush v26, $0x0;
	_ =	sdelay $0xe  }
0x194: {  	s19 =	spop (v2sf)  }
0x195: {  	s4 =	sand.u32 $0x7F, s19  }
0x196: {  	v26 =	vor.u32 s4, v20;
	_ =	sdelay $0x4  }
0x197: {  	v27 =	vld.idx.msk [tilespmem:v26+s12+$0x0], $0xffff;
	_ =	sdelay $0x4  }
0x198: {  	v27 =	vmul.f32 $1.442695020e+00, v27;
	_ =	sdelay $0x1  }
0x199: {  	(erf) = vpow2.f32 v27;
	_ =	sdelay $0x2  }
0x19a: {  	s20 =	sadd.s32 $0x5, s18  }
0x19b: {  	v27 =	vmov s20  }
0x19c: {  	v26 =	vld.idx.msk [tilespmem:v26+s11+$0x0], $0xffff;
	v27 =	vand.u32 $0xFF, v27  }
0x19d: {  	v50 =	vadd.s32 v0, v27  }
0x19e: {  	v51 =	vadd.s32 v1, v27  }
0x19f: {  	v52 =	vor.u32 s4, v21  }
0x1a0: {  	v53 =	vpop (erf)  }
0x1a1: {  	v31 =	vadd.f32 v53, v26  }
0x1a2: {  	[tilespmem:v50+s23+$0x0] =	vst.idx.msk $0xffff, v26  }
0x1a3: {  	[tilespmem:v51+s23+$0x0] =	vst.idx.msk $0xffff, v31  }
0x1a4: {  	v26 =	vld.idx.msk [tilespmem:v52+s12+$0x0], $0xffff;
	_ =	sdelay $0x4  }
0x1a5: {  	v26 =	vmul.f32 $1.442695020e+00, v26;
	_ =	sdelay $0x1  }
0x1a6: {  	(erf) = vpow2.f32 v26;
	_ =	sdelay $0x4  }
0x1a7: {  	v26 =	vld.idx.msk [tilespmem:v52+s11+$0x0], $0xffff  }
0x1a8: {  	v54 =	vadd.s32 v2, v27  }
0x1a9: {  	v55 =	vadd.s32 v3, v27  }
0x1aa: {  	v56 =	vor.u32 s4, v22  }
0x1ab: {  	v57 =	vpop (erf)  }
0x1ac: {  	v31 =	vadd.f32 v57, v26  }
0x1ad: {  	[tilespmem:v54+s23+$0x0] =	vst.idx.msk $0xffff, v26  }
0x1ae: {  	[tilespmem:v55+s23+$0x0] =	vst.idx.msk $0xffff, v31  }
0x1af: {  	v26 =	vld.idx.msk [tilespmem:v56+s12+$0x0], $0xffff;
	_ =	sdelay $0x4  }
0x1b0: {  	v26 =	vmul.f32 $1.442695020e+00, v26;
	_ =	sdelay $0x1  }
0x1b1: {  	(erf) = vpow2.f32 v26;
	_ =	sdelay $0x4  }
0x1b2: {  	v26 =	vld.idx.msk [tilespmem:v56+s11+$0x0], $0xffff  }
0x1b3: {  	v58 =	vadd.s32 v4, v27  }
0x1b4: {  	v59 =	vadd.s32 v5, v27  }
0x1b5: {  	v60 =	vor.u32 s4, v23  }
0x1b6: {  	v61 =	vpop (erf)  }
0x1b7: {  	v31 =	vadd.f32 v61, v26  }
0x1b8: {  	[tilespmem:v58+s23+$0x0] =	vst.idx.msk $0xffff, v26  }
0x1b9: {  	[tilespmem:v59+s23+$0x0] =	vst.idx.msk $0xffff, v31  }
0x1ba: {  	v26 =	vld.idx.msk [tilespmem:v60+s12+$0x0], $0xffff;
	_ =	sdelay $0x4  }
0x1bb: {  	v26 =	vmul.f32 $1.442695020e+00, v26;
	_ =	sdelay $0x1  }
0x1bc: {  	(erf) = vpow2.f32 v26;
	_ =	sdelay $0x4  }
0x1bd: {  	v26 =	vld.idx.msk [tilespmem:v60+s11+$0x0], $0xffff  }
0x1be: {  	s18 =	sadd.s32 $0x6, s18;
	v62 =	vadd.s32 v6, v27  }
0x1bf: {  	p0 =	sne.s32 s18, $0x4E;
	v27 =	vadd.s32 v7, v27  }
.Ltmp0:
0x1c0: {  	_ = 	snop;
	(pc) =	sbr.rel @p0 .LBB2_2-.Ltmp0, $4  }
0x1c1: {  	v63 =	vpop (erf)  }
0x1c2: {  	v29 =	vadd.f32 v63, v26  }
0x1c3: {  	[tilespmem:v62+s23+$0x0] =	vst.idx.msk $0xffff, v26  }
0x1c4: {  	s17 =	sadd.s32 $0x6, s17;
	[tilespmem:v27+s23+$0x0] =	vst.idx.msk $0xffff, v29  }
0x1c5: {  	_ =	swait.ge [sflag:s21], $0x2000  }
0x1c6: {  	[sflag:s21] =	ssyncset.done $0x0  }
0x1c7: {  	[sflag:s21] =	ssyncadd.s32 $0xFFFFE000  }
0x1c8: {  	_ =	swait.ge [sflag:s22], $0x2000  }
0x1c9: {  	[sflag:s22] =	ssyncset.done $0x0  }
0x1ca: {  	[sflag:s22] =	ssyncadd.s32 $0xFFFFE000  }
0x1cb: {  	v26 =	vld [tilespmem:$0x4E];
	_ =	sdelay $0x4  }
0x1cc: {  	(v2sf) =	vpush v26, $0x0;
	_ =	sdelay $0xe  }
0x1cd: {  	s4 =	spop (v2sf)  }
0x1ce: {  	s4 =	sand.u32 $0x7F, s4  }
0x1cf: {  	v26 =	vor.u32 s4, v0;
	_ =	sdelay $0x4  }
0x1d0: {  	v27 =	vld.idx.msk [tilespmem:v26+s12+$0x0], $0xffff;
	_ =	sdelay $0x4  }
0x1d1: {  	v27 =	vmul.f32 $1.442695020e+00, v27;
	_ =	sdelay $0x1  }
0x1d2: {  	(erf) = vpow2.f32 v27;
	_ =	sdelay $0x4  }
0x1d3: {  	v26 =	vld.idx.msk [tilespmem:v26+s11+$0x0], $0xffff;
	_ =	sdelay $0x2  }
0x1d4: {  	v27 =	vor.u32 s4, v2  }
0x1d5: {  	v28 =	vpop (erf)  }
0x1d6: {  	v28 =	vadd.f32 v28, v26  }
0x1d7: {  	[tilespmem:v24+s23+$0x0] =	vst.idx.msk $0xffff, v26  }
0x1d8: {  	[tilespmem:v25+s23+$0x0] =	vst.idx.msk $0xffff, v28  }
0x1d9: {  	v26 =	vld.idx.msk [tilespmem:v27+s12+$0x0], $0xffff;
	_ =	sdelay $0x4  }
0x1da: {  	v26 =	vmul.f32 $1.442695020e+00, v26;
	_ =	sdelay $0x1  }
0x1db: {  	(erf) = vpow2.f32 v26;
	_ =	sdelay $0x4  }
0x1dc: {  	v26 =	vld.idx.msk [tilespmem:v27+s11+$0x0], $0xffff  }
0x1dd: {  	v27 =	vor.u32 $0x84E, v0  }
0x1de: {  	v47 =	vor.u32 $0x184E, v0  }
0x1df: {  	v29 =	vor.u32 s4, v1  }
0x1e0: {  	v30 =	vpop (erf)  }
0x1e1: {  	v30 =	vadd.f32 v30, v26  }
0x1e2: {  	[tilespmem:v27+s23+$0x0] =	vst.idx.msk $0xffff, v26  }
0x1e3: {  	[tilespmem:v47+s23+$0x0] =	vst.idx.msk $0xffff, v30  }
0x1e4: {  	v26 =	vld.idx.msk [tilespmem:v29+s12+$0x0], $0xffff;
	_ =	sdelay $0x4  }
0x1e5: {  	v26 =	vmul.f32 $1.442695020e+00, v26;
	_ =	sdelay $0x1  }
0x1e6: {  	(erf) = vpow2.f32 v26;
	_ =	sdelay $0x4  }
0x1e7: {  	v26 =	vld.idx.msk [tilespmem:v29+s11+$0x0], $0xffff  }
0x1e8: {  	v27 =	vor.u32 $0x204E, v0  }
0x1e9: {  	v48 =	vor.u32 $0x304E, v0  }
0x1ea: {  	v49 =	vor.u32 s4, v3  }
0x1eb: {  	v50 =	vpop (erf)  }
0x1ec: {  	v30 =	vadd.f32 v50, v26  }
0x1ed: {  	[tilespmem:v27+s23+$0x0] =	vst.idx.msk $0xffff, v26  }
0x1ee: {  	[tilespmem:v48+s23+$0x0] =	vst.idx.msk $0xffff, v30  }
0x1ef: {  	v26 =	vld.idx.msk [tilespmem:v49+s12+$0x0], $0xffff;
	_ =	sdelay $0x4  }
0x1f0: {  	v26 =	vmul.f32 $1.442695020e+00, v26;
	_ =	sdelay $0x1  }
0x1f1: {  	(erf) = vpow2.f32 v26;
	_ =	sdelay $0x4  }
0x1f2: {  	v26 =	vld.idx.msk [tilespmem:v49+s11+$0x0], $0xffff  }
0x1f3: {  	v27 =	vor.u32 $0x284E, v0  }
0x1f4: {  	v51 =	vor.u32 $0x384E, v0;
	_ =	sdelay $0x1  }
0x1f5: {  	v52 =	vpop (erf)  }
0x1f6: {  	v29 =	vadd.f32 v52, v26  }
0x1f7: {  	[tilespmem:v27+s23+$0x0] =	vst.idx.msk $0xffff, v26  }
0x1f8: {  	[tilespmem:v51+s23+$0x0] =	vst.idx.msk $0xffff, v29  }
0x1f9: {  	_ =	swait.ge [sflag:s24], $0x2000  }
0x1fa: {  	[sflag:s24] =	ssyncset.done $0x0  }
0x1fb: {  	[sflag:s24] =	ssyncadd.s32 $0xFFFFE000  }
0x1fc: {  	_ =	swait.ge [sflag:s25], $0x2000  }
0x1fd: {  	[sflag:s25] =	ssyncset.done $0x0  }
0x1fe: {  	[sflag:s25] =	ssyncadd.s32 $0xFFFFE000  }
0x1ff: {  	v26 =	vld [tilespmem:$0x4F];
	_ =	sdelay $0x4  }
0x200: {  	(v2sf) =	vpush v26, $0x0;
	_ =	sdelay $0xe  }
0x201: {  	s20 =	spop (v2sf)  }
0x202: {  	s4 =	sand.u32 $0x7F, s20  }
0x203: {  	v26 =	vor.u32 s4, v4;
	_ =	sdelay $0x4  }
0x204: {  	v27 =	vld.idx.msk [tilespmem:v26+s12+$0x0], $0xffff;
	_ =	sdelay $0x4  }
0x205: {  	v27 =	vmul.f32 $1.442695020e+00, v27;
	_ =	sdelay $0x1  }
0x206: {  	(erf) = vpow2.f32 v27;
	_ =	sdelay $0x4  }
0x207: {  	v26 =	vld.idx.msk [tilespmem:v26+s11+$0x0], $0xffff  }
0x208: {  	v27 =	vor.u32 $0x4F, v0  }
0x209: {  	v53 =	vor.u32 $0x104F, v0  }
0x20a: {  	v54 =	vor.u32 s4, v6  }
0x20b: {  	v55 =	vpop (erf)  }
0x20c: {  	v30 =	vadd.f32 v55, v26  }
0x20d: {  	[tilespmem:v27+s23+$0x0] =	vst.idx.msk $0xffff, v26  }
0x20e: {  	[tilespmem:v53+s23+$0x0] =	vst.idx.msk $0xffff, v30  }
0x20f: {  	v26 =	vld.idx.msk [tilespmem:v54+s12+$0x0], $0xffff;
	_ =	sdelay $0x4  }
0x210: {  	v26 =	vmul.f32 $1.442695020e+00, v26;
	_ =	sdelay $0x1  }
0x211: {  	(erf) = vpow2.f32 v26;
	_ =	sdelay $0x4  }
0x212: {  	v26 =	vld.idx.msk [tilespmem:v54+s11+$0x0], $0xffff  }
0x213: {  	v27 =	vor.u32 $0x84F, v0  }
0x214: {  	v56 =	vor.u32 $0x184F, v0  }
0x215: {  	v57 =	vor.u32 s4, v5  }
0x216: {  	v58 =	vpop (erf)  }
0x217: {  	v30 =	vadd.f32 v58, v26  }
0x218: {  	[tilespmem:v27+s23+$0x0] =	vst.idx.msk $0xffff, v26  }
0x219: {  	[tilespmem:v56+s23+$0x0] =	vst.idx.msk $0xffff, v30  }
0x21a: {  	v26 =	vld.idx.msk [tilespmem:v57+s12+$0x0], $0xffff;
	_ =	sdelay $0x4  }
0x21b: {  	v26 =	vmul.f32 $1.442695020e+00, v26;
	_ =	sdelay $0x1  }
0x21c: {  	(erf) = vpow2.f32 v26;
	_ =	sdelay $0x4  }
0x21d: {  	v26 =	vld.idx.msk [tilespmem:v57+s11+$0x0], $0xffff  }
0x21e: {  	v27 =	vor.u32 $0x204F, v0  }
0x21f: {  	v59 =	vor.u32 $0x304F, v0  }
0x220: {  	v60 =	vor.u32 s4, v7  }
0x221: {  	v61 =	vpop (erf)  }
0x222: {  	v30 =	vadd.f32 v61, v26  }
0x223: {  	[tilespmem:v27+s23+$0x0] =	vst.idx.msk $0xffff, v26  }
0x224: {  	[tilespmem:v59+s23+$0x0] =	vst.idx.msk $0xffff, v30  }
0x225: {  	v26 =	vld.idx.msk [tilespmem:v60+s12+$0x0], $0xffff;
	_ =	sdelay $0x4  }
0x226: {  	v26 =	vmul.f32 $1.442695020e+00, v26;
	_ =	sdelay $0x1  }
0x227: {  	(erf) = vpow2.f32 v26;
	_ =	sdelay $0x4  }
0x228: {  	v26 =	vld.idx.msk [tilespmem:v60+s11+$0x0], $0xffff  }
0x229: {  	v27 =	vor.u32 $0x284F, v0  }
0x22a: {  	v62 =	vor.u32 $0x384F, v0;
	_ =	sdelay $0x1  }
0x22b: {  	v63 =	vpop (erf)  }
0x22c: {  	s16 =	sadd.s32 $0x1, s16;
	v29 =	vadd.f32 v63, v26  }
0x22d: {  	p0 =	sne.s32 s16, s7;
	[tilespmem:v27+s23+$0x0] =	vst.idx.msk $0xffff, v26  }
.Ltmp1:
0x22e: {  	s5 =	rddreg [dreg:$0x8];
	s4 =	simm.s32 $0x0;
	[tilespmem:v62+s23+$0x0] =	vst.idx.msk $0xffff, v29;
	(pc) =	sbr.rel @p0 .LBB2_1-.Ltmp1, $4  }
0x22f: {  	[hbm4b:s5+s4] =	stream.linear.scatter [tilespmem:s23], [sflag:$0xD], $0x4000, $0x38;
	[tilespmem:$0x1C080] =	vst v63  }
0x230: {  	_ =	swait.ge [sflag:s8], $0x4000  }
0x231: {  	[sflag:s8] =	ssyncset.done $0x0  }
0x232: {  	[sflag:s8] =	ssyncadd.s32 $0xFFFFC000  }
0x233: {  	_ =	sfence.sel $0x180000  }
0x234: {  	[bflag:$0x0] =	sbarrier.arrive $0xFFFF  }
0x235: {  	_ =	strace $0x90000047  }
0x236: {  	s0 =	stileid.u32;
	[bflag:$0x2] =	sbarrier.arrive $0xFFFF  }
0x237: {  	p0 =	sne.s32 s0, $0x0;
	s0 =	rddreg [dreg:$0x4]  }
0x238: {  	s0 =	sadd.s32 @!p0 $0x100000, s0  }
0x239: {  	[sflag:s0] =	ssyncadd.tile.s32 @!p0 $0x1;
	_ =	shalt  }
.Lfunc_end2:
_tile_overlayer_lowered:
.L_overlay_start_2:
0x23a: {  	(tag) =	ssettag $0x2  }
0x23b: {  	s0 =	rddreg [dreg:$0x0];
	s2 =	stileid.u32  }
0x23c: {  	s1 =	rddreg [dreg:$0x1];
	p0 =	sne.s32 s2, $0x0  }
0x23d: {  	s3 =	rddreg [dreg:$0x2];
	[bflag:$0x3] =	sbarrier.arrive $0xFFFF;
	s2 =	simm.s32 @!p0 $0x1C0D  }
0x23e: {  	[timem:s3], [sflag:s2] =	dma.local @!p0 [hbm:s0], s1  }
0x23f: {  	s0 =	simm.s32 @!p0 $0xD  }
0x240: {  	_ =	swait.ge @!p0 [sflag:s0], s1  }
0x241: {  	s1 =	ssub.s32 @!p0 $0x0, s1;
	[sflag:s0] =	ssyncset.done @!p0 $0x0  }
0x242: {  	[sflag:s0] =	ssyncadd.s32 @!p0 s1  }
0x243: {  	[bflag:$0x3] =	sbarrier.arrive $0xFFFF  }
0x244: {  	_ =	shalt  }

</sc_bundles>
